<compile_context>
chip_gen: v7x
topology: tpu7x:2x2x1
jax: 0.10.2.dev20260603
libtpu: 0.0.44.dev20260713+nightly
codegen_flags: <defaults>
</compile_context>

<pallas_src>
import functools

import jax
import jax.numpy as jnp
from jax import lax
from jax.experimental import pallas as pl
from jax.experimental.pallas import tpu as pltpu
from jax.experimental.pallas import tpu_sc as plsc

B, H, W, C = 8, 224, 224, 96
HW = H * W
NC, NS, L = 2, 16, 16
NW = NC * NS
PER_W = (B * HW) // NW
T = 128
TILES = PER_W // T
NSUB = T // L
CCH = C // L


def _sc_body(tp_hbm, grid_hbm, imgs_hbm, out_hbm,
             tp_v, grid_v, idx0, idx1, w0, w1,
             ga0, gb0, gc0, gd0, ga1, gb1, gc1, gd1, obuf, s0, s1):
    wid = lax.axis_index("s") * NC + lax.axis_index("c")
    b = wid // (NW // B)
    q = wid % (NW // B)
    pix0 = q * PER_W
    row0 = b * HW + pix0

    pltpu.sync_copy(tp_hbm.at[b], tp_v)
    pltpu.sync_copy(grid_hbm, grid_v)
    rowoff = b * HW

    gset0 = (ga0, gb0, gc0, gd0)
    gset1 = (ga1, gb1, gc1, gd1)

    def compute_idx(t, idx_v, w_v):
        pstart = pix0 + t * T

        def sub(j, _):
            t00 = tp_v[0, :]
            t01 = tp_v[1, :]
            t02 = tp_v[2, :]
            t10 = tp_v[3, :]
            t11 = tp_v[4, :]
            t12 = tp_v[5, :]
            lane = lax.iota(jnp.int32, L)
            p = pstart + j * L + lane
            py = p // W
            px = p % W
            xt = plsc.load_gather(grid_v, [jnp.full((L,), 0, jnp.int32), px])
            yt = plsc.load_gather(grid_v, [jnp.full((L,), 1, jnp.int32), py])
            x = (t00 * xt + t01 * yt + t02 + 1.0) * (W * 0.5)
            y = (t10 * xt + t11 * yt + t12 + 1.0) * (H * 0.5)
            xf = x.astype(jnp.int32).astype(jnp.float32)
            x0f = jnp.where(xf > x, xf - 1.0, xf)
            yf = y.astype(jnp.int32).astype(jnp.float32)
            y0f = jnp.where(yf > y, yf - 1.0, yf)
            x0c = jnp.clip(x0f, 0.0, W - 1.0)
            x1c = jnp.clip(x0f + 1.0, 0.0, W - 1.0)
            y0c = jnp.clip(y0f, 0.0, H - 1.0)
            y1c = jnp.clip(y0f + 1.0, 0.0, H - 1.0)
            wa = (y1c - y) * (x1c - x)
            wb = (y1c - y) * (x - x0c)
            wc = (y - y0c) * (x1c - x)
            wd = (y - y0c) * (x - x0c)
            x0i = x0c.astype(jnp.int32)
            x1i = x1c.astype(jnp.int32)
            y0i = y0c.astype(jnp.int32)
            y1i = y1c.astype(jnp.int32)
            sl = pl.ds(j * L, L)
            idx_v[0, sl] = rowoff + y0i * W + x0i
            idx_v[1, sl] = rowoff + y0i * W + x1i
            idx_v[2, sl] = rowoff + y1i * W + x0i
            idx_v[3, sl] = rowoff + y1i * W + x1i
            w_v[0, sl] = wa
            w_v[1, sl] = wb
            w_v[2, sl] = wc
            w_v[3, sl] = wd
            return _

        lax.fori_loop(0, NSUB, sub, None)

    def fire(idx_v, gset, sem):
        for k in range(4):
            pltpu.async_copy(imgs_hbm.at[idx_v.at[k]], gset[k], sem)

    def drain(gset, sem):
        for k in range(4):
            pltpu.make_async_copy(imgs_hbm.at[pl.ds(0, T)], gset[k], sem).wait()

    def combine_write(t, w_v, gset):
        ga, gb, gc, gd = gset

        def row(r, _):
            ri = jnp.full((L,), r, jnp.int32)
            wav = plsc.load_gather(w_v, [jnp.full((L,), 0, jnp.int32), ri])
            wbv = plsc.load_gather(w_v, [jnp.full((L,), 1, jnp.int32), ri])
            wcv = plsc.load_gather(w_v, [jnp.full((L,), 2, jnp.int32), ri])
            wdv = plsc.load_gather(w_v, [jnp.full((L,), 3, jnp.int32), ri])
            for cc in range(CCH):
                s2 = pl.ds(cc * L, L)
                obuf[r, s2] = (wav * ga[r, s2] + wbv * gb[r, s2]
                               + wcv * gc[r, s2] + wdv * gd[r, s2])
            return _

        lax.fori_loop(0, T, row, None)
        pltpu.sync_copy(obuf, out_hbm.at[pl.ds(row0 + t * T, T)])

    compute_idx(0, idx0, w0)
    fire(idx0, gset0, s0)

    def pair(jj, _):
        t0 = jj * 2
        compute_idx(t0 + 1, idx1, w1)
        fire(idx1, gset1, s1)
        drain(gset0, s0)
        combine_write(t0, w0, gset0)
        tn = jnp.minimum(t0 + 2, TILES - 1)
        compute_idx(tn, idx0, w0)
        fire(idx0, gset0, s0)
        drain(gset1, s1)
        combine_write(t0 + 1, w1, gset1)
        return _

    lax.fori_loop(0, TILES // 2, pair, None)
    drain(gset0, s0)


@jax.jit
def kernel(local, imgs):
    u = lax.bitcast_convert_type(local.astype(jnp.float32), jnp.int32)
    r = u + 0x7FFF + ((u >> 16) & 1)
    local_bf = lax.bitcast_convert_type(r & ~0xFFFF, jnp.float32)
    tp = jnp.broadcast_to(
        local_bf.reshape(B, 6)[:, :, None], (B, 6, L)).astype(jnp.float32)
    grid = jnp.stack([
        jnp.linspace(-1.0, 1.0, W), jnp.linspace(-1.0, 1.0, H),
    ]).astype(jnp.bfloat16).astype(jnp.float32)
    imgs_flat = imgs.reshape(B * HW, C)
    sck = pl.kernel(
        _sc_body,
        out_type=jax.ShapeDtypeStruct((B * HW, C), jnp.float32),
        mesh=plsc.VectorSubcoreMesh(core_axis_name="c", subcore_axis_name="s"),
        compiler_params=pltpu.CompilerParams(
            use_tc_tiling_on_sc=False, needs_layout_passes=False),
        scratch_types=[
            pltpu.VMEM((6, L), jnp.float32),
            pltpu.VMEM((2, W), jnp.float32),
            pltpu.VMEM((4, T), jnp.int32),
            pltpu.VMEM((4, T), jnp.int32),
            pltpu.VMEM((4, T), jnp.float32),
            pltpu.VMEM((4, T), jnp.float32),
            pltpu.VMEM((T, C), jnp.float32),
            pltpu.VMEM((T, C), jnp.float32),
            pltpu.VMEM((T, C), jnp.float32),
            pltpu.VMEM((T, C), jnp.float32),
            pltpu.VMEM((T, C), jnp.float32),
            pltpu.VMEM((T, C), jnp.float32),
            pltpu.VMEM((T, C), jnp.float32),
            pltpu.VMEM((T, C), jnp.float32),
            pltpu.VMEM((T, C), jnp.float32),
            pltpu.SemaphoreType.DMA,
            pltpu.SemaphoreType.DMA,
        ],
    )
    out = sck(tp, grid, imgs_flat)
    return out.reshape(B, H, W, C)

# --- scband reference (transcript-rebuilt; emitter-appended) ---
"""Pipeline reference for scband-spatial-transformer-65506841199045 (READ-ONLY COPY).

The authoritative reference and input builder live on the scoring server;
editing this copy changes nothing except your own understanding.
"""

import jax, jax.numpy as jnp
import numpy as np

B, H, W, C = 8, 224, 224, 96

def setup_inputs(seed: int = 0) -> dict:
    key = jax.random.key(seed)
    k1, k2 = jax.random.split(key)
    local = jax.random.normal(k1, (B, 6), dtype=jnp.float32)
    imgs = jax.random.normal(k2, (B, H, W, C), dtype=jnp.float32)
    return {"local": local, "imgs": imgs}

def reference(local, imgs):
    b, h, w, c = imgs.shape
    x_t, y_t = jnp.meshgrid(jnp.linspace(-1.0, 1.0, w), jnp.linspace(-1.0, 1.0, h))
    sampling_grid = jnp.stack([
        x_t.reshape(h * w),
        y_t.reshape(h * w),
        jnp.ones(h * w, dtype=jnp.float32),
    ])  # [3, H*W]
    transforms = local.reshape(-1, 2, 3)
    samples = jnp.matmul(transforms, sampling_grid)  # [B, 2, H*W]
    x = (samples[:, 0] + 1.0) * w * 0.5
    y = (samples[:, 1] + 1.0) * h * 0.5
    x0 = jnp.floor(x)
    x1 = x0 + 1.0
    y0 = jnp.floor(y)
    y1 = y0 + 1.0
    x0 = jnp.clip(x0, 0.0, w - 1)
    x1 = jnp.clip(x1, 0.0, w - 1)
    y0 = jnp.clip(y0, 0.0, h - 1)
    y1 = jnp.clip(y1, 0.0, h - 1)
    wa = ((y1 - y) * (x1 - x))[..., None]
    wb = ((y1 - y) * (x - x0))[..., None]
    wc = ((y - y0) * (x1 - x))[..., None]
    wd = ((y - y0) * (x - x0))[..., None]
    x0i = x0.astype(jnp.int32)
    x1i = x1.astype(jnp.int32)
    y0i = y0.astype(jnp.int32)
    y1i = y1.astype(jnp.int32)
    imgs_flat = imgs.reshape(b, h * w, c)
    def gather(yi, xi):
        idx = yi * w + xi  # [B, H*W]
        return jnp.take_along_axis(imgs_flat, idx[..., None], axis=1)  # [B, H*W, C]
    Ia = gather(y0i, x0i)
    Ib = gather(y0i, x1i)
    Ic = gather(y1i, x0i)
    Id = gather(y1i, x1i)
    out = (wa * Ia + wb * Ib + wc * Ic + wd * Id).reshape(-1, h, w, c)
    return out

if __name__ == "__main__":
    import jax
    _d = setup_inputs()
    print(jax.jit(kernel)(*tuple(_d.values())))

</pallas_src>

<mosaic_0001>
#map = affine_map<(d0, d1) -> (0, 0, 0)>
#map1 = affine_map<(d0, d1) -> (0, 0)>
module attributes {stable_mosaic.version = 14 : i64} {
  func.func @_sc_body(%arg0: i32, %arg1: i32, %arg2: memref<8x6x16xf32, #tpu.memory_space<hbm>>, %arg3: memref<2x224xf32, #tpu.memory_space<hbm>>, %arg4: memref<401408x96xf32, #tpu.memory_space<hbm>>, %arg5: memref<401408x96xf32, #tpu.memory_space<hbm>>, %arg6: memref<6x16xf32, #tpu.memory_space<vmem>>, %arg7: memref<2x224xf32, #tpu.memory_space<vmem>>, %arg8: memref<4x128xi32, #tpu.memory_space<vmem>>, %arg9: memref<4x128xi32, #tpu.memory_space<vmem>>, %arg10: memref<4x128xf32, #tpu.memory_space<vmem>>, %arg11: memref<4x128xf32, #tpu.memory_space<vmem>>, %arg12: memref<128x96xf32, #tpu.memory_space<vmem>>, %arg13: memref<128x96xf32, #tpu.memory_space<vmem>>, %arg14: memref<128x96xf32, #tpu.memory_space<vmem>>, %arg15: memref<128x96xf32, #tpu.memory_space<vmem>>, %arg16: memref<128x96xf32, #tpu.memory_space<vmem>>, %arg17: memref<128x96xf32, #tpu.memory_space<vmem>>, %arg18: memref<128x96xf32, #tpu.memory_space<vmem>>, %arg19: memref<128x96xf32, #tpu.memory_space<vmem>>, %arg20: memref<128x96xf32, #tpu.memory_space<vmem>>, %arg21: memref<!tpu.dma_semaphore, #tpu.memory_space<semaphore_mem>>, %arg22: memref<!tpu.dma_semaphore, #tpu.memory_space<semaphore_mem>>) attributes {dimension_semantics = [#tpu.dimension_semantics<core_parallel>, #tpu.dimension_semantics<subcore_parallel>], iteration_bounds = array<i64: 2, 16>, scalar_prefetch = 0 : i64, scratch_operands = 17 : i64, tpu.core_type = #tpu.core_type<sc_vector_subcore>, window_params = [{transform_indices = #map}, {transform_indices = #map1}, {transform_indices = #map1}, {transform_indices = #map1}]} {
    %mul3A = arith.constant 2 : i32
    %mul3A_0 = arith.muli %arg1, %mul3A : i32
    %add3A = arith.addi %mul3A_0, %arg0 : i32
    %jit3A = arith.constant 4 : i32
    %div3A = arith.divsi %add3A, %jit3A : i32
    %sign3A = arith.constant 0 : i32
    %sign3A_1 = arith.cmpi sgt, %add3A, %sign3A : i32
    %sign3A_2 = arith.extui %sign3A_1 : i1 to i32
    %sign3A_3 = arith.constant 0 : i32
    %sign3A_4 = arith.cmpi slt, %add3A, %sign3A_3 : i32
    %sign3A_5 = arith.extui %sign3A_4 : i1 to i32
    %sign3A_6 = arith.subi %sign3A_2, %sign3A_5 : i32
    %sign3A_7 = arith.constant 0 : i32
    %sign3A_8 = arith.cmpi sgt, %jit3A, %sign3A_7 : i32
    %sign3A_9 = arith.extui %sign3A_8 : i1 to i32
    %sign3A_10 = arith.constant 0 : i32
    %sign3A_11 = arith.cmpi slt, %jit3A, %sign3A_10 : i32
    %sign3A_12 = arith.extui %sign3A_11 : i1 to i32
    %sign3A_13 = arith.subi %sign3A_9, %sign3A_12 : i32
    %ne3A = arith.cmpi ne, %sign3A_6, %sign3A_13 : i32
    %rem3A = arith.remsi %add3A, %jit3A : i32
    %ne3A_14 = arith.constant 0 : i32
    %ne3A_15 = arith.cmpi ne, %rem3A, %ne3A_14 : i32
    %and3A = arith.andi %ne3A, %ne3A_15 : i1
    %sub3A = arith.constant 1 : i32
    %sub3A_16 = arith.subi %div3A, %sub3A : i32
    %select_n3A = arith.select %and3A, %sub3A_16, %div3A : i32
    %jit3A_17 = arith.constant 4 : i32
    %eq3A = arith.constant 0 : i32
    %eq3A_18 = arith.cmpi eq, %jit3A_17, %eq3A : i32
    %jit3A_19 = arith.constant 1 : i32
    %select_n3A_20 = arith.select %eq3A_18, %jit3A_19, %jit3A_17 : i32
    %rem3A_21 = arith.remsi %add3A, %select_n3A_20 : i32
    %ne3A_22 = arith.constant 0 : i32
    %ne3A_23 = arith.cmpi ne, %rem3A_21, %ne3A_22 : i32
    %lt3A = arith.constant 0 : i32
    %lt3A_24 = arith.cmpi slt, %rem3A_21, %lt3A : i32
    %lt3A_25 = arith.constant 0 : i32
    %lt3A_26 = arith.cmpi slt, %select_n3A_20, %lt3A_25 : i32
    %ne3A_27 = arith.xori %lt3A_24, %lt3A_26 : i1
    %and3A_28 = arith.andi %ne3A_27, %ne3A_23 : i1
    %add3A_29 = arith.addi %rem3A_21, %select_n3A_20 : i32
    %select_n3A_30 = arith.select %and3A_28, %add3A_29, %rem3A_21 : i32
    %mul3A_31 = arith.constant 12544 : i32
    %mul3A_32 = arith.muli %select_n3A_30, %mul3A_31 : i32
    %mul3A_33 = arith.constant 50176 : i32
    %mul3A_34 = arith.muli %select_n3A, %mul3A_33 : i32
    %add3A_35 = arith.addi %mul3A_34, %mul3A_32 : i32
    "tpu.region"() ({
      %run_scoped3A = tpu.sem_alloc : memref<!tpu.dma_semaphore, #tpu.memory_space<semaphore_mem>>
      %dma_start3A_99 = arith.constant 0 : i32
      %dma_start3A_100 = arith.constant 0 : i32
      %dma_start3A_101 = tpu.memref_slice %arg2[%select_n3A, %dma_start3A_99, %dma_start3A_100] : memref<8x6x16xf32, #tpu.memory_space<hbm>> -> memref<1x6x16xf32, #tpu.memory_space<hbm>>
      %dma_start3A_102 = tpu.memref_squeeze %dma_start3A_101 : memref<1x6x16xf32, #tpu.memory_space<hbm>> -> memref<6x16xf32, #tpu.memory_space<hbm>>
      %dma_start3A_103 = arith.constant 0 : i32
      %dma_start3A_104 = arith.constant 0 : i32
      %dma_start3A_105 = tpu.memref_slice %arg2[%select_n3A, %dma_start3A_103, %dma_start3A_104] : memref<8x6x16xf32, #tpu.memory_space<hbm>> -> memref<1x6x16xf32, #tpu.memory_space<hbm>>
      %dma_start3A_106 = tpu.memref_squeeze %dma_start3A_105 : memref<1x6x16xf32, #tpu.memory_space<hbm>> -> memref<6x16xf32, #tpu.memory_space<hbm>>
      tpu.enqueue_dma source(%dma_start3A_106 : memref<6x16xf32, #tpu.memory_space<hbm>>) target(%arg6 : memref<6x16xf32, #tpu.memory_space<vmem>>) target_semaphore(%run_scoped3A : memref<!tpu.dma_semaphore, #tpu.memory_space<semaphore_mem>>)
      %dma_wait3A_107 = arith.constant 0 : i32
      %dma_wait3A_108 = arith.constant 0 : i32
      %dma_wait3A_109 = tpu.memref_slice %arg2[%select_n3A, %dma_wait3A_107, %dma_wait3A_108] : memref<8x6x16xf32, #tpu.memory_space<hbm>> -> memref<1x6x16xf32, #tpu.memory_space<hbm>>
      %dma_wait3A_110 = tpu.memref_squeeze %dma_wait3A_109 : memref<1x6x16xf32, #tpu.memory_space<hbm>> -> memref<6x16xf32, #tpu.memory_space<hbm>>
      %dma_wait3A_111 = arith.constant 0 : i32
      %dma_wait3A_112 = arith.constant 0 : i32
      %dma_wait3A_113 = tpu.memref_slice %arg2[%select_n3A, %dma_wait3A_111, %dma_wait3A_112] : memref<8x6x16xf32, #tpu.memory_space<hbm>> -> memref<1x6x16xf32, #tpu.memory_space<hbm>>
      %dma_wait3A_114 = tpu.memref_squeeze %dma_wait3A_113 : memref<1x6x16xf32, #tpu.memory_space<hbm>> -> memref<6x16xf32, #tpu.memory_space<hbm>>
      tpu.wait_dma2 semaphore(%run_scoped3A : memref<!tpu.dma_semaphore, #tpu.memory_space<semaphore_mem>>) src(%dma_wait3A_114 : memref<6x16xf32, #tpu.memory_space<hbm>>) dst(%arg6 : memref<6x16xf32, #tpu.memory_space<vmem>>)
      tpu.yield
    }) : () -> ()
    "tpu.region"() ({
      %run_scoped3A = tpu.sem_alloc : memref<!tpu.dma_semaphore, #tpu.memory_space<semaphore_mem>>
      tpu.enqueue_dma source(%arg3 : memref<2x224xf32, #tpu.memory_space<hbm>>) target(%arg7 : memref<2x224xf32, #tpu.memory_space<vmem>>) target_semaphore(%run_scoped3A : memref<!tpu.dma_semaphore, #tpu.memory_space<semaphore_mem>>)
      tpu.wait_dma2 semaphore(%run_scoped3A : memref<!tpu.dma_semaphore, #tpu.memory_space<semaphore_mem>>) src(%arg3 : memref<2x224xf32, #tpu.memory_space<hbm>>) dst(%arg7 : memref<2x224xf32, #tpu.memory_space<vmem>>)
      tpu.yield
    }) : () -> ()
    %mul3A_36 = arith.constant 50176 : i32
    %mul3A_37 = arith.muli %select_n3A, %mul3A_36 : i32
    %add3A_38 = arith.constant 0 : i32
    %add3A_39 = arith.addi %mul3A_32, %add3A_38 : i32
    %scan3A = arith.constant 0 : i32
    %scan3A_40 = arith.constant 8 : i32
    %scan3A_41 = arith.addi %scan3A, %scan3A_40 : i32
    %scan3A_42 = arith.constant 1 : i32
    scf.for %scan3A_99 = %scan3A to %scan3A_41 step %scan3A_42  : i32 {
      %get3A = arith.constant 0 : i32
      %get3A_100 = arith.index_cast %get3A : i32 to index
      %get3A_101 = arith.constant 0 : index
      %get3A_102 = tpu.vector_load %arg6[%get3A_100, %get3A_101] {strides = array<i32>} : memref<6x16xf32, #tpu.memory_space<vmem>>, vector<16xf32>,
      %get3A_103 = arith.constant 1 : i32
      %get3A_104 = arith.index_cast %get3A_103 : i32 to index
      %get3A_105 = arith.constant 0 : index
      %get3A_106 = tpu.vector_load %arg6[%get3A_104, %get3A_105] {strides = array<i32>} : memref<6x16xf32, #tpu.memory_space<vmem>>, vector<16xf32>,
      %get3A_107 = arith.constant 2 : i32
      %get3A_108 = arith.index_cast %get3A_107 : i32 to index
      %get3A_109 = arith.constant 0 : index
      %get3A_110 = tpu.vector_load %arg6[%get3A_108, %get3A_109] {strides = array<i32>} : memref<6x16xf32, #tpu.memory_space<vmem>>, vector<16xf32>,
      %get3A_111 = arith.constant 3 : i32
      %get3A_112 = arith.index_cast %get3A_111 : i32 to index
      %get3A_113 = arith.constant 0 : index
      %get3A_114 = tpu.vector_load %arg6[%get3A_112, %get3A_113] {strides = array<i32>} : memref<6x16xf32, #tpu.memory_space<vmem>>, vector<16xf32>,
      %get3A_115 = arith.constant 4 : i32
      %get3A_116 = arith.index_cast %get3A_115 : i32 to index
      %get3A_117 = arith.constant 0 : index
      %get3A_118 = tpu.vector_load %arg6[%get3A_116, %get3A_117] {strides = array<i32>} : memref<6x16xf32, #tpu.memory_space<vmem>>, vector<16xf32>,
      %get3A_119 = arith.constant 5 : i32
      %get3A_120 = arith.index_cast %get3A_119 : i32 to index
      %get3A_121 = arith.constant 0 : index
      %get3A_122 = tpu.vector_load %arg6[%get3A_120, %get3A_121] {strides = array<i32>} : memref<6x16xf32, #tpu.memory_space<vmem>>, vector<16xf32>,
      %iota3A = tpu.iota {dimensions = array<i32: 0>} : vector<16xi32>
      %mul3A_123 = arith.constant 16 : i32
      %mul3A_124 = arith.muli %scan3A_99, %mul3A_123 : i32
      %add3A_125 = arith.addi %add3A_39, %mul3A_124 : i32
      %add3A_126 = vector.broadcast %add3A_125 : i32 to vector<16xi32>
      %add3A_127 = arith.addi %add3A_126, %iota3A : vector<16xi32>
      %jit3A_128 = arith.constant 224 : i32
      %div3A_129 = vector.broadcast %jit3A_128 : i32 to vector<16xi32>
      %div3A_130 = arith.divsi %add3A_127, %div3A_129 : vector<16xi32>
      %sign3A_131 = arith.constant 0 : i32
      %sign3A_132 = vector.broadcast %sign3A_131 : i32 to vector<16xi32>
      %sign3A_133 = arith.cmpi sgt, %add3A_127, %sign3A_132 : vector<16xi32>
      %sign3A_134 = arith.extui %sign3A_133 : vector<16xi1> to vector<16xi32>
      %sign3A_135 = arith.constant 0 : i32
      %sign3A_136 = vector.broadcast %sign3A_135 : i32 to vector<16xi32>
      %sign3A_137 = arith.cmpi slt, %add3A_127, %sign3A_136 : vector<16xi32>
      %sign3A_138 = arith.extui %sign3A_137 : vector<16xi1> to vector<16xi32>
      %sign3A_139 = arith.subi %sign3A_134, %sign3A_138 : vector<16xi32>
      %sign3A_140 = arith.constant 0 : i32
      %sign3A_141 = arith.cmpi sgt, %jit3A_128, %sign3A_140 : i32
      %sign3A_142 = arith.extui %sign3A_141 : i1 to i32
      %sign3A_143 = arith.constant 0 : i32
      %sign3A_144 = arith.cmpi slt, %jit3A_128, %sign3A_143 : i32
      %sign3A_145 = arith.extui %sign3A_144 : i1 to i32
      %sign3A_146 = arith.subi %sign3A_142, %sign3A_145 : i32
      %ne3A_147 = vector.broadcast %sign3A_146 : i32 to vector<16xi32>
      %ne3A_148 = arith.cmpi ne, %sign3A_139, %ne3A_147 : vector<16xi32>
      %rem3A_149 = vector.broadcast %jit3A_128 : i32 to vector<16xi32>
      %rem3A_150 = arith.remsi %add3A_127, %rem3A_149 : vector<16xi32>
      %ne3A_151 = arith.constant 0 : i32
      %ne3A_152 = vector.broadcast %ne3A_151 : i32 to vector<16xi32>
      %ne3A_153 = arith.cmpi ne, %rem3A_150, %ne3A_152 : vector<16xi32>
      %and3A_154 = arith.andi %ne3A_148, %ne3A_153 : vector<16xi1>
      %sub3A_155 = arith.constant 1 : i32
      %sub3A_156 = vector.broadcast %sub3A_155 : i32 to vector<16xi32>
      %sub3A_157 = arith.subi %div3A_130, %sub3A_156 : vector<16xi32>
      %select_n3A_158 = arith.select %and3A_154, %sub3A_157, %div3A_130 : vector<16xi1>, vector<16xi32>
      %jit3A_159 = arith.constant 224 : i32
      %eq3A_160 = arith.constant 0 : i32
      %eq3A_161 = arith.cmpi eq, %jit3A_159, %eq3A_160 : i32
      %jit3A_162 = arith.constant 1 : i32
      %select_n3A_163 = arith.select %eq3A_161, %jit3A_162, %jit3A_159 : i32
      %rem3A_164 = vector.broadcast %select_n3A_163 : i32 to vector<16xi32>
      %rem3A_165 = arith.remsi %add3A_127, %rem3A_164 : vector<16xi32>
      %ne3A_166 = arith.constant 0 : i32
      %ne3A_167 = vector.broadcast %ne3A_166 : i32 to vector<16xi32>
      %ne3A_168 = arith.cmpi ne, %rem3A_165, %ne3A_167 : vector<16xi32>
      %lt3A_169 = arith.constant 0 : i32
      %lt3A_170 = vector.broadcast %lt3A_169 : i32 to vector<16xi32>
      %lt3A_171 = arith.cmpi slt, %rem3A_165, %lt3A_170 : vector<16xi32>
      %lt3A_172 = arith.constant 0 : i32
      %lt3A_173 = arith.cmpi slt, %select_n3A_163, %lt3A_172 : i32
      %ne3A_174 = vector.broadcast %lt3A_173 : i1 to vector<16xi1>
      %ne3A_175 = vector.broadcast %ne3A_174 : vector<16xi1> to vector<16xi1>
      %ne3A_176 = arith.xori %lt3A_171, %ne3A_175 : vector<16xi1>
      %and3A_177 = arith.andi %ne3A_176, %ne3A_168 : vector<16xi1>
      %add3A_178 = vector.broadcast %select_n3A_163 : i32 to vector<16xi32>
      %add3A_179 = arith.addi %rem3A_165, %add3A_178 : vector<16xi32>
      %select_n3A_180 = arith.select %and3A_177, %add3A_179, %rem3A_165 : vector<16xi1>, vector<16xi32>
      %broadcast_in_dim3A = arith.constant 0 : i32
      %broadcast_in_dim3A_181 = vector.broadcast %broadcast_in_dim3A : i32 to vector<16xi32>
      %gather3A = tpu.vector_load_idx %arg7[%broadcast_in_dim3A_181, %select_n3A_180] : memref<2x224xf32, #tpu.memory_space<vmem>>[vector<16xi32>, vector<16xi32>], vector<16xf32>,
      %broadcast_in_dim3A_182 = arith.constant 1 : i32
      %broadcast_in_dim3A_183 = vector.broadcast %broadcast_in_dim3A_182 : i32 to vector<16xi32>
      %gather3A_184 = tpu.vector_load_idx %arg7[%broadcast_in_dim3A_183, %select_n3A_158] : memref<2x224xf32, #tpu.memory_space<vmem>>[vector<16xi32>, vector<16xi32>], vector<16xf32>,
      %mul3A_185 = arith.mulf %get3A_102, %gather3A : vector<16xf32>
      %mul3A_186 = arith.mulf %get3A_106, %gather3A_184 : vector<16xf32>
      %add3A_187 = arith.addf %mul3A_185, %mul3A_186 : vector<16xf32>
      %add3A_188 = arith.addf %add3A_187, %get3A_110 : vector<16xf32>
      %add3A_189 = arith.constant 1.000000e+00 : f32
      %add3A_190 = vector.broadcast %add3A_189 : f32 to vector<16xf32>
      %add3A_191 = arith.addf %add3A_188, %add3A_190 : vector<16xf32>
      %mul3A_192 = arith.constant 1.120000e+02 : f32
      %mul3A_193 = vector.broadcast %mul3A_192 : f32 to vector<16xf32>
      %mul3A_194 = arith.mulf %add3A_191, %mul3A_193 : vector<16xf32>
      %mul3A_195 = arith.mulf %get3A_114, %gather3A : vector<16xf32>
      %mul3A_196 = arith.mulf %get3A_118, %gather3A_184 : vector<16xf32>
      %add3A_197 = arith.addf %mul3A_195, %mul3A_196 : vector<16xf32>
      %add3A_198 = arith.addf %add3A_197, %get3A_122 : vector<16xf32>
      %add3A_199 = arith.constant 1.000000e+00 : f32
      %add3A_200 = vector.broadcast %add3A_199 : f32 to vector<16xf32>
      %add3A_201 = arith.addf %add3A_198, %add3A_200 : vector<16xf32>
      %mul3A_202 = arith.constant 1.120000e+02 : f32
      %mul3A_203 = vector.broadcast %mul3A_202 : f32 to vector<16xf32>
      %mul3A_204 = arith.mulf %add3A_201, %mul3A_203 : vector<16xf32>
      %convert_element_type3A = arith.fptosi %mul3A_194 : vector<16xf32> to vector<16xi32>
      %convert_element_type3A_205 = arith.sitofp %convert_element_type3A : vector<16xi32> to vector<16xf32>
      %gt3A = arith.cmpf ogt, %convert_element_type3A_205, %mul3A_194 : vector<16xf32>
      %sub3A_206 = arith.constant 1.000000e+00 : f32
      %sub3A_207 = vector.broadcast %sub3A_206 : f32 to vector<16xf32>
      %sub3A_208 = arith.subf %convert_element_type3A_205, %sub3A_207 : vector<16xf32>
      %select_n3A_209 = arith.select %gt3A, %sub3A_208, %convert_element_type3A_205 : vector<16xi1>, vector<16xf32>
      %convert_element_type3A_210 = arith.fptosi %mul3A_204 : vector<16xf32> to vector<16xi32>
      %convert_element_type3A_211 = arith.sitofp %convert_element_type3A_210 : vector<16xi32> to vector<16xf32>
      %gt3A_212 = arith.cmpf ogt, %convert_element_type3A_211, %mul3A_204 : vector<16xf32>
      %sub3A_213 = arith.constant 1.000000e+00 : f32
      %sub3A_214 = vector.broadcast %sub3A_213 : f32 to vector<16xf32>
      %sub3A_215 = arith.subf %convert_element_type3A_211, %sub3A_214 : vector<16xf32>
      %select_n3A_216 = arith.select %gt3A_212, %sub3A_215, %convert_element_type3A_211 : vector<16xi1>, vector<16xf32>
      %jit3A_217 = arith.constant 0.000000e+00 : f32
      %jit3A_218 = arith.constant 2.230000e+02 : f32
      %max3A = vector.broadcast %jit3A_217 : f32 to vector<16xf32>
      %max3A_219 = arith.maximumf %max3A, %select_n3A_209 : vector<16xf32>
      %min3A = vector.broadcast %jit3A_218 : f32 to vector<16xf32>
      %min3A_220 = arith.minimumf %min3A, %max3A_219 : vector<16xf32>
      %add3A_221 = arith.constant 1.000000e+00 : f32
      %add3A_222 = vector.broadcast %add3A_221 : f32 to vector<16xf32>
      %add3A_223 = arith.addf %select_n3A_209, %add3A_222 : vector<16xf32>
      %jit3A_224 = arith.constant 0.000000e+00 : f32
      %jit3A_225 = arith.constant 2.230000e+02 : f32
      %max3A_226 = vector.broadcast %jit3A_224 : f32 to vector<16xf32>
      %max3A_227 = arith.maximumf %max3A_226, %add3A_223 : vector<16xf32>
      %min3A_228 = vector.broadcast %jit3A_225 : f32 to vector<16xf32>
      %min3A_229 = arith.minimumf %min3A_228, %max3A_227 : vector<16xf32>
      %jit3A_230 = arith.constant 0.000000e+00 : f32
      %jit3A_231 = arith.constant 2.230000e+02 : f32
      %max3A_232 = vector.broadcast %jit3A_230 : f32 to vector<16xf32>
      %max3A_233 = arith.maximumf %max3A_232, %select_n3A_216 : vector<16xf32>
      %min3A_234 = vector.broadcast %jit3A_231 : f32 to vector<16xf32>
      %min3A_235 = arith.minimumf %min3A_234, %max3A_233 : vector<16xf32>
      %add3A_236 = arith.constant 1.000000e+00 : f32
      %add3A_237 = vector.broadcast %add3A_236 : f32 to vector<16xf32>
      %add3A_238 = arith.addf %select_n3A_216, %add3A_237 : vector<16xf32>
      %jit3A_239 = arith.constant 0.000000e+00 : f32
      %jit3A_240 = arith.constant 2.230000e+02 : f32
      %max3A_241 = vector.broadcast %jit3A_239 : f32 to vector<16xf32>
      %max3A_242 = arith.maximumf %max3A_241, %add3A_238 : vector<16xf32>
      %min3A_243 = vector.broadcast %jit3A_240 : f32 to vector<16xf32>
      %min3A_244 = arith.minimumf %min3A_243, %max3A_242 : vector<16xf32>
      %sub3A_245 = arith.subf %min3A_244, %mul3A_204 : vector<16xf32>
      %sub3A_246 = arith.subf %min3A_229, %mul3A_194 : vector<16xf32>
      %mul3A_247 = arith.mulf %sub3A_245, %sub3A_246 : vector<16xf32>
      %sub3A_248 = arith.subf %min3A_244, %mul3A_204 : vector<16xf32>
      %sub3A_249 = arith.subf %mul3A_194, %min3A_220 : vector<16xf32>
      %mul3A_250 = arith.mulf %sub3A_248, %sub3A_249 : vector<16xf32>
      %sub3A_251 = arith.subf %mul3A_204, %min3A_235 : vector<16xf32>
      %sub3A_252 = arith.subf %min3A_229, %mul3A_194 : vector<16xf32>
      %mul3A_253 = arith.mulf %sub3A_251, %sub3A_252 : vector<16xf32>
      %sub3A_254 = arith.subf %mul3A_204, %min3A_235 : vector<16xf32>
      %sub3A_255 = arith.subf %mul3A_194, %min3A_220 : vector<16xf32>
      %mul3A_256 = arith.mulf %sub3A_254, %sub3A_255 : vector<16xf32>
      %convert_element_type3A_257 = arith.fptosi %min3A_220 : vector<16xf32> to vector<16xi32>
      %convert_element_type3A_258 = arith.fptosi %min3A_229 : vector<16xf32> to vector<16xi32>
      %convert_element_type3A_259 = arith.fptosi %min3A_235 : vector<16xf32> to vector<16xi32>
      %convert_element_type3A_260 = arith.fptosi %min3A_244 : vector<16xf32> to vector<16xi32>
      %mul3A_261 = arith.constant 16 : i32
      %mul3A_262 = arith.muli %scan3A_99, %mul3A_261 : i32
      %mul3A_263 = arith.constant 224 : i32
      %mul3A_264 = vector.broadcast %mul3A_263 : i32 to vector<16xi32>
      %mul3A_265 = arith.muli %convert_element_type3A_259, %mul3A_264 : vector<16xi32>
      %add3A_266 = vector.broadcast %mul3A_37 : i32 to vector<16xi32>
      %add3A_267 = arith.addi %add3A_266, %mul3A_265 : vector<16xi32>
      %add3A_268 = arith.addi %add3A_267, %convert_element_type3A_257 : vector<16xi32>
      %swap3A = arith.constant 0 : i32
      %swap3A_269 = arith.index_cast %swap3A : i32 to index
      %swap3A_270 = arith.index_cast %mul3A_262 : i32 to index
      %swap3A_271 = tpu.vector_load %arg8[%swap3A_269, %swap3A_270] {strides = array<i32>} : memref<4x128xi32, #tpu.memory_space<vmem>>, vector<16xi32>,
      tpu.vector_store %arg8[%swap3A_269, %swap3A_270], %add3A_268 {strides = array<i32>} : memref<4x128xi32, #tpu.memory_space<vmem>>, vector<16xi32>,
      %mul3A_272 = arith.constant 224 : i32
      %mul3A_273 = vector.broadcast %mul3A_272 : i32 to vector<16xi32>
      %mul3A_274 = arith.muli %convert_element_type3A_259, %mul3A_273 : vector<16xi32>
      %add3A_275 = vector.broadcast %mul3A_37 : i32 to vector<16xi32>
      %add3A_276 = arith.addi %add3A_275, %mul3A_274 : vector<16xi32>
      %add3A_277 = arith.addi %add3A_276, %convert_element_type3A_258 : vector<16xi32>
      %swap3A_278 = arith.constant 1 : i32
      %swap3A_279 = arith.index_cast %swap3A_278 : i32 to index
      %swap3A_280 = arith.index_cast %mul3A_262 : i32 to index
      %swap3A_281 = tpu.vector_load %arg8[%swap3A_279, %swap3A_280] {strides = array<i32>} : memref<4x128xi32, #tpu.memory_space<vmem>>, vector<16xi32>,
      tpu.vector_store %arg8[%swap3A_279, %swap3A_280], %add3A_277 {strides = array<i32>} : memref<4x128xi32, #tpu.memory_space<vmem>>, vector<16xi32>,
      %mul3A_282 = arith.constant 224 : i32
      %mul3A_283 = vector.broadcast %mul3A_282 : i32 to vector<16xi32>
      %mul3A_284 = arith.muli %convert_element_type3A_260, %mul3A_283 : vector<16xi32>
      %add3A_285 = vector.broadcast %mul3A_37 : i32 to vector<16xi32>
      %add3A_286 = arith.addi %add3A_285, %mul3A_284 : vector<16xi32>
      %add3A_287 = arith.addi %add3A_286, %convert_element_type3A_257 : vector<16xi32>
      %swap3A_288 = arith.constant 2 : i32
      %swap3A_289 = arith.index_cast %swap3A_288 : i32 to index
      %swap3A_290 = arith.index_cast %mul3A_262 : i32 to index
      %swap3A_291 = tpu.vector_load %arg8[%swap3A_289, %swap3A_290] {strides = array<i32>} : memref<4x128xi32, #tpu.memory_space<vmem>>, vector<16xi32>,
      tpu.vector_store %arg8[%swap3A_289, %swap3A_290], %add3A_287 {strides = array<i32>} : memref<4x128xi32, #tpu.memory_space<vmem>>, vector<16xi32>,
      %mul3A_292 = arith.constant 224 : i32
      %mul3A_293 = vector.broadcast %mul3A_292 : i32 to vector<16xi32>
      %mul3A_294 = arith.muli %convert_element_type3A_260, %mul3A_293 : vector<16xi32>
      %add3A_295 = vector.broadcast %mul3A_37 : i32 to vector<16xi32>
      %add3A_296 = arith.addi %add3A_295, %mul3A_294 : vector<16xi32>
      %add3A_297 = arith.addi %add3A_296, %convert_element_type3A_258 : vector<16xi32>
      %swap3A_298 = arith.constant 3 : i32
      %swap3A_299 = arith.index_cast %swap3A_298 : i32 to index
      %swap3A_300 = arith.index_cast %mul3A_262 : i32 to index
      %swap3A_301 = tpu.vector_load %arg8[%swap3A_299, %swap3A_300] {strides = array<i32>} : memref<4x128xi32, #tpu.memory_space<vmem>>, vector<16xi32>,
      tpu.vector_store %arg8[%swap3A_299, %swap3A_300], %add3A_297 {strides = array<i32>} : memref<4x128xi32, #tpu.memory_space<vmem>>, vector<16xi32>,
      %swap3A_302 = arith.constant 0 : i32
      %swap3A_303 = arith.index_cast %swap3A_302 : i32 to index
      %swap3A_304 = arith.index_cast %mul3A_262 : i32 to index
      %swap3A_305 = tpu.vector_load %arg10[%swap3A_303, %swap3A_304] {strides = array<i32>} : memref<4x128xf32, #tpu.memory_space<vmem>>, vector<16xf32>,
      tpu.vector_store %arg10[%swap3A_303, %swap3A_304], %mul3A_247 {strides = array<i32>} : memref<4x128xf32, #tpu.memory_space<vmem>>, vector<16xf32>,
      %swap3A_306 = arith.constant 1 : i32
      %swap3A_307 = arith.index_cast %swap3A_306 : i32 to index
      %swap3A_308 = arith.index_cast %mul3A_262 : i32 to index
      %swap3A_309 = tpu.vector_load %arg10[%swap3A_307, %swap3A_308] {strides = array<i32>} : memref<4x128xf32, #tpu.memory_space<vmem>>, vector<16xf32>,
      tpu.vector_store %arg10[%swap3A_307, %swap3A_308], %mul3A_250 {strides = array<i32>} : memref<4x128xf32, #tpu.memory_space<vmem>>, vector<16xf32>,
      %swap3A_310 = arith.constant 2 : i32
      %swap3A_311 = arith.index_cast %swap3A_310 : i32 to index
      %swap3A_312 = arith.index_cast %mul3A_262 : i32 to index
      %swap3A_313 = tpu.vector_load %arg10[%swap3A_311, %swap3A_312] {strides = array<i32>} : memref<4x128xf32, #tpu.memory_space<vmem>>, vector<16xf32>,
      tpu.vector_store %arg10[%swap3A_311, %swap3A_312], %mul3A_253 {strides = array<i32>} : memref<4x128xf32, #tpu.memory_space<vmem>>, vector<16xf32>,
      %swap3A_314 = arith.constant 3 : i32
      %swap3A_315 = arith.index_cast %swap3A_314 : i32 to index
      %swap3A_316 = arith.index_cast %mul3A_262 : i32 to index
      %swap3A_317 = tpu.vector_load %arg10[%swap3A_315, %swap3A_316] {strides = array<i32>} : memref<4x128xf32, #tpu.memory_space<vmem>>, vector<16xf32>,
      tpu.vector_store %arg10[%swap3A_315, %swap3A_316], %mul3A_256 {strides = array<i32>} : memref<4x128xf32, #tpu.memory_space<vmem>>, vector<16xf32>,
    }
    %scan3A_43 = arith.constant 8 : i32
    %dma_start3A = arith.constant 0 : i32
    %dma_start3A_44 = arith.constant 0 : i32
    %dma_start3A_45 = tpu.memref_slice %arg8[%dma_start3A, %dma_start3A_44] : memref<4x128xi32, #tpu.memory_space<vmem>> -> memref<1x128xi32, #tpu.memory_space<vmem>>
    %dma_start3A_46 = tpu.memref_squeeze %dma_start3A_45 : memref<1x128xi32, #tpu.memory_space<vmem>> -> memref<128xi32, #tpu.memory_space<vmem>>
    %dma_start3A_47 = arith.constant 0 : i32
    %dma_start3A_48 = arith.constant 0 : i32
    %dma_start3A_49 = tpu.memref_slice %arg4[%dma_start3A_47, %dma_start3A_48] : memref<401408x96xf32, #tpu.memory_space<hbm>> -> memref<401408x96xf32, #tpu.memory_space<hbm>>
    tpu.enqueue_indirect_dma source(%dma_start3A_49 : memref<401408x96xf32, #tpu.memory_space<hbm>>) target(%arg12 : memref<128x96xf32, #tpu.memory_space<vmem>>) offsets(%dma_start3A_46 : memref<128xi32, #tpu.memory_space<vmem>>) semaphore(%arg21 : memref<!tpu.dma_semaphore, #tpu.memory_space<semaphore_mem>>)
    %dma_start3A_50 = arith.constant 1 : i32
    %dma_start3A_51 = arith.constant 0 : i32
    %dma_start3A_52 = tpu.memref_slice %arg8[%dma_start3A_50, %dma_start3A_51] : memref<4x128xi32, #tpu.memory_space<vmem>> -> memref<1x128xi32, #tpu.memory_space<vmem>>
    %dma_start3A_53 = tpu.memref_squeeze %dma_start3A_52 : memref<1x128xi32, #tpu.memory_space<vmem>> -> memref<128xi32, #tpu.memory_space<vmem>>
    %dma_start3A_54 = arith.constant 0 : i32
    %dma_start3A_55 = arith.constant 0 : i32
    %dma_start3A_56 = tpu.memref_slice %arg4[%dma_start3A_54, %dma_start3A_55] : memref<401408x96xf32, #tpu.memory_space<hbm>> -> memref<401408x96xf32, #tpu.memory_space<hbm>>
    tpu.enqueue_indirect_dma source(%dma_start3A_56 : memref<401408x96xf32, #tpu.memory_space<hbm>>) target(%arg13 : memref<128x96xf32, #tpu.memory_space<vmem>>) offsets(%dma_start3A_53 : memref<128xi32, #tpu.memory_space<vmem>>) semaphore(%arg21 : memref<!tpu.dma_semaphore, #tpu.memory_space<semaphore_mem>>)
    %dma_start3A_57 = arith.constant 2 : i32
    %dma_start3A_58 = arith.constant 0 : i32
    %dma_start3A_59 = tpu.memref_slice %arg8[%dma_start3A_57, %dma_start3A_58] : memref<4x128xi32, #tpu.memory_space<vmem>> -> memref<1x128xi32, #tpu.memory_space<vmem>>
    %dma_start3A_60 = tpu.memref_squeeze %dma_start3A_59 : memref<1x128xi32, #tpu.memory_space<vmem>> -> memref<128xi32, #tpu.memory_space<vmem>>
    %dma_start3A_61 = arith.constant 0 : i32
    %dma_start3A_62 = arith.constant 0 : i32
    %dma_start3A_63 = tpu.memref_slice %arg4[%dma_start3A_61, %dma_start3A_62] : memref<401408x96xf32, #tpu.memory_space<hbm>> -> memref<401408x96xf32, #tpu.memory_space<hbm>>
    tpu.enqueue_indirect_dma source(%dma_start3A_63 : memref<401408x96xf32, #tpu.memory_space<hbm>>) target(%arg14 : memref<128x96xf32, #tpu.memory_space<vmem>>) offsets(%dma_start3A_60 : memref<128xi32, #tpu.memory_space<vmem>>) semaphore(%arg21 : memref<!tpu.dma_semaphore, #tpu.memory_space<semaphore_mem>>)
    %dma_start3A_64 = arith.constant 3 : i32
    %dma_start3A_65 = arith.constant 0 : i32
    %dma_start3A_66 = tpu.memref_slice %arg8[%dma_start3A_64, %dma_start3A_65] : memref<4x128xi32, #tpu.memory_space<vmem>> -> memref<1x128xi32, #tpu.memory_space<vmem>>
    %dma_start3A_67 = tpu.memref_squeeze %dma_start3A_66 : memref<1x128xi32, #tpu.memory_space<vmem>> -> memref<128xi32, #tpu.memory_space<vmem>>
    %dma_start3A_68 = arith.constant 0 : i32
    %dma_start3A_69 = arith.constant 0 : i32
    %dma_start3A_70 = tpu.memref_slice %arg4[%dma_start3A_68, %dma_start3A_69] : memref<401408x96xf32, #tpu.memory_space<hbm>> -> memref<401408x96xf32, #tpu.memory_space<hbm>>
    tpu.enqueue_indirect_dma source(%dma_start3A_70 : memref<401408x96xf32, #tpu.memory_space<hbm>>) target(%arg15 : memref<128x96xf32, #tpu.memory_space<vmem>>) offsets(%dma_start3A_67 : memref<128xi32, #tpu.memory_space<vmem>>) semaphore(%arg21 : memref<!tpu.dma_semaphore, #tpu.memory_space<semaphore_mem>>)
    %scan3A_71 = arith.constant 0 : i32
    %scan3A_72 = arith.constant 49 : i32
    %scan3A_73 = arith.addi %scan3A_71, %scan3A_72 : i32
    %scan3A_74 = arith.constant 1 : i32
    scf.for %scan3A_99 = %scan3A_71 to %scan3A_73 step %scan3A_74  : i32 {
      %mul3A_100 = arith.constant 2 : i32
      %mul3A_101 = arith.muli %scan3A_99, %mul3A_100 : i32
      %add3A_102 = arith.constant 1 : i32
      %add3A_103 = arith.addi %mul3A_101, %add3A_102 : i32
      %mul3A_104 = arith.constant 128 : i32
      %mul3A_105 = arith.muli %add3A_103, %mul3A_104 : i32
      %add3A_106 = arith.addi %mul3A_32, %mul3A_105 : i32
      %scan3A_107 = arith.constant 0 : i32
      %scan3A_108 = arith.constant 8 : i32
      %scan3A_109 = arith.addi %scan3A_107, %scan3A_108 : i32
      %scan3A_110 = arith.constant 1 : i32
      scf.for %scan3A_245 = %scan3A_107 to %scan3A_109 step %scan3A_110  : i32 {
        %get3A = arith.constant 0 : i32
        %get3A_246 = arith.index_cast %get3A : i32 to index
        %get3A_247 = arith.constant 0 : index
        %get3A_248 = tpu.vector_load %arg6[%get3A_246, %get3A_247] {strides = array<i32>} : memref<6x16xf32, #tpu.memory_space<vmem>>, vector<16xf32>,
        %get3A_249 = arith.constant 1 : i32
        %get3A_250 = arith.index_cast %get3A_249 : i32 to index
        %get3A_251 = arith.constant 0 : index
        %get3A_252 = tpu.vector_load %arg6[%get3A_250, %get3A_251] {strides = array<i32>} : memref<6x16xf32, #tpu.memory_space<vmem>>, vector<16xf32>,
        %get3A_253 = arith.constant 2 : i32
        %get3A_254 = arith.index_cast %get3A_253 : i32 to index
        %get3A_255 = arith.constant 0 : index
        %get3A_256 = tpu.vector_load %arg6[%get3A_254, %get3A_255] {strides = array<i32>} : memref<6x16xf32, #tpu.memory_space<vmem>>, vector<16xf32>,
        %get3A_257 = arith.constant 3 : i32
        %get3A_258 = arith.index_cast %get3A_257 : i32 to index
        %get3A_259 = arith.constant 0 : index
        %get3A_260 = tpu.vector_load %arg6[%get3A_258, %get3A_259] {strides = array<i32>} : memref<6x16xf32, #tpu.memory_space<vmem>>, vector<16xf32>,
        %get3A_261 = arith.constant 4 : i32
        %get3A_262 = arith.index_cast %get3A_261 : i32 to index
        %get3A_263 = arith.constant 0 : index
        %get3A_264 = tpu.vector_load %arg6[%get3A_262, %get3A_263] {strides = array<i32>} : memref<6x16xf32, #tpu.memory_space<vmem>>, vector<16xf32>,
        %get3A_265 = arith.constant 5 : i32
        %get3A_266 = arith.index_cast %get3A_265 : i32 to index
        %get3A_267 = arith.constant 0 : index
        %get3A_268 = tpu.vector_load %arg6[%get3A_266, %get3A_267] {strides = array<i32>} : memref<6x16xf32, #tpu.memory_space<vmem>>, vector<16xf32>,
        %iota3A = tpu.iota {dimensions = array<i32: 0>} : vector<16xi32>
        %mul3A_269 = arith.constant 16 : i32
        %mul3A_270 = arith.muli %scan3A_245, %mul3A_269 : i32
        %add3A_271 = arith.addi %add3A_106, %mul3A_270 : i32
        %add3A_272 = vector.broadcast %add3A_271 : i32 to vector<16xi32>
        %add3A_273 = arith.addi %add3A_272, %iota3A : vector<16xi32>
        %jit3A_274 = arith.constant 224 : i32
        %div3A_275 = vector.broadcast %jit3A_274 : i32 to vector<16xi32>
        %div3A_276 = arith.divsi %add3A_273, %div3A_275 : vector<16xi32>
        %sign3A_277 = arith.constant 0 : i32
        %sign3A_278 = vector.broadcast %sign3A_277 : i32 to vector<16xi32>
        %sign3A_279 = arith.cmpi sgt, %add3A_273, %sign3A_278 : vector<16xi32>
        %sign3A_280 = arith.extui %sign3A_279 : vector<16xi1> to vector<16xi32>
        %sign3A_281 = arith.constant 0 : i32
        %sign3A_282 = vector.broadcast %sign3A_281 : i32 to vector<16xi32>
        %sign3A_283 = arith.cmpi slt, %add3A_273, %sign3A_282 : vector<16xi32>
        %sign3A_284 = arith.extui %sign3A_283 : vector<16xi1> to vector<16xi32>
        %sign3A_285 = arith.subi %sign3A_280, %sign3A_284 : vector<16xi32>
        %sign3A_286 = arith.constant 0 : i32
        %sign3A_287 = arith.cmpi sgt, %jit3A_274, %sign3A_286 : i32
        %sign3A_288 = arith.extui %sign3A_287 : i1 to i32
        %sign3A_289 = arith.constant 0 : i32
        %sign3A_290 = arith.cmpi slt, %jit3A_274, %sign3A_289 : i32
        %sign3A_291 = arith.extui %sign3A_290 : i1 to i32
        %sign3A_292 = arith.subi %sign3A_288, %sign3A_291 : i32
        %ne3A_293 = vector.broadcast %sign3A_292 : i32 to vector<16xi32>
        %ne3A_294 = arith.cmpi ne, %sign3A_285, %ne3A_293 : vector<16xi32>
        %rem3A_295 = vector.broadcast %jit3A_274 : i32 to vector<16xi32>
        %rem3A_296 = arith.remsi %add3A_273, %rem3A_295 : vector<16xi32>
        %ne3A_297 = arith.constant 0 : i32
        %ne3A_298 = vector.broadcast %ne3A_297 : i32 to vector<16xi32>
        %ne3A_299 = arith.cmpi ne, %rem3A_296, %ne3A_298 : vector<16xi32>
        %and3A_300 = arith.andi %ne3A_294, %ne3A_299 : vector<16xi1>
        %sub3A_301 = arith.constant 1 : i32
        %sub3A_302 = vector.broadcast %sub3A_301 : i32 to vector<16xi32>
        %sub3A_303 = arith.subi %div3A_276, %sub3A_302 : vector<16xi32>
        %select_n3A_304 = arith.select %and3A_300, %sub3A_303, %div3A_276 : vector<16xi1>, vector<16xi32>
        %jit3A_305 = arith.constant 224 : i32
        %eq3A_306 = arith.constant 0 : i32
        %eq3A_307 = arith.cmpi eq, %jit3A_305, %eq3A_306 : i32
        %jit3A_308 = arith.constant 1 : i32
        %select_n3A_309 = arith.select %eq3A_307, %jit3A_308, %jit3A_305 : i32
        %rem3A_310 = vector.broadcast %select_n3A_309 : i32 to vector<16xi32>
        %rem3A_311 = arith.remsi %add3A_273, %rem3A_310 : vector<16xi32>
        %ne3A_312 = arith.constant 0 : i32
        %ne3A_313 = vector.broadcast %ne3A_312 : i32 to vector<16xi32>
        %ne3A_314 = arith.cmpi ne, %rem3A_311, %ne3A_313 : vector<16xi32>
        %lt3A_315 = arith.constant 0 : i32
        %lt3A_316 = vector.broadcast %lt3A_315 : i32 to vector<16xi32>
        %lt3A_317 = arith.cmpi slt, %rem3A_311, %lt3A_316 : vector<16xi32>
        %lt3A_318 = arith.constant 0 : i32
        %lt3A_319 = arith.cmpi slt, %select_n3A_309, %lt3A_318 : i32
        %ne3A_320 = vector.broadcast %lt3A_319 : i1 to vector<16xi1>
        %ne3A_321 = vector.broadcast %ne3A_320 : vector<16xi1> to vector<16xi1>
        %ne3A_322 = arith.xori %lt3A_317, %ne3A_321 : vector<16xi1>
        %and3A_323 = arith.andi %ne3A_322, %ne3A_314 : vector<16xi1>
        %add3A_324 = vector.broadcast %select_n3A_309 : i32 to vector<16xi32>
        %add3A_325 = arith.addi %rem3A_311, %add3A_324 : vector<16xi32>
        %select_n3A_326 = arith.select %and3A_323, %add3A_325, %rem3A_311 : vector<16xi1>, vector<16xi32>
        %broadcast_in_dim3A = arith.constant 0 : i32
        %broadcast_in_dim3A_327 = vector.broadcast %broadcast_in_dim3A : i32 to vector<16xi32>
        %gather3A = tpu.vector_load_idx %arg7[%broadcast_in_dim3A_327, %select_n3A_326] : memref<2x224xf32, #tpu.memory_space<vmem>>[vector<16xi32>, vector<16xi32>], vector<16xf32>,
        %broadcast_in_dim3A_328 = arith.constant 1 : i32
        %broadcast_in_dim3A_329 = vector.broadcast %broadcast_in_dim3A_328 : i32 to vector<16xi32>
        %gather3A_330 = tpu.vector_load_idx %arg7[%broadcast_in_dim3A_329, %select_n3A_304] : memref<2x224xf32, #tpu.memory_space<vmem>>[vector<16xi32>, vector<16xi32>], vector<16xf32>,
        %mul3A_331 = arith.mulf %get3A_248, %gather3A : vector<16xf32>
        %mul3A_332 = arith.mulf %get3A_252, %gather3A_330 : vector<16xf32>
        %add3A_333 = arith.addf %mul3A_331, %mul3A_332 : vector<16xf32>
        %add3A_334 = arith.addf %add3A_333, %get3A_256 : vector<16xf32>
        %add3A_335 = arith.constant 1.000000e+00 : f32
        %add3A_336 = vector.broadcast %add3A_335 : f32 to vector<16xf32>
        %add3A_337 = arith.addf %add3A_334, %add3A_336 : vector<16xf32>
        %mul3A_338 = arith.constant 1.120000e+02 : f32
        %mul3A_339 = vector.broadcast %mul3A_338 : f32 to vector<16xf32>
        %mul3A_340 = arith.mulf %add3A_337, %mul3A_339 : vector<16xf32>
        %mul3A_341 = arith.mulf %get3A_260, %gather3A : vector<16xf32>
        %mul3A_342 = arith.mulf %get3A_264, %gather3A_330 : vector<16xf32>
        %add3A_343 = arith.addf %mul3A_341, %mul3A_342 : vector<16xf32>
        %add3A_344 = arith.addf %add3A_343, %get3A_268 : vector<16xf32>
        %add3A_345 = arith.constant 1.000000e+00 : f32
        %add3A_346 = vector.broadcast %add3A_345 : f32 to vector<16xf32>
        %add3A_347 = arith.addf %add3A_344, %add3A_346 : vector<16xf32>
        %mul3A_348 = arith.constant 1.120000e+02 : f32
        %mul3A_349 = vector.broadcast %mul3A_348 : f32 to vector<16xf32>
        %mul3A_350 = arith.mulf %add3A_347, %mul3A_349 : vector<16xf32>
        %convert_element_type3A = arith.fptosi %mul3A_340 : vector<16xf32> to vector<16xi32>
        %convert_element_type3A_351 = arith.sitofp %convert_element_type3A : vector<16xi32> to vector<16xf32>
        %gt3A = arith.cmpf ogt, %convert_element_type3A_351, %mul3A_340 : vector<16xf32>
        %sub3A_352 = arith.constant 1.000000e+00 : f32
        %sub3A_353 = vector.broadcast %sub3A_352 : f32 to vector<16xf32>
        %sub3A_354 = arith.subf %convert_element_type3A_351, %sub3A_353 : vector<16xf32>
        %select_n3A_355 = arith.select %gt3A, %sub3A_354, %convert_element_type3A_351 : vector<16xi1>, vector<16xf32>
        %convert_element_type3A_356 = arith.fptosi %mul3A_350 : vector<16xf32> to vector<16xi32>
        %convert_element_type3A_357 = arith.sitofp %convert_element_type3A_356 : vector<16xi32> to vector<16xf32>
        %gt3A_358 = arith.cmpf ogt, %convert_element_type3A_357, %mul3A_350 : vector<16xf32>
        %sub3A_359 = arith.constant 1.000000e+00 : f32
        %sub3A_360 = vector.broadcast %sub3A_359 : f32 to vector<16xf32>
        %sub3A_361 = arith.subf %convert_element_type3A_357, %sub3A_360 : vector<16xf32>
        %select_n3A_362 = arith.select %gt3A_358, %sub3A_361, %convert_element_type3A_357 : vector<16xi1>, vector<16xf32>
        %jit3A_363 = arith.constant 0.000000e+00 : f32
        %jit3A_364 = arith.constant 2.230000e+02 : f32
        %max3A = vector.broadcast %jit3A_363 : f32 to vector<16xf32>
        %max3A_365 = arith.maximumf %max3A, %select_n3A_355 : vector<16xf32>
        %min3A_366 = vector.broadcast %jit3A_364 : f32 to vector<16xf32>
        %min3A_367 = arith.minimumf %min3A_366, %max3A_365 : vector<16xf32>
        %add3A_368 = arith.constant 1.000000e+00 : f32
        %add3A_369 = vector.broadcast %add3A_368 : f32 to vector<16xf32>
        %add3A_370 = arith.addf %select_n3A_355, %add3A_369 : vector<16xf32>
        %jit3A_371 = arith.constant 0.000000e+00 : f32
        %jit3A_372 = arith.constant 2.230000e+02 : f32
        %max3A_373 = vector.broadcast %jit3A_371 : f32 to vector<16xf32>
        %max3A_374 = arith.maximumf %max3A_373, %add3A_370 : vector<16xf32>
        %min3A_375 = vector.broadcast %jit3A_372 : f32 to vector<16xf32>
        %min3A_376 = arith.minimumf %min3A_375, %max3A_374 : vector<16xf32>
        %jit3A_377 = arith.constant 0.000000e+00 : f32
        %jit3A_378 = arith.constant 2.230000e+02 : f32
        %max3A_379 = vector.broadcast %jit3A_377 : f32 to vector<16xf32>
        %max3A_380 = arith.maximumf %max3A_379, %select_n3A_362 : vector<16xf32>
        %min3A_381 = vector.broadcast %jit3A_378 : f32 to vector<16xf32>
        %min3A_382 = arith.minimumf %min3A_381, %max3A_380 : vector<16xf32>
        %add3A_383 = arith.constant 1.000000e+00 : f32
        %add3A_384 = vector.broadcast %add3A_383 : f32 to vector<16xf32>
        %add3A_385 = arith.addf %select_n3A_362, %add3A_384 : vector<16xf32>
        %jit3A_386 = arith.constant 0.000000e+00 : f32
        %jit3A_387 = arith.constant 2.230000e+02 : f32
        %max3A_388 = vector.broadcast %jit3A_386 : f32 to vector<16xf32>
        %max3A_389 = arith.maximumf %max3A_388, %add3A_385 : vector<16xf32>
        %min3A_390 = vector.broadcast %jit3A_387 : f32 to vector<16xf32>
        %min3A_391 = arith.minimumf %min3A_390, %max3A_389 : vector<16xf32>
        %sub3A_392 = arith.subf %min3A_391, %mul3A_350 : vector<16xf32>
        %sub3A_393 = arith.subf %min3A_376, %mul3A_340 : vector<16xf32>
        %mul3A_394 = arith.mulf %sub3A_392, %sub3A_393 : vector<16xf32>
        %sub3A_395 = arith.subf %min3A_391, %mul3A_350 : vector<16xf32>
        %sub3A_396 = arith.subf %mul3A_340, %min3A_367 : vector<16xf32>
        %mul3A_397 = arith.mulf %sub3A_395, %sub3A_396 : vector<16xf32>
        %sub3A_398 = arith.subf %mul3A_350, %min3A_382 : vector<16xf32>
        %sub3A_399 = arith.subf %min3A_376, %mul3A_340 : vector<16xf32>
        %mul3A_400 = arith.mulf %sub3A_398, %sub3A_399 : vector<16xf32>
        %sub3A_401 = arith.subf %mul3A_350, %min3A_382 : vector<16xf32>
        %sub3A_402 = arith.subf %mul3A_340, %min3A_367 : vector<16xf32>
        %mul3A_403 = arith.mulf %sub3A_401, %sub3A_402 : vector<16xf32>
        %convert_element_type3A_404 = arith.fptosi %min3A_367 : vector<16xf32> to vector<16xi32>
        %convert_element_type3A_405 = arith.fptosi %min3A_376 : vector<16xf32> to vector<16xi32>
        %convert_element_type3A_406 = arith.fptosi %min3A_382 : vector<16xf32> to vector<16xi32>
        %convert_element_type3A_407 = arith.fptosi %min3A_391 : vector<16xf32> to vector<16xi32>
        %mul3A_408 = arith.constant 16 : i32
        %mul3A_409 = arith.muli %scan3A_245, %mul3A_408 : i32
        %mul3A_410 = arith.constant 224 : i32
        %mul3A_411 = vector.broadcast %mul3A_410 : i32 to vector<16xi32>
        %mul3A_412 = arith.muli %convert_element_type3A_406, %mul3A_411 : vector<16xi32>
        %add3A_413 = vector.broadcast %mul3A_37 : i32 to vector<16xi32>
        %add3A_414 = arith.addi %add3A_413, %mul3A_412 : vector<16xi32>
        %add3A_415 = arith.addi %add3A_414, %convert_element_type3A_404 : vector<16xi32>
        %swap3A = arith.constant 0 : i32
        %swap3A_416 = arith.index_cast %swap3A : i32 to index
        %swap3A_417 = arith.index_cast %mul3A_409 : i32 to index
        %swap3A_418 = tpu.vector_load %arg9[%swap3A_416, %swap3A_417] {strides = array<i32>} : memref<4x128xi32, #tpu.memory_space<vmem>>, vector<16xi32>,
        tpu.vector_store %arg9[%swap3A_416, %swap3A_417], %add3A_415 {strides = array<i32>} : memref<4x128xi32, #tpu.memory_space<vmem>>, vector<16xi32>,
        %mul3A_419 = arith.constant 224 : i32
        %mul3A_420 = vector.broadcast %mul3A_419 : i32 to vector<16xi32>
        %mul3A_421 = arith.muli %convert_element_type3A_406, %mul3A_420 : vector<16xi32>
        %add3A_422 = vector.broadcast %mul3A_37 : i32 to vector<16xi32>
        %add3A_423 = arith.addi %add3A_422, %mul3A_421 : vector<16xi32>
        %add3A_424 = arith.addi %add3A_423, %convert_element_type3A_405 : vector<16xi32>
        %swap3A_425 = arith.constant 1 : i32
        %swap3A_426 = arith.index_cast %swap3A_425 : i32 to index
        %swap3A_427 = arith.index_cast %mul3A_409 : i32 to index
        %swap3A_428 = tpu.vector_load %arg9[%swap3A_426, %swap3A_427] {strides = array<i32>} : memref<4x128xi32, #tpu.memory_space<vmem>>, vector<16xi32>,
        tpu.vector_store %arg9[%swap3A_426, %swap3A_427], %add3A_424 {strides = array<i32>} : memref<4x128xi32, #tpu.memory_space<vmem>>, vector<16xi32>,
        %mul3A_429 = arith.constant 224 : i32
        %mul3A_430 = vector.broadcast %mul3A_429 : i32 to vector<16xi32>
        %mul3A_431 = arith.muli %convert_element_type3A_407, %mul3A_430 : vector<16xi32>
        %add3A_432 = vector.broadcast %mul3A_37 : i32 to vector<16xi32>
        %add3A_433 = arith.addi %add3A_432, %mul3A_431 : vector<16xi32>
        %add3A_434 = arith.addi %add3A_433, %convert_element_type3A_404 : vector<16xi32>
        %swap3A_435 = arith.constant 2 : i32
        %swap3A_436 = arith.index_cast %swap3A_435 : i32 to index
        %swap3A_437 = arith.index_cast %mul3A_409 : i32 to index
        %swap3A_438 = tpu.vector_load %arg9[%swap3A_436, %swap3A_437] {strides = array<i32>} : memref<4x128xi32, #tpu.memory_space<vmem>>, vector<16xi32>,
        tpu.vector_store %arg9[%swap3A_436, %swap3A_437], %add3A_434 {strides = array<i32>} : memref<4x128xi32, #tpu.memory_space<vmem>>, vector<16xi32>,
        %mul3A_439 = arith.constant 224 : i32
        %mul3A_440 = vector.broadcast %mul3A_439 : i32 to vector<16xi32>
        %mul3A_441 = arith.muli %convert_element_type3A_407, %mul3A_440 : vector<16xi32>
        %add3A_442 = vector.broadcast %mul3A_37 : i32 to vector<16xi32>
        %add3A_443 = arith.addi %add3A_442, %mul3A_441 : vector<16xi32>
        %add3A_444 = arith.addi %add3A_443, %convert_element_type3A_405 : vector<16xi32>
        %swap3A_445 = arith.constant 3 : i32
        %swap3A_446 = arith.index_cast %swap3A_445 : i32 to index
        %swap3A_447 = arith.index_cast %mul3A_409 : i32 to index
        %swap3A_448 = tpu.vector_load %arg9[%swap3A_446, %swap3A_447] {strides = array<i32>} : memref<4x128xi32, #tpu.memory_space<vmem>>, vector<16xi32>,
        tpu.vector_store %arg9[%swap3A_446, %swap3A_447], %add3A_444 {strides = array<i32>} : memref<4x128xi32, #tpu.memory_space<vmem>>, vector<16xi32>,
        %swap3A_449 = arith.constant 0 : i32
        %swap3A_450 = arith.index_cast %swap3A_449 : i32 to index
        %swap3A_451 = arith.index_cast %mul3A_409 : i32 to index
        %swap3A_452 = tpu.vector_load %arg11[%swap3A_450, %swap3A_451] {strides = array<i32>} : memref<4x128xf32, #tpu.memory_space<vmem>>, vector<16xf32>,
        tpu.vector_store %arg11[%swap3A_450, %swap3A_451], %mul3A_394 {strides = array<i32>} : memref<4x128xf32, #tpu.memory_space<vmem>>, vector<16xf32>,
        %swap3A_453 = arith.constant 1 : i32
        %swap3A_454 = arith.index_cast %swap3A_453 : i32 to index
        %swap3A_455 = arith.index_cast %mul3A_409 : i32 to index
        %swap3A_456 = tpu.vector_load %arg11[%swap3A_454, %swap3A_455] {strides = array<i32>} : memref<4x128xf32, #tpu.memory_space<vmem>>, vector<16xf32>,
        tpu.vector_store %arg11[%swap3A_454, %swap3A_455], %mul3A_397 {strides = array<i32>} : memref<4x128xf32, #tpu.memory_space<vmem>>, vector<16xf32>,
        %swap3A_457 = arith.constant 2 : i32
        %swap3A_458 = arith.index_cast %swap3A_457 : i32 to index
        %swap3A_459 = arith.index_cast %mul3A_409 : i32 to index
        %swap3A_460 = tpu.vector_load %arg11[%swap3A_458, %swap3A_459] {strides = array<i32>} : memref<4x128xf32, #tpu.memory_space<vmem>>, vector<16xf32>,
        tpu.vector_store %arg11[%swap3A_458, %swap3A_459], %mul3A_400 {strides = array<i32>} : memref<4x128xf32, #tpu.memory_space<vmem>>, vector<16xf32>,
        %swap3A_461 = arith.constant 3 : i32
        %swap3A_462 = arith.index_cast %swap3A_461 : i32 to index
        %swap3A_463 = arith.index_cast %mul3A_409 : i32 to index
        %swap3A_464 = tpu.vector_load %arg11[%swap3A_462, %swap3A_463] {strides = array<i32>} : memref<4x128xf32, #tpu.memory_space<vmem>>, vector<16xf32>,
        tpu.vector_store %arg11[%swap3A_462, %swap3A_463], %mul3A_403 {strides = array<i32>} : memref<4x128xf32, #tpu.memory_space<vmem>>, vector<16xf32>,
      }
      %scan3A_111 = arith.constant 8 : i32
      %dma_start3A_112 = arith.constant 0 : i32
      %dma_start3A_113 = arith.constant 0 : i32
      %dma_start3A_114 = tpu.memref_slice %arg9[%dma_start3A_112, %dma_start3A_113] : memref<4x128xi32, #tpu.memory_space<vmem>> -> memref<1x128xi32, #tpu.memory_space<vmem>>
      %dma_start3A_115 = tpu.memref_squeeze %dma_start3A_114 : memref<1x128xi32, #tpu.memory_space<vmem>> -> memref<128xi32, #tpu.memory_space<vmem>>
      %dma_start3A_116 = arith.constant 0 : i32
      %dma_start3A_117 = arith.constant 0 : i32
      %dma_start3A_118 = tpu.memref_slice %arg4[%dma_start3A_116, %dma_start3A_117] : memref<401408x96xf32, #tpu.memory_space<hbm>> -> memref<401408x96xf32, #tpu.memory_space<hbm>>
      tpu.enqueue_indirect_dma source(%dma_start3A_118 : memref<401408x96xf32, #tpu.memory_space<hbm>>) target(%arg16 : memref<128x96xf32, #tpu.memory_space<vmem>>) offsets(%dma_start3A_115 : memref<128xi32, #tpu.memory_space<vmem>>) semaphore(%arg22 : memref<!tpu.dma_semaphore, #tpu.memory_space<semaphore_mem>>)
      %dma_start3A_119 = arith.constant 1 : i32
      %dma_start3A_120 = arith.constant 0 : i32
      %dma_start3A_121 = tpu.memref_slice %arg9[%dma_start3A_119, %dma_start3A_120] : memref<4x128xi32, #tpu.memory_space<vmem>> -> memref<1x128xi32, #tpu.memory_space<vmem>>
      %dma_start3A_122 = tpu.memref_squeeze %dma_start3A_121 : memref<1x128xi32, #tpu.memory_space<vmem>> -> memref<128xi32, #tpu.memory_space<vmem>>
      %dma_start3A_123 = arith.constant 0 : i32
      %dma_start3A_124 = arith.constant 0 : i32
      %dma_start3A_125 = tpu.memref_slice %arg4[%dma_start3A_123, %dma_start3A_124] : memref<401408x96xf32, #tpu.memory_space<hbm>> -> memref<401408x96xf32, #tpu.memory_space<hbm>>
      tpu.enqueue_indirect_dma source(%dma_start3A_125 : memref<401408x96xf32, #tpu.memory_space<hbm>>) target(%arg17 : memref<128x96xf32, #tpu.memory_space<vmem>>) offsets(%dma_start3A_122 : memref<128xi32, #tpu.memory_space<vmem>>) semaphore(%arg22 : memref<!tpu.dma_semaphore, #tpu.memory_space<semaphore_mem>>)
      %dma_start3A_126 = arith.constant 2 : i32
      %dma_start3A_127 = arith.constant 0 : i32
      %dma_start3A_128 = tpu.memref_slice %arg9[%dma_start3A_126, %dma_start3A_127] : memref<4x128xi32, #tpu.memory_space<vmem>> -> memref<1x128xi32, #tpu.memory_space<vmem>>
      %dma_start3A_129 = tpu.memref_squeeze %dma_start3A_128 : memref<1x128xi32, #tpu.memory_space<vmem>> -> memref<128xi32, #tpu.memory_space<vmem>>
      %dma_start3A_130 = arith.constant 0 : i32
      %dma_start3A_131 = arith.constant 0 : i32
      %dma_start3A_132 = tpu.memref_slice %arg4[%dma_start3A_130, %dma_start3A_131] : memref<401408x96xf32, #tpu.memory_space<hbm>> -> memref<401408x96xf32, #tpu.memory_space<hbm>>
      tpu.enqueue_indirect_dma source(%dma_start3A_132 : memref<401408x96xf32, #tpu.memory_space<hbm>>) target(%arg18 : memref<128x96xf32, #tpu.memory_space<vmem>>) offsets(%dma_start3A_129 : memref<128xi32, #tpu.memory_space<vmem>>) semaphore(%arg22 : memref<!tpu.dma_semaphore, #tpu.memory_space<semaphore_mem>>)
      %dma_start3A_133 = arith.constant 3 : i32
      %dma_start3A_134 = arith.constant 0 : i32
      %dma_start3A_135 = tpu.memref_slice %arg9[%dma_start3A_133, %dma_start3A_134] : memref<4x128xi32, #tpu.memory_space<vmem>> -> memref<1x128xi32, #tpu.memory_space<vmem>>
      %dma_start3A_136 = tpu.memref_squeeze %dma_start3A_135 : memref<1x128xi32, #tpu.memory_space<vmem>> -> memref<128xi32, #tpu.memory_space<vmem>>
      %dma_start3A_137 = arith.constant 0 : i32
      %dma_start3A_138 = arith.constant 0 : i32
      %dma_start3A_139 = tpu.memref_slice %arg4[%dma_start3A_137, %dma_start3A_138] : memref<401408x96xf32, #tpu.memory_space<hbm>> -> memref<401408x96xf32, #tpu.memory_space<hbm>>
      tpu.enqueue_indirect_dma source(%dma_start3A_139 : memref<401408x96xf32, #tpu.memory_space<hbm>>) target(%arg19 : memref<128x96xf32, #tpu.memory_space<vmem>>) offsets(%dma_start3A_136 : memref<128xi32, #tpu.memory_space<vmem>>) semaphore(%arg22 : memref<!tpu.dma_semaphore, #tpu.memory_space<semaphore_mem>>)
      %dma_wait3A_140 = arith.constant 0 : i32
      %dma_wait3A_141 = arith.constant 0 : i32
      %dma_wait3A_142 = tpu.memref_slice %arg4[%dma_wait3A_140, %dma_wait3A_141] : memref<401408x96xf32, #tpu.memory_space<hbm>> -> memref<128x96xf32, #tpu.memory_space<hbm>>
      %dma_wait3A_143 = arith.constant 0 : i32
      %dma_wait3A_144 = arith.constant 0 : i32
      %dma_wait3A_145 = tpu.memref_slice %arg4[%dma_wait3A_143, %dma_wait3A_144] : memref<401408x96xf32, #tpu.memory_space<hbm>> -> memref<128x96xf32, #tpu.memory_space<hbm>>
      tpu.wait_dma2 semaphore(%arg21 : memref<!tpu.dma_semaphore, #tpu.memory_space<semaphore_mem>>) src(%dma_wait3A_145 : memref<128x96xf32, #tpu.memory_space<hbm>>) dst(%arg12 : memref<128x96xf32, #tpu.memory_space<vmem>>)
      %dma_wait3A_146 = arith.constant 0 : i32
      %dma_wait3A_147 = arith.constant 0 : i32
      %dma_wait3A_148 = tpu.memref_slice %arg4[%dma_wait3A_146, %dma_wait3A_147] : memref<401408x96xf32, #tpu.memory_space<hbm>> -> memref<128x96xf32, #tpu.memory_space<hbm>>
      %dma_wait3A_149 = arith.constant 0 : i32
      %dma_wait3A_150 = arith.constant 0 : i32
      %dma_wait3A_151 = tpu.memref_slice %arg4[%dma_wait3A_149, %dma_wait3A_150] : memref<401408x96xf32, #tpu.memory_space<hbm>> -> memref<128x96xf32, #tpu.memory_space<hbm>>
      tpu.wait_dma2 semaphore(%arg21 : memref<!tpu.dma_semaphore, #tpu.memory_space<semaphore_mem>>) src(%dma_wait3A_151 : memref<128x96xf32, #tpu.memory_space<hbm>>) dst(%arg13 : memref<128x96xf32, #tpu.memory_space<vmem>>)
      %dma_wait3A_152 = arith.constant 0 : i32
      %dma_wait3A_153 = arith.constant 0 : i32
      %dma_wait3A_154 = tpu.memref_slice %arg4[%dma_wait3A_152, %dma_wait3A_153] : memref<401408x96xf32, #tpu.memory_space<hbm>> -> memref<128x96xf32, #tpu.memory_space<hbm>>
      %dma_wait3A_155 = arith.constant 0 : i32
      %dma_wait3A_156 = arith.constant 0 : i32
      %dma_wait3A_157 = tpu.memref_slice %arg4[%dma_wait3A_155, %dma_wait3A_156] : memref<401408x96xf32, #tpu.memory_space<hbm>> -> memref<128x96xf32, #tpu.memory_space<hbm>>
      tpu.wait_dma2 semaphore(%arg21 : memref<!tpu.dma_semaphore, #tpu.memory_space<semaphore_mem>>) src(%dma_wait3A_157 : memref<128x96xf32, #tpu.memory_space<hbm>>) dst(%arg14 : memref<128x96xf32, #tpu.memory_space<vmem>>)
      %dma_wait3A_158 = arith.constant 0 : i32
      %dma_wait3A_159 = arith.constant 0 : i32
      %dma_wait3A_160 = tpu.memref_slice %arg4[%dma_wait3A_158, %dma_wait3A_159] : memref<401408x96xf32, #tpu.memory_space<hbm>> -> memref<128x96xf32, #tpu.memory_space<hbm>>
      %dma_wait3A_161 = arith.constant 0 : i32
      %dma_wait3A_162 = arith.constant 0 : i32
      %dma_wait3A_163 = tpu.memref_slice %arg4[%dma_wait3A_161, %dma_wait3A_162] : memref<401408x96xf32, #tpu.memory_space<hbm>> -> memref<128x96xf32, #tpu.memory_space<hbm>>
      tpu.wait_dma2 semaphore(%arg21 : memref<!tpu.dma_semaphore, #tpu.memory_space<semaphore_mem>>) src(%dma_wait3A_163 : memref<128x96xf32, #tpu.memory_space<hbm>>) dst(%arg15 : memref<128x96xf32, #tpu.memory_space<vmem>>)
      %scan3A_164 = arith.constant 0 : i32
      %scan3A_165 = arith.constant 128 : i32
      %scan3A_166 = arith.addi %scan3A_164, %scan3A_165 : i32
      %scan3A_167 = arith.constant 1 : i32
      scf.for %scan3A_245 = %scan3A_164 to %scan3A_166 step %scan3A_167  : i32 {
        %broadcast_in_dim3A = vector.broadcast %scan3A_245 : i32 to vector<16xi32>
        %broadcast_in_dim3A_246 = arith.constant 0 : i32
        %broadcast_in_dim3A_247 = vector.broadcast %broadcast_in_dim3A_246 : i32 to vector<16xi32>
        %gather3A = tpu.vector_load_idx %arg10[%broadcast_in_dim3A_247, %broadcast_in_dim3A] : memref<4x128xf32, #tpu.memory_space<vmem>>[vector<16xi32>, vector<16xi32>], vector<16xf32>,
        %broadcast_in_dim3A_248 = arith.constant 1 : i32
        %broadcast_in_dim3A_249 = vector.broadcast %broadcast_in_dim3A_248 : i32 to vector<16xi32>
        %gather3A_250 = tpu.vector_load_idx %arg10[%broadcast_in_dim3A_249, %broadcast_in_dim3A] : memref<4x128xf32, #tpu.memory_space<vmem>>[vector<16xi32>, vector<16xi32>], vector<16xf32>,
        %broadcast_in_dim3A_251 = arith.constant 2 : i32
        %broadcast_in_dim3A_252 = vector.broadcast %broadcast_in_dim3A_251 : i32 to vector<16xi32>
        %gather3A_253 = tpu.vector_load_idx %arg10[%broadcast_in_dim3A_252, %broadcast_in_dim3A] : memref<4x128xf32, #tpu.memory_space<vmem>>[vector<16xi32>, vector<16xi32>], vector<16xf32>,
        %broadcast_in_dim3A_254 = arith.constant 3 : i32
        %broadcast_in_dim3A_255 = vector.broadcast %broadcast_in_dim3A_254 : i32 to vector<16xi32>
        %gather3A_256 = tpu.vector_load_idx %arg10[%broadcast_in_dim3A_255, %broadcast_in_dim3A] : memref<4x128xf32, #tpu.memory_space<vmem>>[vector<16xi32>, vector<16xi32>], vector<16xf32>,
        %get3A = arith.index_cast %scan3A_245 : i32 to index
        %get3A_257 = arith.constant 0 : index
        %get3A_258 = tpu.vector_load %arg12[%get3A, %get3A_257] {strides = array<i32>} : memref<128x96xf32, #tpu.memory_space<vmem>>, vector<16xf32>,
        %mul3A_259 = arith.mulf %gather3A, %get3A_258 : vector<16xf32>
        %get3A_260 = arith.index_cast %scan3A_245 : i32 to index
        %get3A_261 = arith.constant 0 : index
        %get3A_262 = tpu.vector_load %arg13[%get3A_260, %get3A_261] {strides = array<i32>} : memref<128x96xf32, #tpu.memory_space<vmem>>, vector<16xf32>,
        %mul3A_263 = arith.mulf %gather3A_250, %get3A_262 : vector<16xf32>
        %add3A_264 = arith.addf %mul3A_259, %mul3A_263 : vector<16xf32>
        %get3A_265 = arith.index_cast %scan3A_245 : i32 to index
        %get3A_266 = arith.constant 0 : index
        %get3A_267 = tpu.vector_load %arg14[%get3A_265, %get3A_266] {strides = array<i32>} : memref<128x96xf32, #tpu.memory_space<vmem>>, vector<16xf32>,
        %mul3A_268 = arith.mulf %gather3A_253, %get3A_267 : vector<16xf32>
        %add3A_269 = arith.addf %add3A_264, %mul3A_268 : vector<16xf32>
        %get3A_270 = arith.index_cast %scan3A_245 : i32 to index
        %get3A_271 = arith.constant 0 : index
        %get3A_272 = tpu.vector_load %arg15[%get3A_270, %get3A_271] {strides = array<i32>} : memref<128x96xf32, #tpu.memory_space<vmem>>, vector<16xf32>,
        %mul3A_273 = arith.mulf %gather3A_256, %get3A_272 : vector<16xf32>
        %add3A_274 = arith.addf %add3A_269, %mul3A_273 : vector<16xf32>
        %swap3A = arith.index_cast %scan3A_245 : i32 to index
        %swap3A_275 = arith.constant 0 : index
        %swap3A_276 = tpu.vector_load %arg20[%swap3A, %swap3A_275] {strides = array<i32>} : memref<128x96xf32, #tpu.memory_space<vmem>>, vector<16xf32>,
        tpu.vector_store %arg20[%swap3A, %swap3A_275], %add3A_274 {strides = array<i32>} : memref<128x96xf32, #tpu.memory_space<vmem>>, vector<16xf32>,
        %get3A_277 = arith.index_cast %scan3A_245 : i32 to index
        %get3A_278 = arith.constant 16 : index
        %get3A_279 = tpu.vector_load %arg12[%get3A_277, %get3A_278] {strides = array<i32>} : memref<128x96xf32, #tpu.memory_space<vmem>>, vector<16xf32>,
        %mul3A_280 = arith.mulf %gather3A, %get3A_279 : vector<16xf32>
        %get3A_281 = arith.index_cast %scan3A_245 : i32 to index
        %get3A_282 = arith.constant 16 : index
        %get3A_283 = tpu.vector_load %arg13[%get3A_281, %get3A_282] {strides = array<i32>} : memref<128x96xf32, #tpu.memory_space<vmem>>, vector<16xf32>,
        %mul3A_284 = arith.mulf %gather3A_250, %get3A_283 : vector<16xf32>
        %add3A_285 = arith.addf %mul3A_280, %mul3A_284 : vector<16xf32>
        %get3A_286 = arith.index_cast %scan3A_245 : i32 to index
        %get3A_287 = arith.constant 16 : index
        %get3A_288 = tpu.vector_load %arg14[%get3A_286, %get3A_287] {strides = array<i32>} : memref<128x96xf32, #tpu.memory_space<vmem>>, vector<16xf32>,
        %mul3A_289 = arith.mulf %gather3A_253, %get3A_288 : vector<16xf32>
        %add3A_290 = arith.addf %add3A_285, %mul3A_289 : vector<16xf32>
        %get3A_291 = arith.index_cast %scan3A_245 : i32 to index
        %get3A_292 = arith.constant 16 : index
        %get3A_293 = tpu.vector_load %arg15[%get3A_291, %get3A_292] {strides = array<i32>} : memref<128x96xf32, #tpu.memory_space<vmem>>, vector<16xf32>,
        %mul3A_294 = arith.mulf %gather3A_256, %get3A_293 : vector<16xf32>
        %add3A_295 = arith.addf %add3A_290, %mul3A_294 : vector<16xf32>
        %swap3A_296 = arith.index_cast %scan3A_245 : i32 to index
        %swap3A_297 = arith.constant 16 : index
        %swap3A_298 = tpu.vector_load %arg20[%swap3A_296, %swap3A_297] {strides = array<i32>} : memref<128x96xf32, #tpu.memory_space<vmem>>, vector<16xf32>,
        tpu.vector_store %arg20[%swap3A_296, %swap3A_297], %add3A_295 {strides = array<i32>} : memref<128x96xf32, #tpu.memory_space<vmem>>, vector<16xf32>,
        %get3A_299 = arith.index_cast %scan3A_245 : i32 to index
        %get3A_300 = arith.constant 32 : index
        %get3A_301 = tpu.vector_load %arg12[%get3A_299, %get3A_300] {strides = array<i32>} : memref<128x96xf32, #tpu.memory_space<vmem>>, vector<16xf32>,
        %mul3A_302 = arith.mulf %gather3A, %get3A_301 : vector<16xf32>
        %get3A_303 = arith.index_cast %scan3A_245 : i32 to index
        %get3A_304 = arith.constant 32 : index
        %get3A_305 = tpu.vector_load %arg13[%get3A_303, %get3A_304] {strides = array<i32>} : memref<128x96xf32, #tpu.memory_space<vmem>>, vector<16xf32>,
        %mul3A_306 = arith.mulf %gather3A_250, %get3A_305 : vector<16xf32>
        %add3A_307 = arith.addf %mul3A_302, %mul3A_306 : vector<16xf32>
        %get3A_308 = arith.index_cast %scan3A_245 : i32 to index
        %get3A_309 = arith.constant 32 : index
        %get3A_310 = tpu.vector_load %arg14[%get3A_308, %get3A_309] {strides = array<i32>} : memref<128x96xf32, #tpu.memory_space<vmem>>, vector<16xf32>,
        %mul3A_311 = arith.mulf %gather3A_253, %get3A_310 : vector<16xf32>
        %add3A_312 = arith.addf %add3A_307, %mul3A_311 : vector<16xf32>
        %get3A_313 = arith.index_cast %scan3A_245 : i32 to index
        %get3A_314 = arith.constant 32 : index
        %get3A_315 = tpu.vector_load %arg15[%get3A_313, %get3A_314] {strides = array<i32>} : memref<128x96xf32, #tpu.memory_space<vmem>>, vector<16xf32>,
        %mul3A_316 = arith.mulf %gather3A_256, %get3A_315 : vector<16xf32>
        %add3A_317 = arith.addf %add3A_312, %mul3A_316 : vector<16xf32>
        %swap3A_318 = arith.index_cast %scan3A_245 : i32 to index
        %swap3A_319 = arith.constant 32 : index
        %swap3A_320 = tpu.vector_load %arg20[%swap3A_318, %swap3A_319] {strides = array<i32>} : memref<128x96xf32, #tpu.memory_space<vmem>>, vector<16xf32>,
        tpu.vector_store %arg20[%swap3A_318, %swap3A_319], %add3A_317 {strides = array<i32>} : memref<128x96xf32, #tpu.memory_space<vmem>>, vector<16xf32>,
        %get3A_321 = arith.index_cast %scan3A_245 : i32 to index
        %get3A_322 = arith.constant 48 : index
        %get3A_323 = tpu.vector_load %arg12[%get3A_321, %get3A_322] {strides = array<i32>} : memref<128x96xf32, #tpu.memory_space<vmem>>, vector<16xf32>,
        %mul3A_324 = arith.mulf %gather3A, %get3A_323 : vector<16xf32>
        %get3A_325 = arith.index_cast %scan3A_245 : i32 to index
        %get3A_326 = arith.constant 48 : index
        %get3A_327 = tpu.vector_load %arg13[%get3A_325, %get3A_326] {strides = array<i32>} : memref<128x96xf32, #tpu.memory_space<vmem>>, vector<16xf32>,
        %mul3A_328 = arith.mulf %gather3A_250, %get3A_327 : vector<16xf32>
        %add3A_329 = arith.addf %mul3A_324, %mul3A_328 : vector<16xf32>
        %get3A_330 = arith.index_cast %scan3A_245 : i32 to index
        %get3A_331 = arith.constant 48 : index
        %get3A_332 = tpu.vector_load %arg14[%get3A_330, %get3A_331] {strides = array<i32>} : memref<128x96xf32, #tpu.memory_space<vmem>>, vector<16xf32>,
        %mul3A_333 = arith.mulf %gather3A_253, %get3A_332 : vector<16xf32>
        %add3A_334 = arith.addf %add3A_329, %mul3A_333 : vector<16xf32>
        %get3A_335 = arith.index_cast %scan3A_245 : i32 to index
        %get3A_336 = arith.constant 48 : index
        %get3A_337 = tpu.vector_load %arg15[%get3A_335, %get3A_336] {strides = array<i32>} : memref<128x96xf32, #tpu.memory_space<vmem>>, vector<16xf32>,
        %mul3A_338 = arith.mulf %gather3A_256, %get3A_337 : vector<16xf32>
        %add3A_339 = arith.addf %add3A_334, %mul3A_338 : vector<16xf32>
        %swap3A_340 = arith.index_cast %scan3A_245 : i32 to index
        %swap3A_341 = arith.constant 48 : index
        %swap3A_342 = tpu.vector_load %arg20[%swap3A_340, %swap3A_341] {strides = array<i32>} : memref<128x96xf32, #tpu.memory_space<vmem>>, vector<16xf32>,
        tpu.vector_store %arg20[%swap3A_340, %swap3A_341], %add3A_339 {strides = array<i32>} : memref<128x96xf32, #tpu.memory_space<vmem>>, vector<16xf32>,
        %get3A_343 = arith.index_cast %scan3A_245 : i32 to index
        %get3A_344 = arith.constant 64 : index
        %get3A_345 = tpu.vector_load %arg12[%get3A_343, %get3A_344] {strides = array<i32>} : memref<128x96xf32, #tpu.memory_space<vmem>>, vector<16xf32>,
        %mul3A_346 = arith.mulf %gather3A, %get3A_345 : vector<16xf32>
        %get3A_347 = arith.index_cast %scan3A_245 : i32 to index
        %get3A_348 = arith.constant 64 : index
        %get3A_349 = tpu.vector_load %arg13[%get3A_347, %get3A_348] {strides = array<i32>} : memref<128x96xf32, #tpu.memory_space<vmem>>, vector<16xf32>,
        %mul3A_350 = arith.mulf %gather3A_250, %get3A_349 : vector<16xf32>
        %add3A_351 = arith.addf %mul3A_346, %mul3A_350 : vector<16xf32>
        %get3A_352 = arith.index_cast %scan3A_245 : i32 to index
        %get3A_353 = arith.constant 64 : index
        %get3A_354 = tpu.vector_load %arg14[%get3A_352, %get3A_353] {strides = array<i32>} : memref<128x96xf32, #tpu.memory_space<vmem>>, vector<16xf32>,
        %mul3A_355 = arith.mulf %gather3A_253, %get3A_354 : vector<16xf32>
        %add3A_356 = arith.addf %add3A_351, %mul3A_355 : vector<16xf32>
        %get3A_357 = arith.index_cast %scan3A_245 : i32 to index
        %get3A_358 = arith.constant 64 : index
        %get3A_359 = tpu.vector_load %arg15[%get3A_357, %get3A_358] {strides = array<i32>} : memref<128x96xf32, #tpu.memory_space<vmem>>, vector<16xf32>,
        %mul3A_360 = arith.mulf %gather3A_256, %get3A_359 : vector<16xf32>
        %add3A_361 = arith.addf %add3A_356, %mul3A_360 : vector<16xf32>
        %swap3A_362 = arith.index_cast %scan3A_245 : i32 to index
        %swap3A_363 = arith.constant 64 : index
        %swap3A_364 = tpu.vector_load %arg20[%swap3A_362, %swap3A_363] {strides = array<i32>} : memref<128x96xf32, #tpu.memory_space<vmem>>, vector<16xf32>,
        tpu.vector_store %arg20[%swap3A_362, %swap3A_363], %add3A_361 {strides = array<i32>} : memref<128x96xf32, #tpu.memory_space<vmem>>, vector<16xf32>,
        %get3A_365 = arith.index_cast %scan3A_245 : i32 to index
        %get3A_366 = arith.constant 80 : index
        %get3A_367 = tpu.vector_load %arg12[%get3A_365, %get3A_366] {strides = array<i32>} : memref<128x96xf32, #tpu.memory_space<vmem>>, vector<16xf32>,
        %mul3A_368 = arith.mulf %gather3A, %get3A_367 : vector<16xf32>
        %get3A_369 = arith.index_cast %scan3A_245 : i32 to index
        %get3A_370 = arith.constant 80 : index
        %get3A_371 = tpu.vector_load %arg13[%get3A_369, %get3A_370] {strides = array<i32>} : memref<128x96xf32, #tpu.memory_space<vmem>>, vector<16xf32>,
        %mul3A_372 = arith.mulf %gather3A_250, %get3A_371 : vector<16xf32>
        %add3A_373 = arith.addf %mul3A_368, %mul3A_372 : vector<16xf32>
        %get3A_374 = arith.index_cast %scan3A_245 : i32 to index
        %get3A_375 = arith.constant 80 : index
        %get3A_376 = tpu.vector_load %arg14[%get3A_374, %get3A_375] {strides = array<i32>} : memref<128x96xf32, #tpu.memory_space<vmem>>, vector<16xf32>,
        %mul3A_377 = arith.mulf %gather3A_253, %get3A_376 : vector<16xf32>
        %add3A_378 = arith.addf %add3A_373, %mul3A_377 : vector<16xf32>
        %get3A_379 = arith.index_cast %scan3A_245 : i32 to index
        %get3A_380 = arith.constant 80 : index
        %get3A_381 = tpu.vector_load %arg15[%get3A_379, %get3A_380] {strides = array<i32>} : memref<128x96xf32, #tpu.memory_space<vmem>>, vector<16xf32>,
        %mul3A_382 = arith.mulf %gather3A_256, %get3A_381 : vector<16xf32>
        %add3A_383 = arith.addf %add3A_378, %mul3A_382 : vector<16xf32>
        %swap3A_384 = arith.index_cast %scan3A_245 : i32 to index
        %swap3A_385 = arith.constant 80 : index
        %swap3A_386 = tpu.vector_load %arg20[%swap3A_384, %swap3A_385] {strides = array<i32>} : memref<128x96xf32, #tpu.memory_space<vmem>>, vector<16xf32>,
        tpu.vector_store %arg20[%swap3A_384, %swap3A_385], %add3A_383 {strides = array<i32>} : memref<128x96xf32, #tpu.memory_space<vmem>>, vector<16xf32>,
      }
      %scan3A_168 = arith.constant 128 : i32
      %mul3A_169 = arith.constant 128 : i32
      %mul3A_170 = arith.muli %mul3A_101, %mul3A_169 : i32
      %add3A_171 = arith.addi %add3A_35, %mul3A_170 : i32
      "tpu.region"() ({
        %run_scoped3A = tpu.sem_alloc : memref<!tpu.dma_semaphore, #tpu.memory_space<semaphore_mem>>
        %dma_start3A_245 = arith.constant 0 : i32
        %dma_start3A_246 = tpu.memref_slice %arg5[%add3A_171, %dma_start3A_245] : memref<401408x96xf32, #tpu.memory_space<hbm>> -> memref<128x96xf32, #tpu.memory_space<hbm>>
        %dma_start3A_247 = arith.constant 0 : i32
        %dma_start3A_248 = tpu.memref_slice %arg5[%add3A_171, %dma_start3A_247] : memref<401408x96xf32, #tpu.memory_space<hbm>> -> memref<128x96xf32, #tpu.memory_space<hbm>>
        tpu.enqueue_dma source(%arg20 : memref<128x96xf32, #tpu.memory_space<vmem>>) target(%dma_start3A_248 : memref<128x96xf32, #tpu.memory_space<hbm>>) target_semaphore(%run_scoped3A : memref<!tpu.dma_semaphore, #tpu.memory_space<semaphore_mem>>)
        %dma_wait3A_249 = arith.constant 0 : i32
        %dma_wait3A_250 = tpu.memref_slice %arg5[%add3A_171, %dma_wait3A_249] : memref<401408x96xf32, #tpu.memory_space<hbm>> -> memref<128x96xf32, #tpu.memory_space<hbm>>
        %dma_wait3A_251 = arith.constant 0 : i32
        %dma_wait3A_252 = tpu.memref_slice %arg5[%add3A_171, %dma_wait3A_251] : memref<401408x96xf32, #tpu.memory_space<hbm>> -> memref<128x96xf32, #tpu.memory_space<hbm>>
        tpu.wait_dma2 semaphore(%run_scoped3A : memref<!tpu.dma_semaphore, #tpu.memory_space<semaphore_mem>>) src(%arg20 : memref<128x96xf32, #tpu.memory_space<vmem>>) dst(%dma_wait3A_252 : memref<128x96xf32, #tpu.memory_space<hbm>>)
        tpu.yield
      }) : () -> ()
      %add3A_172 = arith.constant 2 : i32
      %add3A_173 = arith.addi %mul3A_101, %add3A_172 : i32
      %min3A = arith.constant 97 : i32
      %min3A_174 = arith.minsi %add3A_173, %min3A : i32
      %mul3A_175 = arith.constant 128 : i32
      %mul3A_176 = arith.muli %min3A_174, %mul3A_175 : i32
      %add3A_177 = arith.addi %mul3A_32, %mul3A_176 : i32
      %scan3A_178 = arith.constant 0 : i32
      %scan3A_179 = arith.constant 8 : i32
      %scan3A_180 = arith.addi %scan3A_178, %scan3A_179 : i32
      %scan3A_181 = arith.constant 1 : i32
      scf.for %scan3A_245 = %scan3A_178 to %scan3A_180 step %scan3A_181  : i32 {
        %get3A = arith.constant 0 : i32
        %get3A_246 = arith.index_cast %get3A : i32 to index
        %get3A_247 = arith.constant 0 : index
        %get3A_248 = tpu.vector_load %arg6[%get3A_246, %get3A_247] {strides = array<i32>} : memref<6x16xf32, #tpu.memory_space<vmem>>, vector<16xf32>,
        %get3A_249 = arith.constant 1 : i32
        %get3A_250 = arith.index_cast %get3A_249 : i32 to index
        %get3A_251 = arith.constant 0 : index
        %get3A_252 = tpu.vector_load %arg6[%get3A_250, %get3A_251] {strides = array<i32>} : memref<6x16xf32, #tpu.memory_space<vmem>>, vector<16xf32>,
        %get3A_253 = arith.constant 2 : i32
        %get3A_254 = arith.index_cast %get3A_253 : i32 to index
        %get3A_255 = arith.constant 0 : index
        %get3A_256 = tpu.vector_load %arg6[%get3A_254, %get3A_255] {strides = array<i32>} : memref<6x16xf32, #tpu.memory_space<vmem>>, vector<16xf32>,
        %get3A_257 = arith.constant 3 : i32
        %get3A_258 = arith.index_cast %get3A_257 : i32 to index
        %get3A_259 = arith.constant 0 : index
        %get3A_260 = tpu.vector_load %arg6[%get3A_258, %get3A_259] {strides = array<i32>} : memref<6x16xf32, #tpu.memory_space<vmem>>, vector<16xf32>,
        %get3A_261 = arith.constant 4 : i32
        %get3A_262 = arith.index_cast %get3A_261 : i32 to index
        %get3A_263 = arith.constant 0 : index
        %get3A_264 = tpu.vector_load %arg6[%get3A_262, %get3A_263] {strides = array<i32>} : memref<6x16xf32, #tpu.memory_space<vmem>>, vector<16xf32>,
        %get3A_265 = arith.constant 5 : i32
        %get3A_266 = arith.index_cast %get3A_265 : i32 to index
        %get3A_267 = arith.constant 0 : index
        %get3A_268 = tpu.vector_load %arg6[%get3A_266, %get3A_267] {strides = array<i32>} : memref<6x16xf32, #tpu.memory_space<vmem>>, vector<16xf32>,
        %iota3A = tpu.iota {dimensions = array<i32: 0>} : vector<16xi32>
        %mul3A_269 = arith.constant 16 : i32
        %mul3A_270 = arith.muli %scan3A_245, %mul3A_269 : i32
        %add3A_271 = arith.addi %add3A_177, %mul3A_270 : i32
        %add3A_272 = vector.broadcast %add3A_271 : i32 to vector<16xi32>
        %add3A_273 = arith.addi %add3A_272, %iota3A : vector<16xi32>
        %jit3A_274 = arith.constant 224 : i32
        %div3A_275 = vector.broadcast %jit3A_274 : i32 to vector<16xi32>
        %div3A_276 = arith.divsi %add3A_273, %div3A_275 : vector<16xi32>
        %sign3A_277 = arith.constant 0 : i32
        %sign3A_278 = vector.broadcast %sign3A_277 : i32 to vector<16xi32>
        %sign3A_279 = arith.cmpi sgt, %add3A_273, %sign3A_278 : vector<16xi32>
        %sign3A_280 = arith.extui %sign3A_279 : vector<16xi1> to vector<16xi32>
        %sign3A_281 = arith.constant 0 : i32
        %sign3A_282 = vector.broadcast %sign3A_281 : i32 to vector<16xi32>
        %sign3A_283 = arith.cmpi slt, %add3A_273, %sign3A_282 : vector<16xi32>
        %sign3A_284 = arith.extui %sign3A_283 : vector<16xi1> to vector<16xi32>
        %sign3A_285 = arith.subi %sign3A_280, %sign3A_284 : vector<16xi32>
        %sign3A_286 = arith.constant 0 : i32
        %sign3A_287 = arith.cmpi sgt, %jit3A_274, %sign3A_286 : i32
        %sign3A_288 = arith.extui %sign3A_287 : i1 to i32
        %sign3A_289 = arith.constant 0 : i32
        %sign3A_290 = arith.cmpi slt, %jit3A_274, %sign3A_289 : i32
        %sign3A_291 = arith.extui %sign3A_290 : i1 to i32
        %sign3A_292 = arith.subi %sign3A_288, %sign3A_291 : i32
        %ne3A_293 = vector.broadcast %sign3A_292 : i32 to vector<16xi32>
        %ne3A_294 = arith.cmpi ne, %sign3A_285, %ne3A_293 : vector<16xi32>
        %rem3A_295 = vector.broadcast %jit3A_274 : i32 to vector<16xi32>
        %rem3A_296 = arith.remsi %add3A_273, %rem3A_295 : vector<16xi32>
        %ne3A_297 = arith.constant 0 : i32
        %ne3A_298 = vector.broadcast %ne3A_297 : i32 to vector<16xi32>
        %ne3A_299 = arith.cmpi ne, %rem3A_296, %ne3A_298 : vector<16xi32>
        %and3A_300 = arith.andi %ne3A_294, %ne3A_299 : vector<16xi1>
        %sub3A_301 = arith.constant 1 : i32
        %sub3A_302 = vector.broadcast %sub3A_301 : i32 to vector<16xi32>
        %sub3A_303 = arith.subi %div3A_276, %sub3A_302 : vector<16xi32>
        %select_n3A_304 = arith.select %and3A_300, %sub3A_303, %div3A_276 : vector<16xi1>, vector<16xi32>
        %jit3A_305 = arith.constant 224 : i32
        %eq3A_306 = arith.constant 0 : i32
        %eq3A_307 = arith.cmpi eq, %jit3A_305, %eq3A_306 : i32
        %jit3A_308 = arith.constant 1 : i32
        %select_n3A_309 = arith.select %eq3A_307, %jit3A_308, %jit3A_305 : i32
        %rem3A_310 = vector.broadcast %select_n3A_309 : i32 to vector<16xi32>
        %rem3A_311 = arith.remsi %add3A_273, %rem3A_310 : vector<16xi32>
        %ne3A_312 = arith.constant 0 : i32
        %ne3A_313 = vector.broadcast %ne3A_312 : i32 to vector<16xi32>
        %ne3A_314 = arith.cmpi ne, %rem3A_311, %ne3A_313 : vector<16xi32>
        %lt3A_315 = arith.constant 0 : i32
        %lt3A_316 = vector.broadcast %lt3A_315 : i32 to vector<16xi32>
        %lt3A_317 = arith.cmpi slt, %rem3A_311, %lt3A_316 : vector<16xi32>
        %lt3A_318 = arith.constant 0 : i32
        %lt3A_319 = arith.cmpi slt, %select_n3A_309, %lt3A_318 : i32
        %ne3A_320 = vector.broadcast %lt3A_319 : i1 to vector<16xi1>
        %ne3A_321 = vector.broadcast %ne3A_320 : vector<16xi1> to vector<16xi1>
        %ne3A_322 = arith.xori %lt3A_317, %ne3A_321 : vector<16xi1>
        %and3A_323 = arith.andi %ne3A_322, %ne3A_314 : vector<16xi1>
        %add3A_324 = vector.broadcast %select_n3A_309 : i32 to vector<16xi32>
        %add3A_325 = arith.addi %rem3A_311, %add3A_324 : vector<16xi32>
        %select_n3A_326 = arith.select %and3A_323, %add3A_325, %rem3A_311 : vector<16xi1>, vector<16xi32>
        %broadcast_in_dim3A = arith.constant 0 : i32
        %broadcast_in_dim3A_327 = vector.broadcast %broadcast_in_dim3A : i32 to vector<16xi32>
        %gather3A = tpu.vector_load_idx %arg7[%broadcast_in_dim3A_327, %select_n3A_326] : memref<2x224xf32, #tpu.memory_space<vmem>>[vector<16xi32>, vector<16xi32>], vector<16xf32>,
        %broadcast_in_dim3A_328 = arith.constant 1 : i32
        %broadcast_in_dim3A_329 = vector.broadcast %broadcast_in_dim3A_328 : i32 to vector<16xi32>
        %gather3A_330 = tpu.vector_load_idx %arg7[%broadcast_in_dim3A_329, %select_n3A_304] : memref<2x224xf32, #tpu.memory_space<vmem>>[vector<16xi32>, vector<16xi32>], vector<16xf32>,
        %mul3A_331 = arith.mulf %get3A_248, %gather3A : vector<16xf32>
        %mul3A_332 = arith.mulf %get3A_252, %gather3A_330 : vector<16xf32>
        %add3A_333 = arith.addf %mul3A_331, %mul3A_332 : vector<16xf32>
        %add3A_334 = arith.addf %add3A_333, %get3A_256 : vector<16xf32>
        %add3A_335 = arith.constant 1.000000e+00 : f32
        %add3A_336 = vector.broadcast %add3A_335 : f32 to vector<16xf32>
        %add3A_337 = arith.addf %add3A_334, %add3A_336 : vector<16xf32>
        %mul3A_338 = arith.constant 1.120000e+02 : f32
        %mul3A_339 = vector.broadcast %mul3A_338 : f32 to vector<16xf32>
        %mul3A_340 = arith.mulf %add3A_337, %mul3A_339 : vector<16xf32>
        %mul3A_341 = arith.mulf %get3A_260, %gather3A : vector<16xf32>
        %mul3A_342 = arith.mulf %get3A_264, %gather3A_330 : vector<16xf32>
        %add3A_343 = arith.addf %mul3A_341, %mul3A_342 : vector<16xf32>
        %add3A_344 = arith.addf %add3A_343, %get3A_268 : vector<16xf32>
        %add3A_345 = arith.constant 1.000000e+00 : f32
        %add3A_346 = vector.broadcast %add3A_345 : f32 to vector<16xf32>
        %add3A_347 = arith.addf %add3A_344, %add3A_346 : vector<16xf32>
        %mul3A_348 = arith.constant 1.120000e+02 : f32
        %mul3A_349 = vector.broadcast %mul3A_348 : f32 to vector<16xf32>
        %mul3A_350 = arith.mulf %add3A_347, %mul3A_349 : vector<16xf32>
        %convert_element_type3A = arith.fptosi %mul3A_340 : vector<16xf32> to vector<16xi32>
        %convert_element_type3A_351 = arith.sitofp %convert_element_type3A : vector<16xi32> to vector<16xf32>
        %gt3A = arith.cmpf ogt, %convert_element_type3A_351, %mul3A_340 : vector<16xf32>
        %sub3A_352 = arith.constant 1.000000e+00 : f32
        %sub3A_353 = vector.broadcast %sub3A_352 : f32 to vector<16xf32>
        %sub3A_354 = arith.subf %convert_element_type3A_351, %sub3A_353 : vector<16xf32>
        %select_n3A_355 = arith.select %gt3A, %sub3A_354, %convert_element_type3A_351 : vector<16xi1>, vector<16xf32>
        %convert_element_type3A_356 = arith.fptosi %mul3A_350 : vector<16xf32> to vector<16xi32>
        %convert_element_type3A_357 = arith.sitofp %convert_element_type3A_356 : vector<16xi32> to vector<16xf32>
        %gt3A_358 = arith.cmpf ogt, %convert_element_type3A_357, %mul3A_350 : vector<16xf32>
        %sub3A_359 = arith.constant 1.000000e+00 : f32
        %sub3A_360 = vector.broadcast %sub3A_359 : f32 to vector<16xf32>
        %sub3A_361 = arith.subf %convert_element_type3A_357, %sub3A_360 : vector<16xf32>
        %select_n3A_362 = arith.select %gt3A_358, %sub3A_361, %convert_element_type3A_357 : vector<16xi1>, vector<16xf32>
        %jit3A_363 = arith.constant 0.000000e+00 : f32
        %jit3A_364 = arith.constant 2.230000e+02 : f32
        %max3A = vector.broadcast %jit3A_363 : f32 to vector<16xf32>
        %max3A_365 = arith.maximumf %max3A, %select_n3A_355 : vector<16xf32>
        %min3A_366 = vector.broadcast %jit3A_364 : f32 to vector<16xf32>
        %min3A_367 = arith.minimumf %min3A_366, %max3A_365 : vector<16xf32>
        %add3A_368 = arith.constant 1.000000e+00 : f32
        %add3A_369 = vector.broadcast %add3A_368 : f32 to vector<16xf32>
        %add3A_370 = arith.addf %select_n3A_355, %add3A_369 : vector<16xf32>
        %jit3A_371 = arith.constant 0.000000e+00 : f32
        %jit3A_372 = arith.constant 2.230000e+02 : f32
        %max3A_373 = vector.broadcast %jit3A_371 : f32 to vector<16xf32>
        %max3A_374 = arith.maximumf %max3A_373, %add3A_370 : vector<16xf32>
        %min3A_375 = vector.broadcast %jit3A_372 : f32 to vector<16xf32>
        %min3A_376 = arith.minimumf %min3A_375, %max3A_374 : vector<16xf32>
        %jit3A_377 = arith.constant 0.000000e+00 : f32
        %jit3A_378 = arith.constant 2.230000e+02 : f32
        %max3A_379 = vector.broadcast %jit3A_377 : f32 to vector<16xf32>
        %max3A_380 = arith.maximumf %max3A_379, %select_n3A_362 : vector<16xf32>
        %min3A_381 = vector.broadcast %jit3A_378 : f32 to vector<16xf32>
        %min3A_382 = arith.minimumf %min3A_381, %max3A_380 : vector<16xf32>
        %add3A_383 = arith.constant 1.000000e+00 : f32
        %add3A_384 = vector.broadcast %add3A_383 : f32 to vector<16xf32>
        %add3A_385 = arith.addf %select_n3A_362, %add3A_384 : vector<16xf32>
        %jit3A_386 = arith.constant 0.000000e+00 : f32
        %jit3A_387 = arith.constant 2.230000e+02 : f32
        %max3A_388 = vector.broadcast %jit3A_386 : f32 to vector<16xf32>
        %max3A_389 = arith.maximumf %max3A_388, %add3A_385 : vector<16xf32>
        %min3A_390 = vector.broadcast %jit3A_387 : f32 to vector<16xf32>
        %min3A_391 = arith.minimumf %min3A_390, %max3A_389 : vector<16xf32>
        %sub3A_392 = arith.subf %min3A_391, %mul3A_350 : vector<16xf32>
        %sub3A_393 = arith.subf %min3A_376, %mul3A_340 : vector<16xf32>
        %mul3A_394 = arith.mulf %sub3A_392, %sub3A_393 : vector<16xf32>
        %sub3A_395 = arith.subf %min3A_391, %mul3A_350 : vector<16xf32>
        %sub3A_396 = arith.subf %mul3A_340, %min3A_367 : vector<16xf32>
        %mul3A_397 = arith.mulf %sub3A_395, %sub3A_396 : vector<16xf32>
        %sub3A_398 = arith.subf %mul3A_350, %min3A_382 : vector<16xf32>
        %sub3A_399 = arith.subf %min3A_376, %mul3A_340 : vector<16xf32>
        %mul3A_400 = arith.mulf %sub3A_398, %sub3A_399 : vector<16xf32>
        %sub3A_401 = arith.subf %mul3A_350, %min3A_382 : vector<16xf32>
        %sub3A_402 = arith.subf %mul3A_340, %min3A_367 : vector<16xf32>
        %mul3A_403 = arith.mulf %sub3A_401, %sub3A_402 : vector<16xf32>
        %convert_element_type3A_404 = arith.fptosi %min3A_367 : vector<16xf32> to vector<16xi32>
        %convert_element_type3A_405 = arith.fptosi %min3A_376 : vector<16xf32> to vector<16xi32>
        %convert_element_type3A_406 = arith.fptosi %min3A_382 : vector<16xf32> to vector<16xi32>
        %convert_element_type3A_407 = arith.fptosi %min3A_391 : vector<16xf32> to vector<16xi32>
        %mul3A_408 = arith.constant 16 : i32
        %mul3A_409 = arith.muli %scan3A_245, %mul3A_408 : i32
        %mul3A_410 = arith.constant 224 : i32
        %mul3A_411 = vector.broadcast %mul3A_410 : i32 to vector<16xi32>
        %mul3A_412 = arith.muli %convert_element_type3A_406, %mul3A_411 : vector<16xi32>
        %add3A_413 = vector.broadcast %mul3A_37 : i32 to vector<16xi32>
        %add3A_414 = arith.addi %add3A_413, %mul3A_412 : vector<16xi32>
        %add3A_415 = arith.addi %add3A_414, %convert_element_type3A_404 : vector<16xi32>
        %swap3A = arith.constant 0 : i32
        %swap3A_416 = arith.index_cast %swap3A : i32 to index
        %swap3A_417 = arith.index_cast %mul3A_409 : i32 to index
        %swap3A_418 = tpu.vector_load %arg8[%swap3A_416, %swap3A_417] {strides = array<i32>} : memref<4x128xi32, #tpu.memory_space<vmem>>, vector<16xi32>,
        tpu.vector_store %arg8[%swap3A_416, %swap3A_417], %add3A_415 {strides = array<i32>} : memref<4x128xi32, #tpu.memory_space<vmem>>, vector<16xi32>,
        %mul3A_419 = arith.constant 224 : i32
        %mul3A_420 = vector.broadcast %mul3A_419 : i32 to vector<16xi32>
        %mul3A_421 = arith.muli %convert_element_type3A_406, %mul3A_420 : vector<16xi32>
        %add3A_422 = vector.broadcast %mul3A_37 : i32 to vector<16xi32>
        %add3A_423 = arith.addi %add3A_422, %mul3A_421 : vector<16xi32>
        %add3A_424 = arith.addi %add3A_423, %convert_element_type3A_405 : vector<16xi32>
        %swap3A_425 = arith.constant 1 : i32
        %swap3A_426 = arith.index_cast %swap3A_425 : i32 to index
        %swap3A_427 = arith.index_cast %mul3A_409 : i32 to index
        %swap3A_428 = tpu.vector_load %arg8[%swap3A_426, %swap3A_427] {strides = array<i32>} : memref<4x128xi32, #tpu.memory_space<vmem>>, vector<16xi32>,
        tpu.vector_store %arg8[%swap3A_426, %swap3A_427], %add3A_424 {strides = array<i32>} : memref<4x128xi32, #tpu.memory_space<vmem>>, vector<16xi32>,
        %mul3A_429 = arith.constant 224 : i32
        %mul3A_430 = vector.broadcast %mul3A_429 : i32 to vector<16xi32>
        %mul3A_431 = arith.muli %convert_element_type3A_407, %mul3A_430 : vector<16xi32>
        %add3A_432 = vector.broadcast %mul3A_37 : i32 to vector<16xi32>
        %add3A_433 = arith.addi %add3A_432, %mul3A_431 : vector<16xi32>
        %add3A_434 = arith.addi %add3A_433, %convert_element_type3A_404 : vector<16xi32>
        %swap3A_435 = arith.constant 2 : i32
        %swap3A_436 = arith.index_cast %swap3A_435 : i32 to index
        %swap3A_437 = arith.index_cast %mul3A_409 : i32 to index
        %swap3A_438 = tpu.vector_load %arg8[%swap3A_436, %swap3A_437] {strides = array<i32>} : memref<4x128xi32, #tpu.memory_space<vmem>>, vector<16xi32>,
        tpu.vector_store %arg8[%swap3A_436, %swap3A_437], %add3A_434 {strides = array<i32>} : memref<4x128xi32, #tpu.memory_space<vmem>>, vector<16xi32>,
        %mul3A_439 = arith.constant 224 : i32
        %mul3A_440 = vector.broadcast %mul3A_439 : i32 to vector<16xi32>
        %mul3A_441 = arith.muli %convert_element_type3A_407, %mul3A_440 : vector<16xi32>
        %add3A_442 = vector.broadcast %mul3A_37 : i32 to vector<16xi32>
        %add3A_443 = arith.addi %add3A_442, %mul3A_441 : vector<16xi32>
        %add3A_444 = arith.addi %add3A_443, %convert_element_type3A_405 : vector<16xi32>
        %swap3A_445 = arith.constant 3 : i32
        %swap3A_446 = arith.index_cast %swap3A_445 : i32 to index
        %swap3A_447 = arith.index_cast %mul3A_409 : i32 to index
        %swap3A_448 = tpu.vector_load %arg8[%swap3A_446, %swap3A_447] {strides = array<i32>} : memref<4x128xi32, #tpu.memory_space<vmem>>, vector<16xi32>,
        tpu.vector_store %arg8[%swap3A_446, %swap3A_447], %add3A_444 {strides = array<i32>} : memref<4x128xi32, #tpu.memory_space<vmem>>, vector<16xi32>,
        %swap3A_449 = arith.constant 0 : i32
        %swap3A_450 = arith.index_cast %swap3A_449 : i32 to index
        %swap3A_451 = arith.index_cast %mul3A_409 : i32 to index
        %swap3A_452 = tpu.vector_load %arg10[%swap3A_450, %swap3A_451] {strides = array<i32>} : memref<4x128xf32, #tpu.memory_space<vmem>>, vector<16xf32>,
        tpu.vector_store %arg10[%swap3A_450, %swap3A_451], %mul3A_394 {strides = array<i32>} : memref<4x128xf32, #tpu.memory_space<vmem>>, vector<16xf32>,
        %swap3A_453 = arith.constant 1 : i32
        %swap3A_454 = arith.index_cast %swap3A_453 : i32 to index
        %swap3A_455 = arith.index_cast %mul3A_409 : i32 to index
        %swap3A_456 = tpu.vector_load %arg10[%swap3A_454, %swap3A_455] {strides = array<i32>} : memref<4x128xf32, #tpu.memory_space<vmem>>, vector<16xf32>,
        tpu.vector_store %arg10[%swap3A_454, %swap3A_455], %mul3A_397 {strides = array<i32>} : memref<4x128xf32, #tpu.memory_space<vmem>>, vector<16xf32>,
        %swap3A_457 = arith.constant 2 : i32
        %swap3A_458 = arith.index_cast %swap3A_457 : i32 to index
        %swap3A_459 = arith.index_cast %mul3A_409 : i32 to index
        %swap3A_460 = tpu.vector_load %arg10[%swap3A_458, %swap3A_459] {strides = array<i32>} : memref<4x128xf32, #tpu.memory_space<vmem>>, vector<16xf32>,
        tpu.vector_store %arg10[%swap3A_458, %swap3A_459], %mul3A_400 {strides = array<i32>} : memref<4x128xf32, #tpu.memory_space<vmem>>, vector<16xf32>,
        %swap3A_461 = arith.constant 3 : i32
        %swap3A_462 = arith.index_cast %swap3A_461 : i32 to index
        %swap3A_463 = arith.index_cast %mul3A_409 : i32 to index
        %swap3A_464 = tpu.vector_load %arg10[%swap3A_462, %swap3A_463] {strides = array<i32>} : memref<4x128xf32, #tpu.memory_space<vmem>>, vector<16xf32>,
        tpu.vector_store %arg10[%swap3A_462, %swap3A_463], %mul3A_403 {strides = array<i32>} : memref<4x128xf32, #tpu.memory_space<vmem>>, vector<16xf32>,
      }
      %scan3A_182 = arith.constant 8 : i32
      %dma_start3A_183 = arith.constant 0 : i32
      %dma_start3A_184 = arith.constant 0 : i32
      %dma_start3A_185 = tpu.memref_slice %arg8[%dma_start3A_183, %dma_start3A_184] : memref<4x128xi32, #tpu.memory_space<vmem>> -> memref<1x128xi32, #tpu.memory_space<vmem>>
      %dma_start3A_186 = tpu.memref_squeeze %dma_start3A_185 : memref<1x128xi32, #tpu.memory_space<vmem>> -> memref<128xi32, #tpu.memory_space<vmem>>
      %dma_start3A_187 = arith.constant 0 : i32
      %dma_start3A_188 = arith.constant 0 : i32
      %dma_start3A_189 = tpu.memref_slice %arg4[%dma_start3A_187, %dma_start3A_188] : memref<401408x96xf32, #tpu.memory_space<hbm>> -> memref<401408x96xf32, #tpu.memory_space<hbm>>
      tpu.enqueue_indirect_dma source(%dma_start3A_189 : memref<401408x96xf32, #tpu.memory_space<hbm>>) target(%arg12 : memref<128x96xf32, #tpu.memory_space<vmem>>) offsets(%dma_start3A_186 : memref<128xi32, #tpu.memory_space<vmem>>) semaphore(%arg21 : memref<!tpu.dma_semaphore, #tpu.memory_space<semaphore_mem>>)
      %dma_start3A_190 = arith.constant 1 : i32
      %dma_start3A_191 = arith.constant 0 : i32
      %dma_start3A_192 = tpu.memref_slice %arg8[%dma_start3A_190, %dma_start3A_191] : memref<4x128xi32, #tpu.memory_space<vmem>> -> memref<1x128xi32, #tpu.memory_space<vmem>>
      %dma_start3A_193 = tpu.memref_squeeze %dma_start3A_192 : memref<1x128xi32, #tpu.memory_space<vmem>> -> memref<128xi32, #tpu.memory_space<vmem>>
      %dma_start3A_194 = arith.constant 0 : i32
      %dma_start3A_195 = arith.constant 0 : i32
      %dma_start3A_196 = tpu.memref_slice %arg4[%dma_start3A_194, %dma_start3A_195] : memref<401408x96xf32, #tpu.memory_space<hbm>> -> memref<401408x96xf32, #tpu.memory_space<hbm>>
      tpu.enqueue_indirect_dma source(%dma_start3A_196 : memref<401408x96xf32, #tpu.memory_space<hbm>>) target(%arg13 : memref<128x96xf32, #tpu.memory_space<vmem>>) offsets(%dma_start3A_193 : memref<128xi32, #tpu.memory_space<vmem>>) semaphore(%arg21 : memref<!tpu.dma_semaphore, #tpu.memory_space<semaphore_mem>>)
      %dma_start3A_197 = arith.constant 2 : i32
      %dma_start3A_198 = arith.constant 0 : i32
      %dma_start3A_199 = tpu.memref_slice %arg8[%dma_start3A_197, %dma_start3A_198] : memref<4x128xi32, #tpu.memory_space<vmem>> -> memref<1x128xi32, #tpu.memory_space<vmem>>
      %dma_start3A_200 = tpu.memref_squeeze %dma_start3A_199 : memref<1x128xi32, #tpu.memory_space<vmem>> -> memref<128xi32, #tpu.memory_space<vmem>>
      %dma_start3A_201 = arith.constant 0 : i32
      %dma_start3A_202 = arith.constant 0 : i32
      %dma_start3A_203 = tpu.memref_slice %arg4[%dma_start3A_201, %dma_start3A_202] : memref<401408x96xf32, #tpu.memory_space<hbm>> -> memref<401408x96xf32, #tpu.memory_space<hbm>>
      tpu.enqueue_indirect_dma source(%dma_start3A_203 : memref<401408x96xf32, #tpu.memory_space<hbm>>) target(%arg14 : memref<128x96xf32, #tpu.memory_space<vmem>>) offsets(%dma_start3A_200 : memref<128xi32, #tpu.memory_space<vmem>>) semaphore(%arg21 : memref<!tpu.dma_semaphore, #tpu.memory_space<semaphore_mem>>)
      %dma_start3A_204 = arith.constant 3 : i32
      %dma_start3A_205 = arith.constant 0 : i32
      %dma_start3A_206 = tpu.memref_slice %arg8[%dma_start3A_204, %dma_start3A_205] : memref<4x128xi32, #tpu.memory_space<vmem>> -> memref<1x128xi32, #tpu.memory_space<vmem>>
      %dma_start3A_207 = tpu.memref_squeeze %dma_start3A_206 : memref<1x128xi32, #tpu.memory_space<vmem>> -> memref<128xi32, #tpu.memory_space<vmem>>
      %dma_start3A_208 = arith.constant 0 : i32
      %dma_start3A_209 = arith.constant 0 : i32
      %dma_start3A_210 = tpu.memref_slice %arg4[%dma_start3A_208, %dma_start3A_209] : memref<401408x96xf32, #tpu.memory_space<hbm>> -> memref<401408x96xf32, #tpu.memory_space<hbm>>
      tpu.enqueue_indirect_dma source(%dma_start3A_210 : memref<401408x96xf32, #tpu.memory_space<hbm>>) target(%arg15 : memref<128x96xf32, #tpu.memory_space<vmem>>) offsets(%dma_start3A_207 : memref<128xi32, #tpu.memory_space<vmem>>) semaphore(%arg21 : memref<!tpu.dma_semaphore, #tpu.memory_space<semaphore_mem>>)
      %dma_wait3A_211 = arith.constant 0 : i32
      %dma_wait3A_212 = arith.constant 0 : i32
      %dma_wait3A_213 = tpu.memref_slice %arg4[%dma_wait3A_211, %dma_wait3A_212] : memref<401408x96xf32, #tpu.memory_space<hbm>> -> memref<128x96xf32, #tpu.memory_space<hbm>>
      %dma_wait3A_214 = arith.constant 0 : i32
      %dma_wait3A_215 = arith.constant 0 : i32
      %dma_wait3A_216 = tpu.memref_slice %arg4[%dma_wait3A_214, %dma_wait3A_215] : memref<401408x96xf32, #tpu.memory_space<hbm>> -> memref<128x96xf32, #tpu.memory_space<hbm>>
      tpu.wait_dma2 semaphore(%arg22 : memref<!tpu.dma_semaphore, #tpu.memory_space<semaphore_mem>>) src(%dma_wait3A_216 : memref<128x96xf32, #tpu.memory_space<hbm>>) dst(%arg16 : memref<128x96xf32, #tpu.memory_space<vmem>>)
      %dma_wait3A_217 = arith.constant 0 : i32
      %dma_wait3A_218 = arith.constant 0 : i32
      %dma_wait3A_219 = tpu.memref_slice %arg4[%dma_wait3A_217, %dma_wait3A_218] : memref<401408x96xf32, #tpu.memory_space<hbm>> -> memref<128x96xf32, #tpu.memory_space<hbm>>
      %dma_wait3A_220 = arith.constant 0 : i32
      %dma_wait3A_221 = arith.constant 0 : i32
      %dma_wait3A_222 = tpu.memref_slice %arg4[%dma_wait3A_220, %dma_wait3A_221] : memref<401408x96xf32, #tpu.memory_space<hbm>> -> memref<128x96xf32, #tpu.memory_space<hbm>>
      tpu.wait_dma2 semaphore(%arg22 : memref<!tpu.dma_semaphore, #tpu.memory_space<semaphore_mem>>) src(%dma_wait3A_222 : memref<128x96xf32, #tpu.memory_space<hbm>>) dst(%arg17 : memref<128x96xf32, #tpu.memory_space<vmem>>)
      %dma_wait3A_223 = arith.constant 0 : i32
      %dma_wait3A_224 = arith.constant 0 : i32
      %dma_wait3A_225 = tpu.memref_slice %arg4[%dma_wait3A_223, %dma_wait3A_224] : memref<401408x96xf32, #tpu.memory_space<hbm>> -> memref<128x96xf32, #tpu.memory_space<hbm>>
      %dma_wait3A_226 = arith.constant 0 : i32
      %dma_wait3A_227 = arith.constant 0 : i32
      %dma_wait3A_228 = tpu.memref_slice %arg4[%dma_wait3A_226, %dma_wait3A_227] : memref<401408x96xf32, #tpu.memory_space<hbm>> -> memref<128x96xf32, #tpu.memory_space<hbm>>
      tpu.wait_dma2 semaphore(%arg22 : memref<!tpu.dma_semaphore, #tpu.memory_space<semaphore_mem>>) src(%dma_wait3A_228 : memref<128x96xf32, #tpu.memory_space<hbm>>) dst(%arg18 : memref<128x96xf32, #tpu.memory_space<vmem>>)
      %dma_wait3A_229 = arith.constant 0 : i32
      %dma_wait3A_230 = arith.constant 0 : i32
      %dma_wait3A_231 = tpu.memref_slice %arg4[%dma_wait3A_229, %dma_wait3A_230] : memref<401408x96xf32, #tpu.memory_space<hbm>> -> memref<128x96xf32, #tpu.memory_space<hbm>>
      %dma_wait3A_232 = arith.constant 0 : i32
      %dma_wait3A_233 = arith.constant 0 : i32
      %dma_wait3A_234 = tpu.memref_slice %arg4[%dma_wait3A_232, %dma_wait3A_233] : memref<401408x96xf32, #tpu.memory_space<hbm>> -> memref<128x96xf32, #tpu.memory_space<hbm>>
      tpu.wait_dma2 semaphore(%arg22 : memref<!tpu.dma_semaphore, #tpu.memory_space<semaphore_mem>>) src(%dma_wait3A_234 : memref<128x96xf32, #tpu.memory_space<hbm>>) dst(%arg19 : memref<128x96xf32, #tpu.memory_space<vmem>>)
      %add3A_235 = arith.constant 1 : i32
      %add3A_236 = arith.addi %mul3A_101, %add3A_235 : i32
      %scan3A_237 = arith.constant 0 : i32
      %scan3A_238 = arith.constant 128 : i32
      %scan3A_239 = arith.addi %scan3A_237, %scan3A_238 : i32
      %scan3A_240 = arith.constant 1 : i32
      scf.for %scan3A_245 = %scan3A_237 to %scan3A_239 step %scan3A_240  : i32 {
        %broadcast_in_dim3A = vector.broadcast %scan3A_245 : i32 to vector<16xi32>
        %broadcast_in_dim3A_246 = arith.constant 0 : i32
        %broadcast_in_dim3A_247 = vector.broadcast %broadcast_in_dim3A_246 : i32 to vector<16xi32>
        %gather3A = tpu.vector_load_idx %arg11[%broadcast_in_dim3A_247, %broadcast_in_dim3A] : memref<4x128xf32, #tpu.memory_space<vmem>>[vector<16xi32>, vector<16xi32>], vector<16xf32>,
        %broadcast_in_dim3A_248 = arith.constant 1 : i32
        %broadcast_in_dim3A_249 = vector.broadcast %broadcast_in_dim3A_248 : i32 to vector<16xi32>
        %gather3A_250 = tpu.vector_load_idx %arg11[%broadcast_in_dim3A_249, %broadcast_in_dim3A] : memref<4x128xf32, #tpu.memory_space<vmem>>[vector<16xi32>, vector<16xi32>], vector<16xf32>,
        %broadcast_in_dim3A_251 = arith.constant 2 : i32
        %broadcast_in_dim3A_252 = vector.broadcast %broadcast_in_dim3A_251 : i32 to vector<16xi32>
        %gather3A_253 = tpu.vector_load_idx %arg11[%broadcast_in_dim3A_252, %broadcast_in_dim3A] : memref<4x128xf32, #tpu.memory_space<vmem>>[vector<16xi32>, vector<16xi32>], vector<16xf32>,
        %broadcast_in_dim3A_254 = arith.constant 3 : i32
        %broadcast_in_dim3A_255 = vector.broadcast %broadcast_in_dim3A_254 : i32 to vector<16xi32>
        %gather3A_256 = tpu.vector_load_idx %arg11[%broadcast_in_dim3A_255, %broadcast_in_dim3A] : memref<4x128xf32, #tpu.memory_space<vmem>>[vector<16xi32>, vector<16xi32>], vector<16xf32>,
        %get3A = arith.index_cast %scan3A_245 : i32 to index
        %get3A_257 = arith.constant 0 : index
        %get3A_258 = tpu.vector_load %arg16[%get3A, %get3A_257] {strides = array<i32>} : memref<128x96xf32, #tpu.memory_space<vmem>>, vector<16xf32>,
        %mul3A_259 = arith.mulf %gather3A, %get3A_258 : vector<16xf32>
        %get3A_260 = arith.index_cast %scan3A_245 : i32 to index
        %get3A_261 = arith.constant 0 : index
        %get3A_262 = tpu.vector_load %arg17[%get3A_260, %get3A_261] {strides = array<i32>} : memref<128x96xf32, #tpu.memory_space<vmem>>, vector<16xf32>,
        %mul3A_263 = arith.mulf %gather3A_250, %get3A_262 : vector<16xf32>
        %add3A_264 = arith.addf %mul3A_259, %mul3A_263 : vector<16xf32>
        %get3A_265 = arith.index_cast %scan3A_245 : i32 to index
        %get3A_266 = arith.constant 0 : index
        %get3A_267 = tpu.vector_load %arg18[%get3A_265, %get3A_266] {strides = array<i32>} : memref<128x96xf32, #tpu.memory_space<vmem>>, vector<16xf32>,
        %mul3A_268 = arith.mulf %gather3A_253, %get3A_267 : vector<16xf32>
        %add3A_269 = arith.addf %add3A_264, %mul3A_268 : vector<16xf32>
        %get3A_270 = arith.index_cast %scan3A_245 : i32 to index
        %get3A_271 = arith.constant 0 : index
        %get3A_272 = tpu.vector_load %arg19[%get3A_270, %get3A_271] {strides = array<i32>} : memref<128x96xf32, #tpu.memory_space<vmem>>, vector<16xf32>,
        %mul3A_273 = arith.mulf %gather3A_256, %get3A_272 : vector<16xf32>
        %add3A_274 = arith.addf %add3A_269, %mul3A_273 : vector<16xf32>
        %swap3A = arith.index_cast %scan3A_245 : i32 to index
        %swap3A_275 = arith.constant 0 : index
        %swap3A_276 = tpu.vector_load %arg20[%swap3A, %swap3A_275] {strides = array<i32>} : memref<128x96xf32, #tpu.memory_space<vmem>>, vector<16xf32>,
        tpu.vector_store %arg20[%swap3A, %swap3A_275], %add3A_274 {strides = array<i32>} : memref<128x96xf32, #tpu.memory_space<vmem>>, vector<16xf32>,
        %get3A_277 = arith.index_cast %scan3A_245 : i32 to index
        %get3A_278 = arith.constant 16 : index
        %get3A_279 = tpu.vector_load %arg16[%get3A_277, %get3A_278] {strides = array<i32>} : memref<128x96xf32, #tpu.memory_space<vmem>>, vector<16xf32>,
        %mul3A_280 = arith.mulf %gather3A, %get3A_279 : vector<16xf32>
        %get3A_281 = arith.index_cast %scan3A_245 : i32 to index
        %get3A_282 = arith.constant 16 : index
        %get3A_283 = tpu.vector_load %arg17[%get3A_281, %get3A_282] {strides = array<i32>} : memref<128x96xf32, #tpu.memory_space<vmem>>, vector<16xf32>,
        %mul3A_284 = arith.mulf %gather3A_250, %get3A_283 : vector<16xf32>
        %add3A_285 = arith.addf %mul3A_280, %mul3A_284 : vector<16xf32>
        %get3A_286 = arith.index_cast %scan3A_245 : i32 to index
        %get3A_287 = arith.constant 16 : index
        %get3A_288 = tpu.vector_load %arg18[%get3A_286, %get3A_287] {strides = array<i32>} : memref<128x96xf32, #tpu.memory_space<vmem>>, vector<16xf32>,
        %mul3A_289 = arith.mulf %gather3A_253, %get3A_288 : vector<16xf32>
        %add3A_290 = arith.addf %add3A_285, %mul3A_289 : vector<16xf32>
        %get3A_291 = arith.index_cast %scan3A_245 : i32 to index
        %get3A_292 = arith.constant 16 : index
        %get3A_293 = tpu.vector_load %arg19[%get3A_291, %get3A_292] {strides = array<i32>} : memref<128x96xf32, #tpu.memory_space<vmem>>, vector<16xf32>,
        %mul3A_294 = arith.mulf %gather3A_256, %get3A_293 : vector<16xf32>
        %add3A_295 = arith.addf %add3A_290, %mul3A_294 : vector<16xf32>
        %swap3A_296 = arith.index_cast %scan3A_245 : i32 to index
        %swap3A_297 = arith.constant 16 : index
        %swap3A_298 = tpu.vector_load %arg20[%swap3A_296, %swap3A_297] {strides = array<i32>} : memref<128x96xf32, #tpu.memory_space<vmem>>, vector<16xf32>,
        tpu.vector_store %arg20[%swap3A_296, %swap3A_297], %add3A_295 {strides = array<i32>} : memref<128x96xf32, #tpu.memory_space<vmem>>, vector<16xf32>,
        %get3A_299 = arith.index_cast %scan3A_245 : i32 to index
        %get3A_300 = arith.constant 32 : index
        %get3A_301 = tpu.vector_load %arg16[%get3A_299, %get3A_300] {strides = array<i32>} : memref<128x96xf32, #tpu.memory_space<vmem>>, vector<16xf32>,
        %mul3A_302 = arith.mulf %gather3A, %get3A_301 : vector<16xf32>
        %get3A_303 = arith.index_cast %scan3A_245 : i32 to index
        %get3A_304 = arith.constant 32 : index
        %get3A_305 = tpu.vector_load %arg17[%get3A_303, %get3A_304] {strides = array<i32>} : memref<128x96xf32, #tpu.memory_space<vmem>>, vector<16xf32>,
        %mul3A_306 = arith.mulf %gather3A_250, %get3A_305 : vector<16xf32>
        %add3A_307 = arith.addf %mul3A_302, %mul3A_306 : vector<16xf32>
        %get3A_308 = arith.index_cast %scan3A_245 : i32 to index
        %get3A_309 = arith.constant 32 : index
        %get3A_310 = tpu.vector_load %arg18[%get3A_308, %get3A_309] {strides = array<i32>} : memref<128x96xf32, #tpu.memory_space<vmem>>, vector<16xf32>,
        %mul3A_311 = arith.mulf %gather3A_253, %get3A_310 : vector<16xf32>
        %add3A_312 = arith.addf %add3A_307, %mul3A_311 : vector<16xf32>
        %get3A_313 = arith.index_cast %scan3A_245 : i32 to index
        %get3A_314 = arith.constant 32 : index
        %get3A_315 = tpu.vector_load %arg19[%get3A_313, %get3A_314] {strides = array<i32>} : memref<128x96xf32, #tpu.memory_space<vmem>>, vector<16xf32>,
        %mul3A_316 = arith.mulf %gather3A_256, %get3A_315 : vector<16xf32>
        %add3A_317 = arith.addf %add3A_312, %mul3A_316 : vector<16xf32>
        %swap3A_318 = arith.index_cast %scan3A_245 : i32 to index
        %swap3A_319 = arith.constant 32 : index
        %swap3A_320 = tpu.vector_load %arg20[%swap3A_318, %swap3A_319] {strides = array<i32>} : memref<128x96xf32, #tpu.memory_space<vmem>>, vector<16xf32>,
        tpu.vector_store %arg20[%swap3A_318, %swap3A_319], %add3A_317 {strides = array<i32>} : memref<128x96xf32, #tpu.memory_space<vmem>>, vector<16xf32>,
        %get3A_321 = arith.index_cast %scan3A_245 : i32 to index
        %get3A_322 = arith.constant 48 : index
        %get3A_323 = tpu.vector_load %arg16[%get3A_321, %get3A_322] {strides = array<i32>} : memref<128x96xf32, #tpu.memory_space<vmem>>, vector<16xf32>,
        %mul3A_324 = arith.mulf %gather3A, %get3A_323 : vector<16xf32>
        %get3A_325 = arith.index_cast %scan3A_245 : i32 to index
        %get3A_326 = arith.constant 48 : index
        %get3A_327 = tpu.vector_load %arg17[%get3A_325, %get3A_326] {strides = array<i32>} : memref<128x96xf32, #tpu.memory_space<vmem>>, vector<16xf32>,
        %mul3A_328 = arith.mulf %gather3A_250, %get3A_327 : vector<16xf32>
        %add3A_329 = arith.addf %mul3A_324, %mul3A_328 : vector<16xf32>
        %get3A_330 = arith.index_cast %scan3A_245 : i32 to index
        %get3A_331 = arith.constant 48 : index
        %get3A_332 = tpu.vector_load %arg18[%get3A_330, %get3A_331] {strides = array<i32>} : memref<128x96xf32, #tpu.memory_space<vmem>>, vector<16xf32>,
        %mul3A_333 = arith.mulf %gather3A_253, %get3A_332 : vector<16xf32>
        %add3A_334 = arith.addf %add3A_329, %mul3A_333 : vector<16xf32>
        %get3A_335 = arith.index_cast %scan3A_245 : i32 to index
        %get3A_336 = arith.constant 48 : index
        %get3A_337 = tpu.vector_load %arg19[%get3A_335, %get3A_336] {strides = array<i32>} : memref<128x96xf32, #tpu.memory_space<vmem>>, vector<16xf32>,
        %mul3A_338 = arith.mulf %gather3A_256, %get3A_337 : vector<16xf32>
        %add3A_339 = arith.addf %add3A_334, %mul3A_338 : vector<16xf32>
        %swap3A_340 = arith.index_cast %scan3A_245 : i32 to index
        %swap3A_341 = arith.constant 48 : index
        %swap3A_342 = tpu.vector_load %arg20[%swap3A_340, %swap3A_341] {strides = array<i32>} : memref<128x96xf32, #tpu.memory_space<vmem>>, vector<16xf32>,
        tpu.vector_store %arg20[%swap3A_340, %swap3A_341], %add3A_339 {strides = array<i32>} : memref<128x96xf32, #tpu.memory_space<vmem>>, vector<16xf32>,
        %get3A_343 = arith.index_cast %scan3A_245 : i32 to index
        %get3A_344 = arith.constant 64 : index
        %get3A_345 = tpu.vector_load %arg16[%get3A_343, %get3A_344] {strides = array<i32>} : memref<128x96xf32, #tpu.memory_space<vmem>>, vector<16xf32>,
        %mul3A_346 = arith.mulf %gather3A, %get3A_345 : vector<16xf32>
        %get3A_347 = arith.index_cast %scan3A_245 : i32 to index
        %get3A_348 = arith.constant 64 : index
        %get3A_349 = tpu.vector_load %arg17[%get3A_347, %get3A_348] {strides = array<i32>} : memref<128x96xf32, #tpu.memory_space<vmem>>, vector<16xf32>,
        %mul3A_350 = arith.mulf %gather3A_250, %get3A_349 : vector<16xf32>
        %add3A_351 = arith.addf %mul3A_346, %mul3A_350 : vector<16xf32>
        %get3A_352 = arith.index_cast %scan3A_245 : i32 to index
        %get3A_353 = arith.constant 64 : index
        %get3A_354 = tpu.vector_load %arg18[%get3A_352, %get3A_353] {strides = array<i32>} : memref<128x96xf32, #tpu.memory_space<vmem>>, vector<16xf32>,
        %mul3A_355 = arith.mulf %gather3A_253, %get3A_354 : vector<16xf32>
        %add3A_356 = arith.addf %add3A_351, %mul3A_355 : vector<16xf32>
        %get3A_357 = arith.index_cast %scan3A_245 : i32 to index
        %get3A_358 = arith.constant 64 : index
        %get3A_359 = tpu.vector_load %arg19[%get3A_357, %get3A_358] {strides = array<i32>} : memref<128x96xf32, #tpu.memory_space<vmem>>, vector<16xf32>,
        %mul3A_360 = arith.mulf %gather3A_256, %get3A_359 : vector<16xf32>
        %add3A_361 = arith.addf %add3A_356, %mul3A_360 : vector<16xf32>
        %swap3A_362 = arith.index_cast %scan3A_245 : i32 to index
        %swap3A_363 = arith.constant 64 : index
        %swap3A_364 = tpu.vector_load %arg20[%swap3A_362, %swap3A_363] {strides = array<i32>} : memref<128x96xf32, #tpu.memory_space<vmem>>, vector<16xf32>,
        tpu.vector_store %arg20[%swap3A_362, %swap3A_363], %add3A_361 {strides = array<i32>} : memref<128x96xf32, #tpu.memory_space<vmem>>, vector<16xf32>,
        %get3A_365 = arith.index_cast %scan3A_245 : i32 to index
        %get3A_366 = arith.constant 80 : index
        %get3A_367 = tpu.vector_load %arg16[%get3A_365, %get3A_366] {strides = array<i32>} : memref<128x96xf32, #tpu.memory_space<vmem>>, vector<16xf32>,
        %mul3A_368 = arith.mulf %gather3A, %get3A_367 : vector<16xf32>
        %get3A_369 = arith.index_cast %scan3A_245 : i32 to index
        %get3A_370 = arith.constant 80 : index
        %get3A_371 = tpu.vector_load %arg17[%get3A_369, %get3A_370] {strides = array<i32>} : memref<128x96xf32, #tpu.memory_space<vmem>>, vector<16xf32>,
        %mul3A_372 = arith.mulf %gather3A_250, %get3A_371 : vector<16xf32>
        %add3A_373 = arith.addf %mul3A_368, %mul3A_372 : vector<16xf32>
        %get3A_374 = arith.index_cast %scan3A_245 : i32 to index
        %get3A_375 = arith.constant 80 : index
        %get3A_376 = tpu.vector_load %arg18[%get3A_374, %get3A_375] {strides = array<i32>} : memref<128x96xf32, #tpu.memory_space<vmem>>, vector<16xf32>,
        %mul3A_377 = arith.mulf %gather3A_253, %get3A_376 : vector<16xf32>
        %add3A_378 = arith.addf %add3A_373, %mul3A_377 : vector<16xf32>
        %get3A_379 = arith.index_cast %scan3A_245 : i32 to index
        %get3A_380 = arith.constant 80 : index
        %get3A_381 = tpu.vector_load %arg19[%get3A_379, %get3A_380] {strides = array<i32>} : memref<128x96xf32, #tpu.memory_space<vmem>>, vector<16xf32>,
        %mul3A_382 = arith.mulf %gather3A_256, %get3A_381 : vector<16xf32>
        %add3A_383 = arith.addf %add3A_378, %mul3A_382 : vector<16xf32>
        %swap3A_384 = arith.index_cast %scan3A_245 : i32 to index
        %swap3A_385 = arith.constant 80 : index
        %swap3A_386 = tpu.vector_load %arg20[%swap3A_384, %swap3A_385] {strides = array<i32>} : memref<128x96xf32, #tpu.memory_space<vmem>>, vector<16xf32>,
        tpu.vector_store %arg20[%swap3A_384, %swap3A_385], %add3A_383 {strides = array<i32>} : memref<128x96xf32, #tpu.memory_space<vmem>>, vector<16xf32>,
      }
      %scan3A_241 = arith.constant 128 : i32
      %mul3A_242 = arith.constant 128 : i32
      %mul3A_243 = arith.muli %add3A_236, %mul3A_242 : i32
      %add3A_244 = arith.addi %add3A_35, %mul3A_243 : i32
      "tpu.region"() ({
        %run_scoped3A = tpu.sem_alloc : memref<!tpu.dma_semaphore, #tpu.memory_space<semaphore_mem>>
        %dma_start3A_245 = arith.constant 0 : i32
        %dma_start3A_246 = tpu.memref_slice %arg5[%add3A_244, %dma_start3A_245] : memref<401408x96xf32, #tpu.memory_space<hbm>> -> memref<128x96xf32, #tpu.memory_space<hbm>>
        %dma_start3A_247 = arith.constant 0 : i32
        %dma_start3A_248 = tpu.memref_slice %arg5[%add3A_244, %dma_start3A_247] : memref<401408x96xf32, #tpu.memory_space<hbm>> -> memref<128x96xf32, #tpu.memory_space<hbm>>
        tpu.enqueue_dma source(%arg20 : memref<128x96xf32, #tpu.memory_space<vmem>>) target(%dma_start3A_248 : memref<128x96xf32, #tpu.memory_space<hbm>>) target_semaphore(%run_scoped3A : memref<!tpu.dma_semaphore, #tpu.memory_space<semaphore_mem>>)
        %dma_wait3A_249 = arith.constant 0 : i32
        %dma_wait3A_250 = tpu.memref_slice %arg5[%add3A_244, %dma_wait3A_249] : memref<401408x96xf32, #tpu.memory_space<hbm>> -> memref<128x96xf32, #tpu.memory_space<hbm>>
        %dma_wait3A_251 = arith.constant 0 : i32
        %dma_wait3A_252 = tpu.memref_slice %arg5[%add3A_244, %dma_wait3A_251] : memref<401408x96xf32, #tpu.memory_space<hbm>> -> memref<128x96xf32, #tpu.memory_space<hbm>>
        tpu.wait_dma2 semaphore(%run_scoped3A : memref<!tpu.dma_semaphore, #tpu.memory_space<semaphore_mem>>) src(%arg20 : memref<128x96xf32, #tpu.memory_space<vmem>>) dst(%dma_wait3A_252 : memref<128x96xf32, #tpu.memory_space<hbm>>)
        tpu.yield
      }) : () -> ()
    }
    %scan3A_75 = arith.constant 49 : i32
    %dma_wait3A = arith.constant 0 : i32
    %dma_wait3A_76 = arith.constant 0 : i32
    %dma_wait3A_77 = tpu.memref_slice %arg4[%dma_wait3A, %dma_wait3A_76] : memref<401408x96xf32, #tpu.memory_space<hbm>> -> memref<128x96xf32, #tpu.memory_space<hbm>>
    %dma_wait3A_78 = arith.constant 0 : i32
    %dma_wait3A_79 = arith.constant 0 : i32
    %dma_wait3A_80 = tpu.memref_slice %arg4[%dma_wait3A_78, %dma_wait3A_79] : memref<401408x96xf32, #tpu.memory_space<hbm>> -> memref<128x96xf32, #tpu.memory_space<hbm>>
    tpu.wait_dma2 semaphore(%arg21 : memref<!tpu.dma_semaphore, #tpu.memory_space<semaphore_mem>>) src(%dma_wait3A_80 : memref<128x96xf32, #tpu.memory_space<hbm>>) dst(%arg12 : memref<128x96xf32, #tpu.memory_space<vmem>>)
    %dma_wait3A_81 = arith.constant 0 : i32
    %dma_wait3A_82 = arith.constant 0 : i32
    %dma_wait3A_83 = tpu.memref_slice %arg4[%dma_wait3A_81, %dma_wait3A_82] : memref<401408x96xf32, #tpu.memory_space<hbm>> -> memref<128x96xf32, #tpu.memory_space<hbm>>
    %dma_wait3A_84 = arith.constant 0 : i32
    %dma_wait3A_85 = arith.constant 0 : i32
    %dma_wait3A_86 = tpu.memref_slice %arg4[%dma_wait3A_84, %dma_wait3A_85] : memref<401408x96xf32, #tpu.memory_space<hbm>> -> memref<128x96xf32, #tpu.memory_space<hbm>>
    tpu.wait_dma2 semaphore(%arg21 : memref<!tpu.dma_semaphore, #tpu.memory_space<semaphore_mem>>) src(%dma_wait3A_86 : memref<128x96xf32, #tpu.memory_space<hbm>>) dst(%arg13 : memref<128x96xf32, #tpu.memory_space<vmem>>)
    %dma_wait3A_87 = arith.constant 0 : i32
    %dma_wait3A_88 = arith.constant 0 : i32
    %dma_wait3A_89 = tpu.memref_slice %arg4[%dma_wait3A_87, %dma_wait3A_88] : memref<401408x96xf32, #tpu.memory_space<hbm>> -> memref<128x96xf32, #tpu.memory_space<hbm>>
    %dma_wait3A_90 = arith.constant 0 : i32
    %dma_wait3A_91 = arith.constant 0 : i32
    %dma_wait3A_92 = tpu.memref_slice %arg4[%dma_wait3A_90, %dma_wait3A_91] : memref<401408x96xf32, #tpu.memory_space<hbm>> -> memref<128x96xf32, #tpu.memory_space<hbm>>
    tpu.wait_dma2 semaphore(%arg21 : memref<!tpu.dma_semaphore, #tpu.memory_space<semaphore_mem>>) src(%dma_wait3A_92 : memref<128x96xf32, #tpu.memory_space<hbm>>) dst(%arg14 : memref<128x96xf32, #tpu.memory_space<vmem>>)
    %dma_wait3A_93 = arith.constant 0 : i32
    %dma_wait3A_94 = arith.constant 0 : i32
    %dma_wait3A_95 = tpu.memref_slice %arg4[%dma_wait3A_93, %dma_wait3A_94] : memref<401408x96xf32, #tpu.memory_space<hbm>> -> memref<128x96xf32, #tpu.memory_space<hbm>>
    %dma_wait3A_96 = arith.constant 0 : i32
    %dma_wait3A_97 = arith.constant 0 : i32
    %dma_wait3A_98 = tpu.memref_slice %arg4[%dma_wait3A_96, %dma_wait3A_97] : memref<401408x96xf32, #tpu.memory_space<hbm>> -> memref<128x96xf32, #tpu.memory_space<hbm>>
    tpu.wait_dma2 semaphore(%arg21 : memref<!tpu.dma_semaphore, #tpu.memory_space<semaphore_mem>>) src(%dma_wait3A_98 : memref<128x96xf32, #tpu.memory_space<hbm>>) dst(%arg15 : memref<128x96xf32, #tpu.memory_space<vmem>>)
    return
  }
}

</mosaic_0001>

<sc_bundles>
// kernel: kernel.3.cloned.1.call-start
scs
__scs_entry_jumppad:
0x0: {  	(pc) =	sbr.rel $0x88, $3  }
0x1: {  	(tag) =	ssettag $0x0;
	lr =	simm.s32 $0x1  }
0x2: {  	[smem:$0x3F9F] =	sst lr;
	_ =	strace $0xD0000000  }
0x3: {  	_ = 	snop  }
0x4: {  	_ = 	snop  }
0x5: {  	_ = 	snop  }
0x6: {  	_ = 	snop  }
0x7: {  	_ = 	snop  }
__scs_overlays_trampoline_lowered:
0x8: {  	[smem:$0x3FAE] =	sst s0  }
0x9: {  	[smem:$0x3FAF] =	sst s1  }
0xa: {  	[smem:$0x3FB0] =	sst s2  }
0xb: {  	[smem:$0x3FB1] =	sst s3  }
0xc: {  	[smem:$0x3FB2] =	sst s4  }
0xd: {  	[smem:$0x3FB3] =	sst s5  }
0xe: {  	[smem:$0x3FB4] =	sst s6  }
0xf: {  	[smem:$0x3FB5] =	sst s7  }
0x10: {  	[smem:$0x3FB6] =	sst s8  }
0x11: {  	[smem:$0x3FB7] =	sst s9;
	s0 =	simm.s32 @!p0 $0x0  }
0x12: {  	s1 =	sld [smem:$0x3F9D];
	s0 =	simm.s32 @p0 $0x1  }
0x13: {  	[smem:$0x3FB8] =	sst s0;
	s0 =	simm.s32 @!p1 $0x0  }
0x14: {  	s2 =	sld [smem:$0x3F9C];
	s0 =	simm.s32 @p1 $0x1  }
0x15: {  	[smem:$0x3FB9] =	sst s0;
	s0 =	simm.s32 @!p2 $0x0  }
0x16: {  	s3 =	sld [smem:$0x3FDB];
	s0 =	simm.s32 @p2 $0x1  }
0x17: {  	s4 =	simm.s32 $0x1BF5;
	[smem:$0x3FBB] =	sst s0  }
0x18: {  	s0 =	sld [smem:$0x3F9E];
	_ =	swait.ge [sflag:s4], $0x0  }
0x19: {  	s7 =	sld [smem:$0x3F9F]  }
0x1a: {  	s8 =	sadd.s32 $0xFFFFE003, lr  }
0x1b: {  	s9 =	sadd.s32 $0xFFFFFEF7, lr;
	s5 =	simm.s32 $0xFFFFFFFF;
	p2 =	slt.u32 s8, $0xFFFFF086  }
0x1c: {  	p1 =	slt.u32 s9, $0xF7A;
	s5 =	simm.s32 @!p2 $0x0  }
0x1d: {  	s5 =	simm.s32 @p1 $0x1;
	p0 =	seq.s32 s7, s2  }
0x1e: {  	s7 =	smul.u32 @!p0 $0xF7A, s2;
	p2 =	seq.s32 @!p0 s5, $0x0  }
0x1f: {  	s9 =	smul.u32 $0xF7A, s1;
	s8 =	simm.s32 @!p0 $0x1BF5;
	p2 =	por !p2, p0  }
0x20: {  	[sflag:s8] =	ssyncset.s32 @!p0 $0xFFFFF086;
	s6 =	sadd.s32 @!p0 s3, s7;
	s7 =	simm.s32 @!p0 $0x108  }
0x21: {  	s3 =	sadd.s32 s3, s9;
	s6 =	sadd.s32 @!p0 $0x88, s6;
	s7 =	simm.s32 @p2 $0x1082  }
0x22: {  	[simem:s7], [sflag:s8] =	dma.local @!p0 [hbm:s6], $0xF7A  }
0x23: {  	s9 =	sor.u32 $0xD0000000, s2;
	s6 =	simm.s32 $0x108;
	_ =	swait.ge @!p0 [sflag:s8], $0x0  }
0x24: {  	s3 =	sadd.s32 $0x88, s3;
	s6 =	simm.s32 @!p1 $0x1082;
	[sflag:s4] =	ssyncset.s32 $0xFFFFF086  }
0x25: {  	[simem:s6], [sflag:s4] =	dma.local [hbm:s3], $0xF7A  }
0x26: {  	[smem:$0x3F9F] =	sst s1;
	(tag) =	ssettag s2;
	_ =	strace s9  }
0x27: {  	s1 =	sld [smem:$0x3FAF]  }
0x28: {  	s2 =	sld [smem:$0x3FB0]  }
0x29: {  	s4 =	sld [smem:$0x3FB2]  }
0x2a: {  	p0 =	seq.s32 s5, $0x0;
	s5 =	sld [smem:$0x3FB3]  }
0x2b: {  	s6 =	sld [smem:$0x3FB4]  }
0x2c: {  	s7 =	sld [smem:$0x3FB5]  }
0x2d: {  	s3 =	simm.s32 $0x108;
	s8 =	sld [smem:$0x3FB6]  }
0x2e: {  	s3 =	simm.s32 @!p0 $0x1082;
	s9 =	sld [smem:$0x3FB7]  }
0x2f: {  	lr =	sadd.s32 s0, s3;
	s0 =	sld [smem:$0x3FAE]  }
0x30: {  	s3 =	sld [smem:$0x3FB1]  }
0x31: {  	[smem:$0x3FBA] =	sst s10  }
0x32: {  	s10 =	sld [smem:$0x3FB8];
	_ =	sdelay $0x3  }
0x33: {  	p0 =	seq.s32 s10, $0x1;
	s10 =	sld [smem:$0x3FBA];
	_ =	sdelay $0x3  }
0x34: {  	[smem:$0x3FBA] =	sst s10  }
0x35: {  	s10 =	sld [smem:$0x3FB9];
	_ =	sdelay $0x3  }
0x36: {  	p1 =	seq.s32 s10, $0x1;
	s10 =	sld [smem:$0x3FBA];
	_ =	sdelay $0x3  }
0x37: {  	[smem:$0x3FBA] =	sst s10  }
0x38: {  	s10 =	sld [smem:$0x3FBB]  }
0x39: {  	_ = 	snop;
	(pc) =	sbr.ind lr, $3  }
0x3a: {  	_ = 	snop  }
0x3b: {  	_ = 	snop  }
0x3c: {  	p2 =	seq.s32 s10, $0x1;
	s10 =	sld [smem:$0x3FBA]  }
0x3d: {  	_ =	shalt  }
0x3e: {  	_ =	shalt  }
0x3f: {  	_ =	shalt  }
0x40: {  	_ =	shalt  }
0x41: {  	_ =	shalt  }
0x42: {  	_ =	shalt  }
0x43: {  	_ =	shalt  }
0x44: {  	_ =	shalt  }
0x45: {  	_ =	shalt  }
0x46: {  	_ =	shalt  }
0x47: {  	_ =	shalt  }
0x48: {  	_ =	shalt  }
0x49: {  	_ =	shalt  }
0x4a: {  	_ =	shalt  }
0x4b: {  	_ =	shalt  }
0x4c: {  	_ =	shalt  }
0x4d: {  	_ =	shalt  }
0x4e: {  	_ =	shalt  }
0x4f: {  	_ =	shalt  }
0x50: {  	_ =	shalt  }
0x51: {  	_ =	shalt  }
0x52: {  	_ =	shalt  }
0x53: {  	_ =	shalt  }
0x54: {  	_ =	shalt  }
0x55: {  	_ =	shalt  }
0x56: {  	_ =	shalt  }
0x57: {  	_ =	shalt  }
0x58: {  	_ =	shalt  }
0x59: {  	_ =	shalt  }
0x5a: {  	_ =	shalt  }
0x5b: {  	_ =	shalt  }
0x5c: {  	_ =	shalt  }
0x5d: {  	_ =	shalt  }
0x5e: {  	_ =	shalt  }
0x5f: {  	_ =	shalt  }
0x60: {  	_ =	shalt  }
0x61: {  	_ =	shalt  }
0x62: {  	_ =	shalt  }
0x63: {  	_ =	shalt  }
0x64: {  	_ =	shalt  }
0x65: {  	_ =	shalt  }
0x66: {  	_ =	shalt  }
0x67: {  	_ =	shalt  }
0x68: {  	_ =	shalt  }
0x69: {  	_ =	shalt  }
0x6a: {  	_ =	shalt  }
0x6b: {  	_ =	shalt  }
0x6c: {  	_ =	shalt  }
0x6d: {  	_ =	shalt  }
0x6e: {  	_ =	shalt  }
0x6f: {  	_ =	shalt  }
0x70: {  	_ =	shalt  }
0x71: {  	_ =	shalt  }
0x72: {  	_ =	shalt  }
0x73: {  	_ =	shalt  }
0x74: {  	_ =	shalt  }
0x75: {  	_ =	shalt  }
0x76: {  	_ =	shalt  }
0x77: {  	_ =	shalt  }
0x78: {  	_ =	shalt  }
0x79: {  	_ =	shalt  }
0x7a: {  	_ =	shalt  }
0x7b: {  	_ =	shalt  }
0x7c: {  	_ =	shalt  }
0x7d: {  	_ =	shalt  }
0x7e: {  	_ =	shalt  }
0x7f: {  	_ =	shalt  }
0x80: {  	_ =	shalt  }
0x81: {  	_ =	shalt  }
0x82: {  	_ =	shalt  }
0x83: {  	_ =	shalt  }
0x84: {  	_ =	shalt  }
0x85: {  	_ =	shalt  }
0x86: {  	_ =	shalt  }
0x87: {  	_ =	shalt  }
.Lfunc_end0:
.L_simem_size_0:
called_computation.1_lowered:
.L_overlay_start_0:
0x88: {  	s2 =	sld [smem:$0x3FD9]  }
0x89: {  	s3 =	sld [smem:$0x3FFE];
	_ =	sdelay $0x1  }
0x8a: {  	s1 =	srdreg.scid  }
0x8b: {  	s0 =	sand.u32 $0x1, s1  }
0x8c: {  	s17 =	sshll.u32 s0, $0xA;
	s2 =	sadd.s32 s3, s2  }
0x8d: {  	s2 =	sadd.s32 s2, s17  }
0x8e: {  	[smem:$0x3FC6] =	sst s2  }
0x8f: {  	_ = 	snop  }
0x90: {  	s2 =	sld [smem:$0x3FD0];
	(tm) =	ssettm $0x1  }
0x91: {  	s18 =	sld [smem:$0x3FFB];
	_ =	sdelay $0x3  }
0x92: {  	_ =	strace s18  }
0x93: {  	s3 =	sld [smem:$0x3FFC];
	_ =	sdelay $0x3  }
0x94: {  	_ =	strace s3  }
0x95: {  	s3 =	sld [smem:$0x3FFD];
	_ =	sdelay $0x3  }
0x96: {  	_ =	strace s3  }
0x97: {  	_ =	strace $0x8FFFFFFF  }
0x98: {  	s19 =	sld [smem:$0x3FDB];
	_ =	sdelay $0x1  }
0x99: {  	s4 =	simm.s32 $_scs_section_size  }
0x9a: {  	s5 =	simm.s32 $_size__tile_overlayer_lowered;
	s6 =	simm.s32 $_tile_overlayer_lowered  }
0x9b: {  	s22 =	simm.s32 $0x1BFF;
	s21 =	sshll.u32 s6, $0x1;
	s3 =	sadd.s32 s4, s19  }
0x9c: {  	s7 =	simm.s32 $0x0;
	s20 =	sshll.u32 s5, $0x1;
	s5 =	sadd.s32 s21, s3  }
0x9d: {  	[timem:s7], [sflag:s22] =	dma.local [hbm:s5], s20  }
0x9e: {  	_ =	swait.ge [sflag:s22], s20  }
0x9f: {  	s4 =	ssub.s32 $0x0, s20;
	[sflag:s22] =	ssyncset.done $0x0  }
0xa0: {  	[sflag:s22] =	ssyncadd.s32 s4;
	_ =	sdelay $0x1  }
0xa1: {  	s23 =	simm.s32 $0x1B8B  }
0xa2: {  	_ =	swait.ge [sflag:s23], $0x1  }
0xa3: {  	[sflag:s23] =	ssyncset.done $0x0  }
0xa4: {  	s25 =	simm.s32 $0x1B8E;
	s24 =	sld [smem:$0x3FFE];
	[sflag:s23] =	ssyncadd.s32 $0xFFFFFFFF  }
0xa5: {  	s26 =	simm.s32 $execute0_lowered;
	[smem:$0x3FD2] =	sst s25  }
0xa6: {  	s5 =	sshll.u32 s26, $0x1;
	_ =	strace $0x80000046;
	[dreg:$0x1] =	wrdreg $0xFFFFFFFF  }
0xa7: {  	s28 =	simm.s32 $_size_execute0_lowered;
	s3 =	sadd.s32 s3, s5;
	[dreg:$0x0] =	wrdreg $0x0  }
0xa8: {  	s5 =	sshll.u32 s28, $0x1;
	[dreg:$0x2] =	wrdreg s3  }
0xa9: {  	[dreg:$0x3] =	wrdreg s5  }
0xaa: {  	[dreg:$0x4] =	wrdreg $0xC0  }
0xab: {  	_ =	task [dreg:s7], $0x5FFFF  }
0xac: {  	[dreg:$0x1] =	wrdreg $0xFFFFFFFF  }
0xad: {  	[dreg:$0x0] =	wrdreg $0x60  }
0xae: {  	[dreg:$0x2] =	wrdreg s24  }
0xaf: {  	[dreg:$0x3] =	wrdreg s2  }
0xb0: {  	[dreg:$0x4] =	wrdreg $0x9  }
0xb1: {  	_ =	task.clear_ibuf [dreg:s7], $0x5FFFF;
	_ =	strace $0x90000046  }
0xb2: {  	s29 =	simm.s32 $0x9;
	_ =	strace $0x80000048  }
0xb3: {  	_ =	swait.ge [sflag:s29], $0x1  }
0xb4: {  	[sflag:s29] =	ssyncadd.s32 $0xFFFFFFFF  }
0xb5: {  	_ =	strace $0x90000048  }
0xb6: {  	_ =	sfence  }
0xb7: {  	s30 =	sld [smem:$0x0];
	_ =	sdelay $0x2  }
0xb8: {  	s31 =	sshll.u32 s1, $0xD;
	s1 =	sshrl.u32 s1, $0x2  }
0xb9: {  	s3 =	sand.u32 $0x4000, s31;
	s1 =	sadd.s32 s1, s30  }
0xba: {  	s0 =	sor.u32 s3, s0;
	s1 =	sshll.u32 s1, $0x11  }
0xbb: {  	s0 =	sor.u32 s1, s0  }
0xbc: {  	s0 =	sadd.s32 $0x8F2B, s0  }
0xbd: {  	[sflag:s0] =	ssyncadd.remote.s32 $0x1  }
0xbe: {  	_ =	sfence.sel $0xFFFF  }
0xbf: {  	[dreg:$0x0] =	wrdreg $0xFFFFFFFF;
	(pc) =	sbr.abs _section_cstart, $3  }
0xc0: {  	[dreg:$0x1] =	wrdreg $0xFFFFFFFF  }
0xc1: {  	_ =	task.clear_ibuf [dreg:s7], $0x2FFFF;
	_ =	strace $0x9FFFFFFF  }
0xc2: {  	(tm) =	ssettm $0x7FFFFFFF  }
0xc3: {  	_ =	shalt  }
tec
execute0_lowered:
.L_overlay_start_1:
0x0: {  	(tag) =	ssettag $0x1  }
0x1: {  	s0 =	rddreg [dreg:$0x0]  }
0x2: {  	s2 =	rddreg [dreg:$0x1]  }
0x3: {  	s9 =	stileid.u32;
	s1 =	srdreg.scid  }
0x4: {  	s12 =	simm.s32 $0x3;
	s13 =	simm.s32 $0x60;
	s14 =	simm.s32 $0x80  }
0x5: {  	s18 =	simm.s32 $0x3A20;
	s19 =	simm.s32 $0x320;
	s20 =	simm.s32 $0x6A20  }
0x6: {  	s21 =	simm.s32 $0x3A0;
	s22 =	simm.s32 $0x9A20;
	s4 =	sshrl.u32 s9, $0x1  }
0x7: {  	s3 =	sshll.u32 s9, $0x1;
	s1 =	sand.u32 $0x1, s1;
	s6 =	smul.u32 $0xC, s4  }
0x8: {  	s24 =	sand.u32 $0x1, s9;
	s28 =	sadd.s32 $0x800, s0;
	s8 =	smul.u32 $0xC400, s4  }
0x9: {  	s5 =	sand.u32 $0x2, s3;
	s3 =	simm.s32 $0x0;
	s4 =	smul.u32 $0x6200, s24  }
0xa: {  	s26 =	ssub.s32 $0x2, s1;
	s5 =	sor.u32 s1, s5;
	s1 =	smul.u32 $0x3100, s1  }
0xb: {  	[smem:$0x7FF] =	sst s3;
	s10 =	sshrl.u32 s26, $0x1;
	s7 =	smul.u32 $0x3100, s5  }
0xc: {  	_ =	strace $0x80000047;
	s25 =	sadd.s32 s6, s0;
	[dreg:$0x3] =	wrdreg s28  }
0xd: {  	s5 =	sadd.s32 $0xC00, s0;
	s29 =	ssub.s32 s26, s10;
	s30 =	sadd.s32 $0xA00, s25  }
0xe: {  	s10 =	simm.s32 $0x0;
	s0 =	smax.u32 s29, $0x1;
	[dreg:$0x4] =	wrdreg s30  }
0xf: {  	s31 =	sadd.s32 s1, s4;
	s4 =	simm.s32 $0x18A20;
	[dreg:$0x5] =	wrdreg s0  }
0x10: {  	s6 =	sadd.s32 s8, s7;
	s1 =	sor.u32 $0x80, s31;
	[dreg:$0x6] =	wrdreg s31  }
0x11: {  	s11 =	sadd.s32 $0x100, s31;
	s0 =	simm.s32 $0x1;
	s7 =	simm.s32 $0x2  }
0x12: {  	v1 =	vlaneseq.u32;
	v2 =	vimm.s32 $0x0;
	v0 =	vmov s8;
	s8 =	simm.s32 $0x820;
	[dreg:$0x7] =	wrdreg s1;
	s1 =	simm.s32 $0x620  }
.LBB2_1:
0x13: {  	s30 =	rddreg [dreg:$0x6]  }
0x14: {  	v3 =	vmov s30  }
0x15: {  	v4 =	vshrl.u32 v3, $0x5  }
0x16: {  	v4 =	vmulhi.u32 $0x24924925, v4;
	_ =	sdelay $0x1  }
0x17: {  	v5 =	vmul.u32 $0xE0, v4  }
0x18: {  	[dreg:$0x8] =	wrdreg s10;
	v6 =	vor.u32 s30, v1  }
0x19: {  	s9 =	rddreg [dreg:$0x4];
	v7 =	vsub.s32 v6, v5  }
0x1a: {  	[tilespmem:s3], [sflag:$0x3] =	stream.linear.gather [hbm4b:s9+s3], $0x60, $0x38;
	vm0 =	veq.s32 v3, v1;
	vm1 =	vne.s32 v7, $0x0;
	[tilespmem:$0x1BA20] =	vst v63  }
0x1b: {  	_ =	swait.ge [sflag:s12], $0x60;
	vm0 =	vmand vm0, vm1  }
0x1c: {  	[sflag:s12] =	ssyncset.done $0x0;
	v3 =	vsel vm0, $0xFFFFFFFF, v2  }
0x1d: {  	s15 =	sadd.s32 $0x10, s30;
	s31 =	rddreg [dreg:$0x3];
	[sflag:s12] =	ssyncadd.s32 $0xFFFFFFA0;
	v3 =	vadd.s32 v3, v4  }
0x1e: {  	v8 =	vmov s15;
	[tilespmem:s13], [sflag:$0x3] =	stream.linear.gather [hbm4b:s31+s3], $0x1C0, $0x38;
	v3 =	vadd.s32 $0xE0, v3;
	[tilespmem:$0x1BA20] =	vst v63  }
0x1f: {  	_ =	swait.ge [sflag:s12], $0x1C0;
	v4 =	vshrl.u32 v8, $0x5  }
0x20: {  	[sflag:s12] =	ssyncset.done $0x0;
	v4 =	vmulhi.u32 $0x24924925, v4  }
0x21: {  	[sflag:s12] =	ssyncadd.s32 $0xFFFFFE40  }
0x22: {  	v6 =	vld [tilespmem:$0x10];
	v9 =	vmul.u32 $0xE0, v4  }
0x23: {  	v5 =	vld.idx.msk [tilespmem:v3+s13+$0x0], $0xffff;
	v3 =	vor.u32 s15, v1  }
0x24: {  	s10 =	simm.s32 $0xFFFFFE00;
	s16 =	simm.s32 $0xFFFFFE80;
	s9 =	simm.s32 $0xFFFFFE40;
	vm0 =	veq.s32 v8, v1;
	v7 =	vld.idx.msk [tilespmem:v7+s13+$0x0], $0xffff;
	v3 =	vsub.s32 v3, v9  }
.LBB2_2:
0x25: {  	p0 =	sne.s32 s16, $0xFFFFFFC0;
	vm1 =	vne.s32 v3, $0x0;
	v8 =	vld [tilespmem:$0x0];
	s17 =	smov.u32 s16;
	s16 =	sadd.s32 $0x40, s16  }
0x26: {  	vm0 =	vmand vm0, vm1;
	v9 =	vld [tilespmem:$0x40]  }
0x27: {  	v10 =	vsel vm0, $0xFFFFFFFF, v2;
	v11 =	vld [tilespmem:$0x30]  }
0x28: {  	v4 =	vadd.s32 v10, v4  }
0x29: {  	v10 =	vadd.s32 $0xE0, v4;
	v4 =	vld [tilespmem:$0x20]  }
0x2a: {  	v6 =	vmul.f32 v5, v6;
	v8 =	vmul.f32 v7, v8  }
0x2b: {  	v12 =	vld [tilespmem:$0x50]  }
0x2c: {  	v5 =	vmul.f32 v5, v9;
	v6 =	vadd.f32 v6, v8;
	v7 =	vmul.f32 v7, v11;
	_ =	sdelay $0x1  }
0x2d: {  	v4 =	vadd.f32 v6, v4;
	v5 =	vadd.f32 v5, v7;
	_ =	sdelay $0x1  }
0x2e: {  	v4 =	vadd.f32 $1.000000000e+00, v4;
	v5 =	vadd.f32 v5, v12;
	_ =	sdelay $0x1  }
0x2f: {  	v4 =	vmul.f32 $1.120000000e+02, v4;
	v5 =	vadd.f32 $1.000000000e+00, v5;
	_ =	sdelay $0x1  }
0x30: {  	v5 =	vmul.f32 $1.120000000e+02, v5;
	v6 =	vtrunc.f32 v4  }
0x31: {  	v6 =	vcvt.f32.s32 v6  }
0x32: {  	v7 =	vtrunc.f32 v5  }
0x33: {  	v6 =	vcvt.s32.f32 v6;
	v7 =	vcvt.f32.s32 v7;
	_ =	sdelay $0x1  }
0x34: {  	vm0 =	vlt.f32 v4, v6;
	v8 =	vadd.f32 $-1.000000000e+00, v6;
	v7 =	vcvt.s32.f32 v7;
	_ =	sdelay $0x1  }
0x35: {  	v6 =	vsel vm0, v8, v6;
	vm0 =	vlt.f32 v5, v7;
	v8 =	vadd.f32 $-1.000000000e+00, v7  }
0x36: {  	v9 =	vmax.f32 v6, $0.0e+00;
	v6 =	vadd.f32 $1.000000000e+00, v6  }
0x37: {  	v7 =	vsel vm0, v8, v7;
	v8 =	vmin.f32 v9, $2.230000000e+02  }
0x38: {  	v9 =	vmax.f32 v7, $0.0e+00;
	v7 =	vadd.f32 $1.000000000e+00, v7;
	v11 =	vsub.f32 v4, v8  }
0x39: {  	v6 =	vmax.f32 v6, $0.0e+00;
	v9 =	vmin.f32 v9, $2.230000000e+02  }
0x3a: {  	v6 =	vmin.f32 v6, $2.230000000e+02;
	v7 =	vmax.f32 v7, $0.0e+00;
	v12 =	vtrunc.f32 v9  }
0x3b: {  	v9 =	vsub.f32 v5, v9;
	v7 =	vmin.f32 v7, $2.230000000e+02;
	v12 =	vcvt.f32.s32 v12  }
0x3c: {  	v8 =	vtrunc.f32 v8;
	v5 =	vsub.f32 v7, v5;
	v7 =	vtrunc.f32 v7  }
0x3d: {  	v8 =	vcvt.f32.s32 v8;
	v7 =	vcvt.f32.s32 v7;
	v12 =	vmul.u32 $0xE0, v12  }
0x3e: {  	v4 =	vsub.f32 v6, v4;
	v6 =	vtrunc.f32 v6;
	v13 =	vmul.f32 v5, v11  }
0x3f: {  	s23 =	sshra.s32 s10, $0x2;
	s10 =	smov.u32 s9;
	s9 =	smov.u32 s17;
	v11 =	vmul.f32 v11, v9;
	v12 =	vadd.s32 v0, v12;
	v7 =	vmul.u32 $0xE0, v7  }
0x40: {  	v6 =	vcvt.f32.s32 v6;
	v5 =	vmul.f32 v4, v5;
	v14 =	vadd.s32 v8, v12;
	[tilespmem:s23+$0x720] =	vst v13  }
0x41: {  	v4 =	vmul.f32 v4, v9;
	v7 =	vadd.s32 v0, v7;
	[tilespmem:s23+$0x820] =	vst v11  }
0x42: {  	v9 =	vadd.s32 v6, v12;
	v8 =	vadd.s32 v8, v7;
	v6 =	vadd.s32 v6, v7;
	[tilespmem:s23+$0x6A0] =	vst v5  }
0x43: {  	s15 =	sadd.s32 $0x10, s15;
	[tilespmem:s23+$0x2A0] =	vst v14  }
0x44: {  	v5 =	vmov s15;
	[tilespmem:s23+$0x7A0] =	vst v4  }
0x45: {  	vm0 =	veq.s32 v5, v1;
	v4 =	vshrl.u32 v5, $0x5;
	[tilespmem:s23+$0x320] =	vst v9  }
.Ltmp0:
0x46: {  	v4 =	vmulhi.u32 $0x24924925, v4;
	[tilespmem:s23+$0x3A0] =	vst v8;
	(pc) =	sbr.rel @p0 .LBB2_2-.Ltmp0, $4  }
0x47: {  	[tilespmem:s23+$0x420] =	vst v6  }
0x48: {  	v8 =	vmul.u32 $0xE0, v4;
	v5 =	vld.idx.msk [tilespmem:v10+s13+$0x0], $0xffff  }
0x49: {  	v9 =	vor.u32 s15, v1;
	v6 =	vld [tilespmem:$0x10]  }
0x4a: {  	v7 =	vld.idx.msk [tilespmem:v3+s13+$0x0], $0xffff;
	v3 =	vsub.s32 v9, v8  }
0x4b: {  	v9 =	vld [tilespmem:$0x40]  }
0x4c: {  	v10 =	vld [tilespmem:$0x30]  }
0x4d: {  	v8 =	vld [tilespmem:$0x0];
	_ =	sdelay $0x2  }
0x4e: {  	v12 =	vld [tilespmem:$0x50]  }
0x4f: {  	v11 =	vld [tilespmem:$0x20];
	v35 =	vmul.f32 v7, v10;
	v36 =	vmul.f32 v5, v9  }
0x50: {  	v6 =	vmul.f32 v5, v6;
	v8 =	vmul.f32 v7, v8  }
0x51: {  	v5 =	vadd.f32 v36, v35  }
0x52: {  	v6 =	vadd.f32 v6, v8  }
0x53: {  	v5 =	vadd.f32 v5, v12  }
0x54: {  	v6 =	vadd.f32 v6, v11  }
0x55: {  	v5 =	vadd.f32 $1.000000000e+00, v5  }
0x56: {  	v6 =	vadd.f32 $1.000000000e+00, v6  }
0x57: {  	v5 =	vmul.f32 $1.120000000e+02, v5  }
0x58: {  	v6 =	vmul.f32 $1.120000000e+02, v6  }
0x59: {  	v38 =	vtrunc.f32 v5  }
0x5a: {  	v37 =	vtrunc.f32 v6;
	v8 =	vcvt.f32.s32 v38  }
0x5b: {  	v7 =	vcvt.f32.s32 v37  }
0x5c: {  	v8 =	vcvt.s32.f32 v8  }
0x5d: {  	v7 =	vcvt.s32.f32 v7  }
0x5e: {  	v40 =	vadd.f32 $-1.000000000e+00, v8  }
0x5f: {  	v39 =	vadd.f32 $-1.000000000e+00, v7;
	vm2 =	vlt.f32 v5, v8  }
0x60: {  	vm13 =	vne.s32 v3, $0x0;
	vm1 =	vlt.f32 v6, v7;
	v8 =	vsel vm2, v40, v8  }
0x61: {  	vm0 =	vmand vm0, vm13;
	v7 =	vsel vm1, v39, v7;
	v10 =	vadd.f32 $1.000000000e+00, v8  }
0x62: {  	v9 =	vmax.f32 v7, $0.0e+00;
	v7 =	vadd.f32 $1.000000000e+00, v7;
	v8 =	vmax.f32 v8, $0.0e+00  }
0x63: {  	v9 =	vmin.f32 v9, $2.230000000e+02;
	v8 =	vmin.f32 v8, $2.230000000e+02;
	v10 =	vmax.f32 v10, $0.0e+00  }
0x64: {  	v42 =	vsub.f32 v6, v9;
	v7 =	vmax.f32 v7, $0.0e+00;
	v10 =	vmin.f32 v10, $2.230000000e+02  }
0x65: {  	v13 =	vtrunc.f32 v8;
	v9 =	vtrunc.f32 v9;
	v14 =	vsub.f32 v10, v5  }
0x66: {  	v7 =	vmin.f32 v7, $2.230000000e+02;
	v43 =	vcvt.f32.s32 v13;
	v5 =	vsub.f32 v5, v8  }
0x67: {  	v9 =	vcvt.f32.s32 v9;
	v6 =	vsub.f32 v7, v6;
	v44 =	vmul.f32 v14, v42  }
0x68: {  	s10 =	sshra.s32 s10, $0x2;
	v41 =	vsel vm0, $0xFFFFFFFF, v2;
	v10 =	vtrunc.f32 v10;
	v12 =	vmul.f32 v42, v5  }
0x69: {  	v10 =	vcvt.f32.s32 v10;
	v8 =	vmul.u32 $0xE0, v43;
	v45 =	vmul.f32 v6, v14;
	[tilespmem:s10+$0x720] =	vst v44  }
0x6a: {  	v4 =	vadd.s32 v41, v4;
	v7 =	vtrunc.f32 v7;
	v5 =	vmul.f32 v6, v5;
	[tilespmem:s10+$0x820] =	vst v12  }
0x6b: {  	v7 =	vcvt.f32.s32 v7;
	v8 =	vadd.s32 v0, v8;
	v10 =	vmul.u32 $0xE0, v10;
	[tilespmem:s10+$0x6A0] =	vst v45  }
0x6c: {  	v4 =	vadd.s32 $0xE0, v4;
	v46 =	vadd.s32 v9, v8;
	[tilespmem:s10+$0x7A0] =	vst v5  }
0x6d: {  	v8 =	vadd.s32 v7, v8;
	[tilespmem:s10+$0x2A0] =	vst v46;
	v47 =	vadd.s32 v0, v10  }
0x6e: {  	[tilespmem:s10+$0x320] =	vst v8;
	v48 =	vadd.s32 v9, v47  }
0x6f: {  	v6 =	vadd.s32 v7, v47;
	[tilespmem:s10+$0x3A0] =	vst v48  }
0x70: {  	[tilespmem:s10+$0x420] =	vst v6  }
0x71: {  	v4 =	vld.idx.msk [tilespmem:v4+s13+$0x0], $0xffff  }
0x72: {  	v5 =	vld [tilespmem:$0x10]  }
0x73: {  	v3 =	vld.idx.msk [tilespmem:v3+s13+$0x0], $0xffff  }
0x74: {  	v6 =	vld [tilespmem:$0x0]  }
0x75: {  	v49 =	vld [tilespmem:$0x40]  }
0x76: {  	v8 =	vld [tilespmem:$0x30];
	_ =	sdelay $0x3  }
0x77: {  	v51 =	vld [tilespmem:$0x50];
	v6 =	vmul.f32 v3, v6;
	v5 =	vmul.f32 v4, v5  }
0x78: {  	v50 =	vld [tilespmem:$0x20];
	v3 =	vmul.f32 v3, v8;
	v4 =	vmul.f32 v4, v49;
	_ =	sdelay $0x1  }
0x79: {  	v3 =	vadd.f32 v4, v3  }
0x7a: {  	v5 =	vadd.f32 v5, v6  }
0x7b: {  	v3 =	vadd.f32 v3, v51  }
0x7c: {  	v52 =	vadd.f32 v5, v50  }
0x7d: {  	v3 =	vadd.f32 $1.000000000e+00, v3  }
0x7e: {  	v4 =	vadd.f32 $1.000000000e+00, v52  }
0x7f: {  	v3 =	vmul.f32 $1.120000000e+02, v3  }
0x80: {  	v4 =	vmul.f32 $1.120000000e+02, v4  }
0x81: {  	v54 =	vtrunc.f32 v3  }
0x82: {  	v53 =	vtrunc.f32 v4;
	v6 =	vcvt.f32.s32 v54  }
0x83: {  	v5 =	vcvt.f32.s32 v53  }
0x84: {  	v6 =	vcvt.s32.f32 v6  }
0x85: {  	v5 =	vcvt.s32.f32 v5  }
0x86: {  	v56 =	vadd.f32 $-1.000000000e+00, v6  }
0x87: {  	v55 =	vadd.f32 $-1.000000000e+00, v5;
	vm15 =	vlt.f32 v3, v6  }
0x88: {  	vm14 =	vlt.f32 v4, v5;
	v6 =	vsel vm15, v56, v6  }
0x89: {  	v5 =	vsel vm14, v55, v5;
	v8 =	vadd.f32 $1.000000000e+00, v6  }
0x8a: {  	v7 =	vmax.f32 v5, $0.0e+00;
	v5 =	vadd.f32 $1.000000000e+00, v5;
	v6 =	vmax.f32 v6, $0.0e+00  }
0x8b: {  	v7 =	vmin.f32 v7, $2.230000000e+02;
	v6 =	vmin.f32 v6, $2.230000000e+02;
	v8 =	vmax.f32 v8, $0.0e+00  }
0x8c: {  	v57 =	vsub.f32 v4, v7;
	v5 =	vmax.f32 v5, $0.0e+00;
	v8 =	vmin.f32 v8, $2.230000000e+02  }
0x8d: {  	v58 =	vtrunc.f32 v6;
	v7 =	vtrunc.f32 v7;
	v59 =	vsub.f32 v8, v3  }
0x8e: {  	v5 =	vmin.f32 v5, $2.230000000e+02;
	v60 =	vcvt.f32.s32 v58;
	v3 =	vsub.f32 v3, v6  }
0x8f: {  	v7 =	vcvt.f32.s32 v7;
	v4 =	vsub.f32 v5, v4;
	v61 =	vmul.f32 v59, v57  }
0x90: {  	s9 =	sshra.s32 s9, $0x2;
	v8 =	vtrunc.f32 v8;
	v9 =	vmul.f32 v57, v3  }
0x91: {  	v8 =	vcvt.f32.s32 v8;
	v6 =	vmul.u32 $0xE0, v60;
	v11 =	vmul.f32 v4, v59;
	[tilespmem:s9+$0x720] =	vst v61  }
0x92: {  	v5 =	vtrunc.f32 v5;
	v3 =	vmul.f32 v4, v3;
	[tilespmem:s9+$0x820] =	vst v9  }
0x93: {  	v5 =	vcvt.f32.s32 v5;
	v6 =	vadd.s32 v0, v6;
	v8 =	vmul.u32 $0xE0, v8;
	[tilespmem:s9+$0x6A0] =	vst v11  }
0x94: {  	v62 =	vadd.s32 v7, v6;
	[tilespmem:s9+$0x7A0] =	vst v3  }
0x95: {  	v6 =	vadd.s32 v5, v6;
	[tilespmem:s9+$0x2A0] =	vst v62;
	v63 =	vadd.s32 v0, v8  }
0x96: {  	[tilespmem:s9+$0x320] =	vst v6;
	v3 =	vadd.s32 v7, v63  }
0x97: {  	v4 =	vadd.s32 v5, v63;
	[tilespmem:s9+$0x3A0] =	vst v3  }
0x98: {  	s29 =	simm.s32 $0x220;
	s30 =	simm.s32 $0xA20;
	[tilespmem:s9+$0x420] =	vst v4  }
0x99: {  	[tilespmem:s30], [sflag:$0x1] =	stream.indirect.gather [hbm4b:s2+s14], $0x60, s29, s14, $0xb8;
	[tilespmem:$0x1BA20] =	vst v63  }
0x9a: {  	s31 =	simm.s32 $0x2A0  }
0x9b: {  	[tilespmem:s18], [sflag:$0x1] =	stream.indirect.gather [hbm4b:s2+s14], $0x60, s31, s14, $0xb8;
	[tilespmem:$0x1BA20] =	vst v63  }
0x9c: {  	_ = 	snop  }
0x9d: {  	[tilespmem:s20], [sflag:$0x1] =	stream.indirect.gather [hbm4b:s2+s14], $0x60, s19, s14, $0xb8;
	[tilespmem:$0x1BA20] =	vst v63  }
0x9e: {  	s23 =	simm.s32 $0x0;
	s10 =	rddreg [dreg:$0x7];
	s9 =	simm.s32 $0x0  }
0x9f: {  	[tilespmem:s22], [sflag:$0x1] =	stream.indirect.gather [hbm4b:s2+s14], $0x60, s21, s14, $0xb8;
	[tilespmem:$0x1BA20] =	vst v63  }
.LBB2_4:
0xa0: {  	v3 =	vmov s10  }
0xa1: {  	v3 =	vshrl.u32 v3, $0x5  }
0xa2: {  	v3 =	vmulhi.u32 $0x24924925, v3;
	_ =	sdelay $0x1  }
0xa3: {  	v4 =	vmul.u32 $0xE0, v3  }
0xa4: {  	v5 =	vor.u32 s10, v1  }
0xa5: {  	v4 =	vsub.s32 v5, v4  }
0xa6: {  	v3 =	vadd.s32 $0xE0, v3  }
0xa7: {  	p0 =	slt.s32 s9, $0x5F;
	s15 =	smov.u32 s9  }
0xa8: {  	s26 =	sshll.u32 s23, $0x8;
	s29 =	sadd.s32 $0x10, s10;
	v7 =	vld [tilespmem:$0x40];
	s15 =	simm.s32 @!p0 $0x5F  }
0xa9: {  	s28 =	simm.s32 $0x40;
	s16 =	simm.s32 $0x80;
	v6 =	vmov s29;
	s15 =	sshll.u32 s15, $0x7;
	v5 =	vld [tilespmem:$0x10]  }
0xaa: {  	s24 =	sor.u32 $0x80, s26;
	v6 =	vshrl.u32 v6, $0x5;
	s25 =	sadd.s32 s15, s11;
	s15 =	simm.s32 $0x0;
	v4 =	vld.idx.msk [tilespmem:v4+s13+$0x0], $0xffff  }
.LBB2_5:
0xab: {  	p0 =	sne.s32 s16, $0x1C0;
	v6 =	vmulhi.u32 $0x24924925, v6;
	v8 =	vld.idx.msk [tilespmem:v3+s13+$0x0], $0xffff;
	s17 =	smov.u32 s16;
	s16 =	sadd.s32 $0x40, s16  }
0xac: {  	v9 =	vld [tilespmem:$0x30]  }
0xad: {  	v10 =	vmul.u32 $0xE0, v6;
	v3 =	vadd.s32 $0xE0, v6;
	v6 =	vld [tilespmem:$0x0]  }
0xae: {  	v11 =	vor.u32 s29, v1  }
0xaf: {  	v10 =	vsub.s32 v11, v10  }
0xb0: {  	v11 =	vld [tilespmem:$0x50]  }
0xb1: {  	v7 =	vmul.f32 v8, v7;
	v12 =	vld [tilespmem:$0x20];
	v9 =	vmul.f32 v4, v9  }
0xb2: {  	v5 =	vmul.f32 v8, v5;
	v4 =	vmul.f32 v4, v6  }
0xb3: {  	v6 =	vadd.f32 v7, v9  }
0xb4: {  	v4 =	vadd.f32 v5, v4  }
0xb5: {  	v5 =	vadd.f32 v6, v11  }
0xb6: {  	v4 =	vadd.f32 v4, v12  }
0xb7: {  	v5 =	vadd.f32 $1.000000000e+00, v5  }
0xb8: {  	v4 =	vadd.f32 $1.000000000e+00, v4  }
0xb9: {  	v5 =	vmul.f32 $1.120000000e+02, v5  }
0xba: {  	v4 =	vmul.f32 $1.120000000e+02, v4  }
0xbb: {  	v6 =	vtrunc.f32 v5  }
0xbc: {  	v7 =	vtrunc.f32 v4;
	v6 =	vcvt.f32.s32 v6  }
0xbd: {  	v7 =	vcvt.f32.s32 v7  }
0xbe: {  	v6 =	vcvt.s32.f32 v6  }
0xbf: {  	v7 =	vcvt.s32.f32 v7  }
0xc0: {  	vm0 =	vlt.f32 v5, v6;
	v8 =	vadd.f32 $-1.000000000e+00, v6  }
0xc1: {  	vm1 =	vlt.f32 v4, v7;
	v9 =	vadd.f32 $-1.000000000e+00, v7  }
0xc2: {  	v6 =	vsel vm0, v8, v6  }
0xc3: {  	v7 =	vsel vm1, v9, v7;
	v8 =	vmax.f32 v6, $0.0e+00;
	v6 =	vadd.f32 $1.000000000e+00, v6  }
0xc4: {  	v9 =	vmax.f32 v7, $0.0e+00;
	v7 =	vadd.f32 $1.000000000e+00, v7;
	v8 =	vmin.f32 v8, $2.230000000e+02  }
0xc5: {  	v9 =	vmin.f32 v9, $2.230000000e+02;
	v6 =	vmax.f32 v6, $0.0e+00;
	v11 =	vtrunc.f32 v8  }
0xc6: {  	v6 =	vmin.f32 v6, $2.230000000e+02;
	v12 =	vtrunc.f32 v9;
	v11 =	vcvt.f32.s32 v11  }
0xc7: {  	v9 =	vsub.f32 v4, v9;
	v13 =	vsub.f32 v6, v5;
	v6 =	vtrunc.f32 v6  }
0xc8: {  	v7 =	vmax.f32 v7, $0.0e+00;
	v5 =	vsub.f32 v5, v8;
	v6 =	vcvt.f32.s32 v6  }
0xc9: {  	v7 =	vmin.f32 v7, $2.230000000e+02;
	v8 =	vmul.f32 v13, v9  }
0xca: {  	s30 =	sshra.s32 s15, $0x2;
	s15 =	smov.u32 s28;
	s28 =	smov.u32 s17;
	v14 =	vtrunc.f32 v7;
	v11 =	vmul.u32 $0xE0, v11;
	v6 =	vmul.u32 $0xE0, v6  }
0xcb: {  	v4 =	vsub.f32 v7, v4;
	v7 =	vmul.f32 v9, v5;
	v9 =	vcvt.f32.s32 v12;
	[tilespmem:s30+$0x8A0] =	vst v8  }
0xcc: {  	v8 =	vadd.s32 v0, v11;
	v6 =	vadd.s32 v0, v6  }
0xcd: {  	v11 =	vcvt.f32.s32 v14;
	v12 =	vadd.s32 v9, v8;
	v9 =	vadd.s32 v9, v6;
	[tilespmem:s30+$0x9A0] =	vst v7  }
0xce: {  	v7 =	vmul.f32 v4, v13;
	v4 =	vmul.f32 v4, v5;
	[tilespmem:s30+$0x520] =	vst v9  }
0xcf: {  	v5 =	vadd.s32 v11, v8;
	v6 =	vadd.s32 v11, v6;
	[tilespmem:s30+$0x420] =	vst v12  }
0xd0: {  	[tilespmem:s30+$0x4A0] =	vst v5  }
0xd1: {  	[tilespmem:s30+$0x920] =	vst v4  }
.Ltmp1:
0xd2: {  	[tilespmem:s30+$0x820] =	vst v7;
	(pc) =	sbr.rel @p0 .LBB2_5-.Ltmp1, $4  }
0xd3: {  	[tilespmem:s30+$0x5A0] =	vst v6  }
0xd4: {  	s29 =	sadd.s32 $0x10, s29;
	v4 =	vld.idx.msk [tilespmem:v10+s13+$0x0], $0xffff  }
0xd5: {  	v6 =	vmov s29;
	v5 =	vld [tilespmem:$0x10]  }
0xd6: {  	v6 =	vshrl.u32 v6, $0x5;
	v7 =	vld [tilespmem:$0x40]  }
0xd7: {  	_ =	sdelay $0x3  }
0xd8: {  	v3 =	vld.idx.msk [tilespmem:v3+s13+$0x0], $0xffff  }
0xd9: {  	v8 =	vld [tilespmem:$0x30]  }
0xda: {  	v9 =	vld [tilespmem:$0x0];
	_ =	sdelay $0x2  }
0xdb: {  	v10 =	vld [tilespmem:$0x50]  }
0xdc: {  	v11 =	vld [tilespmem:$0x20];
	v8 =	vmul.f32 v4, v8;
	v7 =	vmul.f32 v3, v7  }
0xdd: {  	v4 =	vmul.f32 v4, v9;
	v3 =	vmul.f32 v3, v5  }
0xde: {  	v5 =	vadd.f32 v7, v8  }
0xdf: {  	v3 =	vadd.f32 v3, v4  }
0xe0: {  	v4 =	vadd.f32 v5, v10  }
0xe1: {  	v3 =	vadd.f32 v3, v11  }
0xe2: {  	v4 =	vadd.f32 $1.000000000e+00, v4  }
0xe3: {  	v3 =	vadd.f32 $1.000000000e+00, v3  }
0xe4: {  	v4 =	vmul.f32 $1.120000000e+02, v4  }
0xe5: {  	v3 =	vmul.f32 $1.120000000e+02, v3  }
0xe6: {  	v5 =	vtrunc.f32 v4  }
0xe7: {  	v7 =	vtrunc.f32 v3;
	v5 =	vcvt.f32.s32 v5  }
0xe8: {  	v7 =	vcvt.f32.s32 v7  }
0xe9: {  	v5 =	vcvt.s32.f32 v5  }
0xea: {  	v7 =	vcvt.s32.f32 v7  }
0xeb: {  	v8 =	vadd.f32 $-1.000000000e+00, v5  }
0xec: {  	vm0 =	vlt.f32 v4, v5;
	v9 =	vadd.f32 $-1.000000000e+00, v7  }
0xed: {  	vm13 =	vlt.f32 v3, v7;
	v5 =	vsel vm0, v8, v5  }
0xee: {  	v7 =	vsel vm13, v9, v7;
	v8 =	vadd.f32 $1.000000000e+00, v5  }
0xef: {  	v5 =	vmax.f32 v5, $0.0e+00;
	v9 =	vmax.f32 v7, $0.0e+00;
	v7 =	vadd.f32 $1.000000000e+00, v7  }
0xf0: {  	v5 =	vmin.f32 v5, $2.230000000e+02;
	v9 =	vmin.f32 v9, $2.230000000e+02;
	v8 =	vmax.f32 v8, $0.0e+00  }
0xf1: {  	v12 =	vtrunc.f32 v9;
	v9 =	vsub.f32 v3, v9;
	v8 =	vmin.f32 v8, $2.230000000e+02  }
0xf2: {  	v7 =	vmax.f32 v7, $0.0e+00;
	v13 =	vtrunc.f32 v8;
	v8 =	vsub.f32 v8, v4  }
0xf3: {  	v11 =	vtrunc.f32 v5;
	v4 =	vsub.f32 v4, v5;
	v5 =	vmin.f32 v7, $2.230000000e+02  }
0xf4: {  	v13 =	vcvt.f32.s32 v13;
	v3 =	vsub.f32 v5, v3;
	v7 =	vmul.f32 v8, v9  }
0xf5: {  	s15 =	sshra.s32 s15, $0x2;
	v11 =	vcvt.f32.s32 v11;
	v9 =	vmul.f32 v9, v4  }
0xf6: {  	v13 =	vmul.u32 $0xE0, v13;
	v4 =	vmul.f32 v3, v4;
	[tilespmem:s15+$0x8A0] =	vst v7  }
0xf7: {  	v12 =	vcvt.f32.s32 v12;
	v11 =	vmul.u32 $0xE0, v11;
	v3 =	vmul.f32 v3, v8;
	[tilespmem:s15+$0x9A0] =	vst v9  }
0xf8: {  	v6 =	vmulhi.u32 $0x24924925, v6;
	v14 =	vtrunc.f32 v5;
	v5 =	vadd.s32 v0, v13;
	[tilespmem:s15+$0x920] =	vst v4  }
0xf9: {  	v7 =	vadd.s32 v0, v11;
	v11 =	vcvt.f32.s32 v14;
	[tilespmem:s15+$0x820] =	vst v3;
	v13 =	vadd.s32 v12, v5  }
0xfa: {  	v10 =	vmul.u32 $0xE0, v6;
	v6 =	vadd.s32 $0xE0, v6;
	v12 =	vadd.s32 v12, v7;
	[tilespmem:s15+$0x520] =	vst v13  }
0xfb: {  	v7 =	vadd.s32 v11, v7;
	[tilespmem:s15+$0x420] =	vst v12  }
0xfc: {  	v9 =	vor.u32 s29, v1;
	v4 =	vadd.s32 v11, v5;
	[tilespmem:s15+$0x4A0] =	vst v7  }
0xfd: {  	v9 =	vsub.s32 v9, v10;
	[tilespmem:s15+$0x5A0] =	vst v4  }
0xfe: {  	v4 =	vld [tilespmem:$0x40]  }
0xff: {  	v5 =	vld.idx.msk [tilespmem:v6+s13+$0x0], $0xffff  }
0x100: {  	v6 =	vld [tilespmem:$0x30]  }
0x101: {  	v7 =	vld [tilespmem:$0x10]  }
0x102: {  	v3 =	vld.idx.msk [tilespmem:v9+s13+$0x0], $0xffff  }
0x103: {  	v8 =	vld [tilespmem:$0x0];
	_ =	sdelay $0x2  }
0x104: {  	v9 =	vld [tilespmem:$0x50]  }
0x105: {  	v10 =	vld [tilespmem:$0x20];
	v4 =	vmul.f32 v5, v4;
	v6 =	vmul.f32 v3, v6  }
0x106: {  	v5 =	vmul.f32 v5, v7;
	v3 =	vmul.f32 v3, v8  }
0x107: {  	v4 =	vadd.f32 v4, v6  }
0x108: {  	v3 =	vadd.f32 v5, v3  }
0x109: {  	v4 =	vadd.f32 v4, v9  }
0x10a: {  	v3 =	vadd.f32 v3, v10  }
0x10b: {  	v4 =	vadd.f32 $1.000000000e+00, v4  }
0x10c: {  	v3 =	vadd.f32 $1.000000000e+00, v3  }
0x10d: {  	v4 =	vmul.f32 $1.120000000e+02, v4  }
0x10e: {  	v3 =	vmul.f32 $1.120000000e+02, v3  }
0x10f: {  	v5 =	vtrunc.f32 v4  }
0x110: {  	v6 =	vtrunc.f32 v3;
	v5 =	vcvt.f32.s32 v5  }
0x111: {  	v6 =	vcvt.f32.s32 v6  }
0x112: {  	v5 =	vcvt.s32.f32 v5  }
0x113: {  	v6 =	vcvt.s32.f32 v6  }
0x114: {  	v7 =	vadd.f32 $-1.000000000e+00, v5  }
0x115: {  	vm14 =	vlt.f32 v4, v5;
	v8 =	vadd.f32 $-1.000000000e+00, v6  }
0x116: {  	vm15 =	vlt.f32 v3, v6;
	v5 =	vsel vm14, v7, v5  }
0x117: {  	v6 =	vsel vm15, v8, v6;
	v7 =	vadd.f32 $1.000000000e+00, v5  }
0x118: {  	v5 =	vmax.f32 v5, $0.0e+00;
	v8 =	vmax.f32 v6, $0.0e+00;
	v6 =	vadd.f32 $1.000000000e+00, v6  }
0x119: {  	v5 =	vmin.f32 v5, $2.230000000e+02;
	v8 =	vmin.f32 v8, $2.230000000e+02;
	v7 =	vmax.f32 v7, $0.0e+00  }
0x11a: {  	v10 =	vtrunc.f32 v8;
	v8 =	vsub.f32 v3, v8;
	v7 =	vmin.f32 v7, $2.230000000e+02  }
0x11b: {  	v6 =	vmax.f32 v6, $0.0e+00;
	v11 =	vtrunc.f32 v7;
	v7 =	vsub.f32 v7, v4  }
0x11c: {  	v9 =	vtrunc.f32 v5;
	v4 =	vsub.f32 v4, v5;
	v5 =	vmin.f32 v6, $2.230000000e+02  }
0x11d: {  	v9 =	vcvt.f32.s32 v9;
	v3 =	vsub.f32 v5, v3;
	v6 =	vmul.f32 v7, v8  }
0x11e: {  	s16 =	sshra.s32 s28, $0x2;
	v11 =	vcvt.f32.s32 v11;
	v8 =	vmul.f32 v8, v4  }
0x11f: {  	v9 =	vmul.u32 $0xE0, v9;
	v4 =	vmul.f32 v3, v4;
	[tilespmem:s16+$0x8A0] =	vst v6  }
0x120: {  	v10 =	vcvt.f32.s32 v10;
	v11 =	vmul.u32 $0xE0, v11;
	v3 =	vmul.f32 v3, v7;
	[tilespmem:s16+$0x9A0] =	vst v8  }
0x121: {  	v63 =	vtrunc.f32 v5;
	v6 =	vadd.s32 v0, v9;
	[tilespmem:s16+$0x920] =	vst v4  }
0x122: {  	v9 =	vcvt.f32.s32 v63;
	v5 =	vadd.s32 v0, v11;
	v8 =	vadd.s32 v10, v6;
	[tilespmem:s16+$0x820] =	vst v3  }
0x123: {  	v11 =	vadd.s32 v10, v5;
	[tilespmem:s16+$0x420] =	vst v8  }
0x124: {  	v6 =	vadd.s32 v9, v6;
	[tilespmem:s16+$0x520] =	vst v11  }
0x125: {  	v4 =	vadd.s32 v9, v5;
	[tilespmem:s16+$0x4A0] =	vst v6  }
0x126: {  	s17 =	simm.s32 $0x420;
	[tilespmem:s16+$0x5A0] =	vst v4;
	s16 =	simm.s32 $0xCA20  }
0x127: {  	[tilespmem:s16], [sflag:$0x2] =	stream.indirect.gather [hbm4b:s2+s14], $0x60, s17, s14, $0xb8;
	[tilespmem:$0x1BA20] =	vst v63  }
0x128: {  	s16 =	simm.s32 $0x4A0;
	s17 =	simm.s32 $0xFA20  }
0x129: {  	[tilespmem:s17], [sflag:$0x2] =	stream.indirect.gather [hbm4b:s2+s14], $0x60, s16, s14, $0xb8;
	[tilespmem:$0x1BA20] =	vst v63  }
0x12a: {  	s16 =	simm.s32 $0x520;
	s17 =	simm.s32 $0x12A20  }
0x12b: {  	[tilespmem:s17], [sflag:$0x2] =	stream.indirect.gather [hbm4b:s2+s14], $0x60, s16, s14, $0xb8;
	[tilespmem:$0x1BA20] =	vst v63  }
0x12c: {  	s16 =	simm.s32 $0x5A0;
	s17 =	simm.s32 $0x15A20  }
0x12d: {  	[tilespmem:s17], [sflag:$0x2] =	stream.indirect.gather [hbm4b:s2+s14], $0x60, s16, s14, $0xb8;
	[tilespmem:$0x1BA20] =	vst v63  }
0x12e: {  	_ =	swait.ge [sflag:s0], $0x3000  }
0x12f: {  	[sflag:s0] =	ssyncset.done $0x0  }
0x130: {  	[sflag:s0] =	ssyncadd.s32 $0xFFFFD000  }
0x131: {  	_ =	swait.ge [sflag:s0], $0x3000  }
0x132: {  	s16 =	simm.s32 $0x0;
	[sflag:s0] =	ssyncset.done $0x0  }
0x133: {  	v4 =	vmov s16;
	[sflag:s0] =	ssyncadd.s32 $0xFFFFD000  }
0x134: {  	v5 =	vand.u32 $0x7F, v4;
	_ =	swait.ge [sflag:s0], $0x3000  }
0x135: {  	v3 =	vor.u32 $0x80, v5;
	[sflag:s0] =	ssyncset.done $0x0  }
0x136: {  	[sflag:s0] =	ssyncadd.s32 $0xFFFFD000  }
0x137: {  	_ =	swait.ge [sflag:s0], $0x3000  }
0x138: {  	[sflag:s0] =	ssyncset.done $0x0  }
0x139: {  	v6 =	vor.u32 $0x100, v5;
	[sflag:s0] =	ssyncadd.s32 $0xFFFFD000  }
0x13a: {  	s28 =	simm.s32 $0xA50;
	v3 =	vld.idx.msk [tilespmem:v3+s1+$0x0], $0xffff  }
0x13b: {  	v7 =	vor.u32 $0x180, v5;
	v8 =	vld [tilespmem:s28+$0xFFFFFFD0]  }
0x13c: {  	s29 =	simm.s32 $0x3A50;
	v5 =	vld.idx.msk [tilespmem:v4+s1+$0x0], $0xffff  }
0x13d: {  	v9 =	vld [tilespmem:s29+$0xFFFFFFD0]  }
0x13e: {  	s31 =	simm.s32 $0x6A50;
	v6 =	vld.idx.msk [tilespmem:v6+s1+$0x0], $0xffff  }
0x13f: {  	v10 =	vld [tilespmem:s31+$0xFFFFFFD0]  }
0x140: {  	s17 =	simm.s32 $0x9A50;
	v4 =	vld.idx.msk [tilespmem:v7+s1+$0x0], $0xffff  }
0x141: {  	v7 =	vld [tilespmem:s17+$0xFFFFFFD0]  }
0x142: {  	v8 =	vmul.f32 v8, v5;
	v9 =	vmul.f32 v9, v3;
	_ =	sdelay $0x1  }
0x143: {  	v8 =	vadd.f32 v9, v8;
	v9 =	vmul.f32 v10, v6;
	_ =	sdelay $0x1  }
0x144: {  	v7 =	vmul.f32 v7, v4;
	v8 =	vadd.f32 v9, v8;
	_ =	sdelay $0x1  }
0x145: {  	v7 =	vadd.f32 v7, v8  }
0x146: {  	s30 =	simm.s32 $0x18A50  }
0x147: {  	[tilespmem:s30+$0xFFFFFFD0] =	vst v7  }
0x148: {  	v7 =	vld [tilespmem:s28+$0xFFFFFFE0]  }
0x149: {  	v8 =	vld [tilespmem:s29+$0xFFFFFFE0];
	_ =	sdelay $0x1  }
0x14a: {  	v9 =	vld [tilespmem:s31+$0xFFFFFFE0];
	_ =	sdelay $0x1  }
0x14b: {  	v10 =	vld [tilespmem:s17+$0xFFFFFFE0]  }
0x14c: {  	v7 =	vmul.f32 v7, v5;
	v8 =	vmul.f32 v8, v3;
	_ =	sdelay $0x1  }
0x14d: {  	v7 =	vadd.f32 v8, v7;
	v8 =	vmul.f32 v9, v6;
	_ =	sdelay $0x1  }
0x14e: {  	v7 =	vadd.f32 v8, v7;
	v8 =	vmul.f32 v10, v4;
	_ =	sdelay $0x1  }
0x14f: {  	v7 =	vadd.f32 v8, v7;
	_ =	sdelay $0x1  }
0x150: {  	[tilespmem:s30+$0xFFFFFFE0] =	vst v7  }
0x151: {  	v7 =	vld [tilespmem:s28+$0xFFFFFFF0]  }
0x152: {  	v8 =	vld [tilespmem:s29+$0xFFFFFFF0];
	_ =	sdelay $0x1  }
0x153: {  	v9 =	vld [tilespmem:s31+$0xFFFFFFF0];
	_ =	sdelay $0x1  }
0x154: {  	v10 =	vld [tilespmem:s17+$0xFFFFFFF0]  }
0x155: {  	v7 =	vmul.f32 v7, v5;
	v8 =	vmul.f32 v8, v3;
	_ =	sdelay $0x1  }
0x156: {  	v7 =	vadd.f32 v8, v7;
	v8 =	vmul.f32 v9, v6;
	_ =	sdelay $0x1  }
0x157: {  	v7 =	vadd.f32 v8, v7;
	v8 =	vmul.f32 v10, v4;
	_ =	sdelay $0x1  }
0x158: {  	v7 =	vadd.f32 v8, v7;
	_ =	sdelay $0x1  }
0x159: {  	[tilespmem:s30+$0xFFFFFFF0] =	vst v7  }
0x15a: {  	v7 =	vld [tilespmem:s28+$0x0]  }
0x15b: {  	v8 =	vld [tilespmem:s29+$0x0];
	_ =	sdelay $0x1  }
0x15c: {  	v9 =	vld [tilespmem:s31+$0x0];
	_ =	sdelay $0x1  }
0x15d: {  	v10 =	vld [tilespmem:s17+$0x0]  }
0x15e: {  	v7 =	vmul.f32 v7, v5;
	v8 =	vmul.f32 v8, v3;
	_ =	sdelay $0x1  }
0x15f: {  	v7 =	vadd.f32 v8, v7;
	v8 =	vmul.f32 v9, v6;
	_ =	sdelay $0x1  }
0x160: {  	v7 =	vadd.f32 v8, v7;
	v8 =	vmul.f32 v10, v4;
	_ =	sdelay $0x1  }
0x161: {  	v7 =	vadd.f32 v8, v7;
	_ =	sdelay $0x1  }
0x162: {  	[tilespmem:s30+$0x0] =	vst v7  }
0x163: {  	v7 =	vld [tilespmem:s28+$0x10]  }
0x164: {  	v8 =	vld [tilespmem:s29+$0x10];
	_ =	sdelay $0x1  }
0x165: {  	v9 =	vld [tilespmem:s31+$0x10];
	_ =	sdelay $0x1  }
0x166: {  	v10 =	vld [tilespmem:s17+$0x10]  }
0x167: {  	v7 =	vmul.f32 v7, v5;
	v8 =	vmul.f32 v8, v3;
	_ =	sdelay $0x1  }
0x168: {  	v9 =	vmul.f32 v9, v6;
	v7 =	vadd.f32 v8, v7;
	_ =	sdelay $0x1  }
0x169: {  	v8 =	vmul.f32 v10, v4;
	v7 =	vadd.f32 v9, v7;
	_ =	sdelay $0x1  }
0x16a: {  	v7 =	vadd.f32 v8, v7;
	_ =	sdelay $0x1  }
0x16b: {  	[tilespmem:s30+$0x10] =	vst v7  }
0x16c: {  	v8 =	vld [tilespmem:s28+$0x20]  }
0x16d: {  	v10 =	vld [tilespmem:s29+$0x20]  }
0x16e: {  	v9 =	vld [tilespmem:s31+$0x20];
	_ =	sdelay $0x1  }
0x16f: {  	s15 =	simm.s32 $0x1;
	s16 =	simm.s32 $0x9AB0;
	v7 =	vld [tilespmem:s17+$0x20];
	s17 =	simm.s32 $0x18AB0  }
.LBB2_7:
0x170: {  	s28 =	sadd.s32 $0x60, s28;
	s29 =	sadd.s32 $0x60, s29;
	s31 =	sadd.s32 $0x60, s31  }
0x171: {  	v11 =	vmov s15;
	p0 =	sne.s32 s15, $0x7F;
	s15 =	sadd.s32 $0x1, s15;
	v5 =	vmul.f32 v8, v5;
	v3 =	vmul.f32 v10, v3  }
0x172: {  	v8 =	vand.u32 $0x7F, v11;
	v6 =	vmul.f32 v9, v6  }
0x173: {  	v9 =	vor.u32 $0x80, v8;
	v10 =	vor.u32 $0x100, v8;
	v3 =	vadd.f32 v3, v5  }
0x174: {  	v4 =	vmul.f32 v7, v4  }
0x175: {  	v3 =	vadd.f32 v6, v3;
	_ =	sdelay $0x1  }
0x176: {  	v3 =	vadd.f32 v4, v3;
	_ =	sdelay $0x1  }
0x177: {  	[tilespmem:s30+$0x20] =	vst v3;
	s30 =	smov.u32 s17  }
0x178: {  	v3 =	vld.idx.msk [tilespmem:v9+s1+$0x0], $0xffff  }
0x179: {  	v4 =	vor.u32 $0x180, v8;
	v7 =	vld [tilespmem:s28+$0xFFFFFFD0]  }
0x17a: {  	v5 =	vld.idx.msk [tilespmem:v11+s1+$0x0], $0xffff  }
0x17b: {  	v8 =	vld [tilespmem:s29+$0xFFFFFFD0]  }
0x17c: {  	v6 =	vld.idx.msk [tilespmem:v10+s1+$0x0], $0xffff  }
0x17d: {  	v9 =	vld [tilespmem:s31+$0xFFFFFFD0]  }
0x17e: {  	v4 =	vld.idx.msk [tilespmem:v4+s1+$0x0], $0xffff  }
0x17f: {  	v10 =	vld [tilespmem:s16+$0xFFFFFFD0]  }
0x180: {  	v7 =	vmul.f32 v7, v5;
	v8 =	vmul.f32 v8, v3;
	_ =	sdelay $0x1  }
0x181: {  	v7 =	vadd.f32 v8, v7;
	v8 =	vmul.f32 v9, v6;
	_ =	sdelay $0x1  }
0x182: {  	v7 =	vadd.f32 v8, v7;
	v8 =	vmul.f32 v10, v4;
	_ =	sdelay $0x1  }
0x183: {  	v7 =	vadd.f32 v8, v7;
	_ =	sdelay $0x1  }
0x184: {  	[tilespmem:s17+$0xFFFFFFD0] =	vst v7  }
0x185: {  	v7 =	vld [tilespmem:s28+$0xFFFFFFE0]  }
0x186: {  	v8 =	vld [tilespmem:s29+$0xFFFFFFE0];
	_ =	sdelay $0x1  }
0x187: {  	v9 =	vld [tilespmem:s31+$0xFFFFFFE0];
	_ =	sdelay $0x1  }
0x188: {  	v7 =	vmul.f32 v7, v5;
	v10 =	vld [tilespmem:s16+$0xFFFFFFE0]  }
0x189: {  	v8 =	vmul.f32 v8, v3;
	_ =	sdelay $0x1  }
0x18a: {  	v7 =	vadd.f32 v8, v7;
	v8 =	vmul.f32 v9, v6;
	_ =	sdelay $0x1  }
0x18b: {  	v7 =	vadd.f32 v8, v7;
	v8 =	vmul.f32 v10, v4;
	_ =	sdelay $0x1  }
0x18c: {  	v7 =	vadd.f32 v8, v7;
	_ =	sdelay $0x1  }
0x18d: {  	[tilespmem:s17+$0xFFFFFFE0] =	vst v7  }
0x18e: {  	v7 =	vld [tilespmem:s28+$0xFFFFFFF0]  }
0x18f: {  	v8 =	vld [tilespmem:s29+$0xFFFFFFF0];
	_ =	sdelay $0x1  }
0x190: {  	v9 =	vld [tilespmem:s31+$0xFFFFFFF0];
	_ =	sdelay $0x1  }
0x191: {  	v7 =	vmul.f32 v7, v5;
	v10 =	vld [tilespmem:s16+$0xFFFFFFF0]  }
0x192: {  	v8 =	vmul.f32 v8, v3;
	_ =	sdelay $0x1  }
0x193: {  	v7 =	vadd.f32 v8, v7;
	v8 =	vmul.f32 v9, v6;
	_ =	sdelay $0x1  }
0x194: {  	v7 =	vadd.f32 v8, v7;
	v8 =	vmul.f32 v10, v4;
	_ =	sdelay $0x1  }
0x195: {  	v7 =	vadd.f32 v8, v7;
	_ =	sdelay $0x1  }
0x196: {  	[tilespmem:s17+$0xFFFFFFF0] =	vst v7  }
0x197: {  	v7 =	vld [tilespmem:s28+$0x0]  }
0x198: {  	v8 =	vld [tilespmem:s29+$0x0];
	_ =	sdelay $0x1  }
0x199: {  	v9 =	vld [tilespmem:s31+$0x0];
	_ =	sdelay $0x1  }
0x19a: {  	v7 =	vmul.f32 v7, v5;
	v10 =	vld [tilespmem:s16+$0x0]  }
0x19b: {  	v8 =	vmul.f32 v8, v3;
	_ =	sdelay $0x1  }
0x19c: {  	v7 =	vadd.f32 v8, v7;
	v8 =	vmul.f32 v9, v6;
	_ =	sdelay $0x1  }
0x19d: {  	v7 =	vadd.f32 v8, v7;
	v8 =	vmul.f32 v10, v4;
	_ =	sdelay $0x1  }
0x19e: {  	v7 =	vadd.f32 v8, v7;
	_ =	sdelay $0x1  }
0x19f: {  	[tilespmem:s17+$0x0] =	vst v7  }
0x1a0: {  	v7 =	vld [tilespmem:s28+$0x10]  }
0x1a1: {  	v8 =	vld [tilespmem:s29+$0x10]  }
0x1a2: {  	v9 =	vld [tilespmem:s31+$0x10]  }
0x1a3: {  	v10 =	vld [tilespmem:s16+$0x10];
	_ =	sdelay $0x1  }
0x1a4: {  	v7 =	vmul.f32 v7, v5  }
0x1a5: {  	v8 =	vmul.f32 v8, v3  }
0x1a6: {  	v9 =	vmul.f32 v9, v6  }
0x1a7: {  	v7 =	vadd.f32 v8, v7;
	v8 =	vmul.f32 v10, v4;
	_ =	sdelay $0x1  }
0x1a8: {  	v7 =	vadd.f32 v9, v7;
	_ =	sdelay $0x1  }
0x1a9: {  	v7 =	vadd.f32 v8, v7;
	_ =	sdelay $0x1  }
0x1aa: {  	[tilespmem:s17+$0x10] =	vst v7  }
.Ltmp2:
0x1ab: {  	v8 =	vld [tilespmem:s28+$0x20];
	(pc) =	sbr.rel @p0 .LBB2_7-.Ltmp2, $4  }
0x1ac: {  	v10 =	vld [tilespmem:s29+$0x20]  }
0x1ad: {  	v9 =	vld [tilespmem:s31+$0x20]  }
0x1ae: {  	v7 =	vld [tilespmem:s16+$0x20]  }
0x1af: {  	s17 =	sadd.s32 $0x60, s17;
	s16 =	sadd.s32 $0x60, s16  }
0x1b0: {  	_ = 	snop  }
0x1b1: {  	v5 =	vmul.f32 v8, v5;
	v3 =	vmul.f32 v10, v3;
	_ =	sdelay $0x1  }
0x1b2: {  	v6 =	vmul.f32 v9, v6;
	v3 =	vadd.f32 v3, v5;
	v5 =	vmov s25  }
0x1b3: {  	v5 =	vshrl.u32 v5, $0x5  }
0x1b4: {  	v4 =	vmul.f32 v7, v4;
	v3 =	vadd.f32 v6, v3;
	v6 =	vmulhi.u32 $0x24924925, v5  }
0x1b5: {  	s15 =	sadd.s32 s6, s26  }
0x1b6: {  	s15 =	smul.u32 $0xC, s15;
	v3 =	vadd.f32 v4, v3;
	v4 =	vmul.u32 $0xE0, v6  }
0x1b7: {  	v5 =	vor.u32 s25, v1  }
0x1b8: {  	s28 =	simm.s32 $0x0;
	s15 =	sadd.s32 s5, s15;
	[tilespmem:s30+$0x20] =	vst v3;
	v3 =	vsub.s32 v5, v4  }
0x1b9: {  	[hbm4b:s15+s28] =	stream.linear.scatter [tilespmem:s4], [sflag:$0x3], $0x3000, $0x38;
	[tilespmem:$0x1BA20] =	vst v63  }
0x1ba: {  	_ =	swait.ge [sflag:s12], $0x3000  }
0x1bb: {  	[sflag:s12] =	ssyncset.done $0x0  }
0x1bc: {  	[sflag:s12] =	ssyncadd.s32 $0xFFFFD000  }
0x1bd: {  	v4 =	vld.idx.msk [tilespmem:v3+s13+$0x0], $0xffff;
	v3 =	vadd.s32 $0xE0, v6;
	_ =	sdelay $0x1  }
0x1be: {  	s26 =	sadd.s32 $0x10, s25  }
0x1bf: {  	v7 =	vmov s26;
	v5 =	vld [tilespmem:$0x10]  }
0x1c0: {  	s25 =	simm.s32 $0x40;
	s15 =	simm.s32 $0x80;
	v6 =	vshrl.u32 v7, $0x5;
	v7 =	vld [tilespmem:$0x40]  }
.LBB2_9:
0x1c1: {  	p0 =	sne.s32 s15, $0x1C0;
	v6 =	vmulhi.u32 $0x24924925, v6;
	v8 =	vld.idx.msk [tilespmem:v3+s13+$0x0], $0xffff;
	s16 =	smov.u32 s15;
	s15 =	sadd.s32 $0x40, s15  }
0x1c2: {  	v9 =	vld [tilespmem:$0x30]  }
0x1c3: {  	v10 =	vmul.u32 $0xE0, v6;
	v3 =	vadd.s32 $0xE0, v6;
	v6 =	vld [tilespmem:$0x0]  }
0x1c4: {  	v11 =	vor.u32 s26, v1  }
0x1c5: {  	v10 =	vsub.s32 v11, v10  }
0x1c6: {  	v11 =	vld [tilespmem:$0x50]  }
0x1c7: {  	v7 =	vmul.f32 v8, v7;
	v12 =	vld [tilespmem:$0x20];
	v9 =	vmul.f32 v4, v9  }
0x1c8: {  	v5 =	vmul.f32 v8, v5;
	v4 =	vmul.f32 v4, v6  }
0x1c9: {  	v6 =	vadd.f32 v7, v9  }
0x1ca: {  	v4 =	vadd.f32 v5, v4  }
0x1cb: {  	v5 =	vadd.f32 v6, v11  }
0x1cc: {  	v4 =	vadd.f32 v4, v12  }
0x1cd: {  	v5 =	vadd.f32 $1.000000000e+00, v5  }
0x1ce: {  	v4 =	vadd.f32 $1.000000000e+00, v4  }
0x1cf: {  	v5 =	vmul.f32 $1.120000000e+02, v5  }
0x1d0: {  	v4 =	vmul.f32 $1.120000000e+02, v4  }
0x1d1: {  	v6 =	vtrunc.f32 v5  }
0x1d2: {  	v7 =	vtrunc.f32 v4;
	v6 =	vcvt.f32.s32 v6  }
0x1d3: {  	v7 =	vcvt.f32.s32 v7  }
0x1d4: {  	v6 =	vcvt.s32.f32 v6  }
0x1d5: {  	v7 =	vcvt.s32.f32 v7  }
0x1d6: {  	vm0 =	vlt.f32 v5, v6;
	v8 =	vadd.f32 $-1.000000000e+00, v6  }
0x1d7: {  	vm1 =	vlt.f32 v4, v7;
	v9 =	vadd.f32 $-1.000000000e+00, v7  }
0x1d8: {  	v6 =	vsel vm0, v8, v6  }
0x1d9: {  	v7 =	vsel vm1, v9, v7;
	v8 =	vmax.f32 v6, $0.0e+00;
	v6 =	vadd.f32 $1.000000000e+00, v6  }
0x1da: {  	v9 =	vmax.f32 v7, $0.0e+00;
	v7 =	vadd.f32 $1.000000000e+00, v7;
	v8 =	vmin.f32 v8, $2.230000000e+02  }
0x1db: {  	v9 =	vmin.f32 v9, $2.230000000e+02;
	v6 =	vmax.f32 v6, $0.0e+00;
	v11 =	vtrunc.f32 v8  }
0x1dc: {  	v6 =	vmin.f32 v6, $2.230000000e+02;
	v12 =	vtrunc.f32 v9;
	v11 =	vcvt.f32.s32 v11  }
0x1dd: {  	v9 =	vsub.f32 v4, v9;
	v13 =	vsub.f32 v6, v5;
	v6 =	vtrunc.f32 v6  }
0x1de: {  	v7 =	vmax.f32 v7, $0.0e+00;
	v5 =	vsub.f32 v5, v8;
	v6 =	vcvt.f32.s32 v6  }
0x1df: {  	v7 =	vmin.f32 v7, $2.230000000e+02;
	v8 =	vmul.f32 v13, v9  }
0x1e0: {  	s17 =	sshra.s32 s28, $0x2;
	s28 =	smov.u32 s25;
	s25 =	smov.u32 s16;
	v14 =	vtrunc.f32 v7;
	v11 =	vmul.u32 $0xE0, v11;
	v6 =	vmul.u32 $0xE0, v6  }
0x1e1: {  	v4 =	vsub.f32 v7, v4;
	v7 =	vmul.f32 v9, v5;
	v9 =	vcvt.f32.s32 v12;
	[tilespmem:s17+$0x6A0] =	vst v8  }
0x1e2: {  	v8 =	vadd.s32 v0, v11;
	v6 =	vadd.s32 v0, v6  }
0x1e3: {  	v11 =	vcvt.f32.s32 v14;
	v12 =	vadd.s32 v9, v8;
	v9 =	vadd.s32 v9, v6;
	[tilespmem:s17+$0x7A0] =	vst v7  }
0x1e4: {  	v7 =	vmul.f32 v4, v13;
	v4 =	vmul.f32 v4, v5;
	[tilespmem:s17+$0x320] =	vst v9  }
0x1e5: {  	v5 =	vadd.s32 v11, v8;
	v6 =	vadd.s32 v11, v6;
	[tilespmem:s17+$0x220] =	vst v12  }
0x1e6: {  	[tilespmem:s17+$0x2A0] =	vst v5  }
0x1e7: {  	[tilespmem:s17+$0x720] =	vst v4  }
.Ltmp3:
0x1e8: {  	[tilespmem:s17+$0x620] =	vst v7;
	(pc) =	sbr.rel @p0 .LBB2_9-.Ltmp3, $4  }
0x1e9: {  	[tilespmem:s17+$0x3A0] =	vst v6  }
0x1ea: {  	s26 =	sadd.s32 $0x10, s26;
	v4 =	vld.idx.msk [tilespmem:v10+s13+$0x0], $0xffff  }
0x1eb: {  	v6 =	vmov s26;
	v5 =	vld [tilespmem:$0x10]  }
0x1ec: {  	v6 =	vshrl.u32 v6, $0x5;
	v7 =	vld [tilespmem:$0x40]  }
0x1ed: {  	_ =	sdelay $0x3  }
0x1ee: {  	v3 =	vld.idx.msk [tilespmem:v3+s13+$0x0], $0xffff  }
0x1ef: {  	v8 =	vld [tilespmem:$0x30]  }
0x1f0: {  	v9 =	vld [tilespmem:$0x0];
	_ =	sdelay $0x2  }
0x1f1: {  	v10 =	vld [tilespmem:$0x50]  }
0x1f2: {  	v11 =	vld [tilespmem:$0x20];
	v8 =	vmul.f32 v4, v8;
	v7 =	vmul.f32 v3, v7  }
0x1f3: {  	v4 =	vmul.f32 v4, v9;
	v3 =	vmul.f32 v3, v5  }
0x1f4: {  	v5 =	vadd.f32 v7, v8  }
0x1f5: {  	v3 =	vadd.f32 v3, v4  }
0x1f6: {  	v4 =	vadd.f32 v5, v10  }
0x1f7: {  	v3 =	vadd.f32 v3, v11  }
0x1f8: {  	v4 =	vadd.f32 $1.000000000e+00, v4  }
0x1f9: {  	v3 =	vadd.f32 $1.000000000e+00, v3  }
0x1fa: {  	v4 =	vmul.f32 $1.120000000e+02, v4  }
0x1fb: {  	v3 =	vmul.f32 $1.120000000e+02, v3  }
0x1fc: {  	v5 =	vtrunc.f32 v4  }
0x1fd: {  	v7 =	vtrunc.f32 v3;
	v5 =	vcvt.f32.s32 v5  }
0x1fe: {  	v7 =	vcvt.f32.s32 v7  }
0x1ff: {  	v5 =	vcvt.s32.f32 v5  }
0x200: {  	v7 =	vcvt.s32.f32 v7  }
0x201: {  	v8 =	vadd.f32 $-1.000000000e+00, v5  }
0x202: {  	vm0 =	vlt.f32 v4, v5;
	v9 =	vadd.f32 $-1.000000000e+00, v7  }
0x203: {  	vm13 =	vlt.f32 v3, v7;
	v5 =	vsel vm0, v8, v5  }
0x204: {  	v7 =	vsel vm13, v9, v7;
	v8 =	vadd.f32 $1.000000000e+00, v5  }
0x205: {  	v5 =	vmax.f32 v5, $0.0e+00;
	v9 =	vmax.f32 v7, $0.0e+00;
	v7 =	vadd.f32 $1.000000000e+00, v7  }
0x206: {  	v5 =	vmin.f32 v5, $2.230000000e+02;
	v9 =	vmin.f32 v9, $2.230000000e+02;
	v8 =	vmax.f32 v8, $0.0e+00  }
0x207: {  	v12 =	vtrunc.f32 v9;
	v9 =	vsub.f32 v3, v9;
	v8 =	vmin.f32 v8, $2.230000000e+02  }
0x208: {  	v7 =	vmax.f32 v7, $0.0e+00;
	v13 =	vtrunc.f32 v8;
	v8 =	vsub.f32 v8, v4  }
0x209: {  	v11 =	vtrunc.f32 v5;
	v4 =	vsub.f32 v4, v5;
	v5 =	vmin.f32 v7, $2.230000000e+02  }
0x20a: {  	v13 =	vcvt.f32.s32 v13;
	v3 =	vsub.f32 v5, v3;
	v7 =	vmul.f32 v8, v9  }
0x20b: {  	s15 =	sshra.s32 s28, $0x2;
	v11 =	vcvt.f32.s32 v11;
	v9 =	vmul.f32 v9, v4  }
0x20c: {  	v13 =	vmul.u32 $0xE0, v13;
	v4 =	vmul.f32 v3, v4;
	[tilespmem:s15+$0x6A0] =	vst v7  }
0x20d: {  	v12 =	vcvt.f32.s32 v12;
	v11 =	vmul.u32 $0xE0, v11;
	v3 =	vmul.f32 v3, v8;
	[tilespmem:s15+$0x7A0] =	vst v9  }
0x20e: {  	v6 =	vmulhi.u32 $0x24924925, v6;
	v14 =	vtrunc.f32 v5;
	v5 =	vadd.s32 v0, v13;
	[tilespmem:s15+$0x720] =	vst v4  }
0x20f: {  	v7 =	vadd.s32 v0, v11;
	v11 =	vcvt.f32.s32 v14;
	[tilespmem:s15+$0x620] =	vst v3;
	v13 =	vadd.s32 v12, v5  }
0x210: {  	v10 =	vmul.u32 $0xE0, v6;
	v6 =	vadd.s32 $0xE0, v6;
	v12 =	vadd.s32 v12, v7;
	[tilespmem:s15+$0x320] =	vst v13  }
0x211: {  	v7 =	vadd.s32 v11, v7;
	[tilespmem:s15+$0x220] =	vst v12  }
0x212: {  	v9 =	vor.u32 s26, v1;
	v4 =	vadd.s32 v11, v5;
	[tilespmem:s15+$0x2A0] =	vst v7  }
0x213: {  	v9 =	vsub.s32 v9, v10;
	[tilespmem:s15+$0x3A0] =	vst v4  }
0x214: {  	v4 =	vld [tilespmem:$0x40]  }
0x215: {  	v5 =	vld.idx.msk [tilespmem:v6+s13+$0x0], $0xffff  }
0x216: {  	v6 =	vld [tilespmem:$0x30]  }
0x217: {  	v7 =	vld [tilespmem:$0x10]  }
0x218: {  	v3 =	vld.idx.msk [tilespmem:v9+s13+$0x0], $0xffff  }
0x219: {  	v8 =	vld [tilespmem:$0x0];
	_ =	sdelay $0x2  }
0x21a: {  	v9 =	vld [tilespmem:$0x50]  }
0x21b: {  	v10 =	vld [tilespmem:$0x20];
	v4 =	vmul.f32 v5, v4;
	v6 =	vmul.f32 v3, v6  }
0x21c: {  	v5 =	vmul.f32 v5, v7;
	v3 =	vmul.f32 v3, v8  }
0x21d: {  	v4 =	vadd.f32 v4, v6  }
0x21e: {  	v3 =	vadd.f32 v5, v3  }
0x21f: {  	v4 =	vadd.f32 v4, v9  }
0x220: {  	v3 =	vadd.f32 v3, v10  }
0x221: {  	v4 =	vadd.f32 $1.000000000e+00, v4  }
0x222: {  	v3 =	vadd.f32 $1.000000000e+00, v3  }
0x223: {  	v4 =	vmul.f32 $1.120000000e+02, v4  }
0x224: {  	v3 =	vmul.f32 $1.120000000e+02, v3  }
0x225: {  	v5 =	vtrunc.f32 v4  }
0x226: {  	v6 =	vtrunc.f32 v3;
	v5 =	vcvt.f32.s32 v5  }
0x227: {  	v6 =	vcvt.f32.s32 v6  }
0x228: {  	v5 =	vcvt.s32.f32 v5  }
0x229: {  	v6 =	vcvt.s32.f32 v6  }
0x22a: {  	v7 =	vadd.f32 $-1.000000000e+00, v5  }
0x22b: {  	vm14 =	vlt.f32 v4, v5;
	v8 =	vadd.f32 $-1.000000000e+00, v6  }
0x22c: {  	vm15 =	vlt.f32 v3, v6;
	v5 =	vsel vm14, v7, v5  }
0x22d: {  	v6 =	vsel vm15, v8, v6;
	v7 =	vadd.f32 $1.000000000e+00, v5  }
0x22e: {  	v5 =	vmax.f32 v5, $0.0e+00;
	v8 =	vmax.f32 v6, $0.0e+00;
	v6 =	vadd.f32 $1.000000000e+00, v6  }
0x22f: {  	v5 =	vmin.f32 v5, $2.230000000e+02;
	v8 =	vmin.f32 v8, $2.230000000e+02;
	v7 =	vmax.f32 v7, $0.0e+00  }
0x230: {  	v10 =	vtrunc.f32 v8;
	v8 =	vsub.f32 v3, v8;
	v7 =	vmin.f32 v7, $2.230000000e+02  }
0x231: {  	v6 =	vmax.f32 v6, $0.0e+00;
	v11 =	vtrunc.f32 v7;
	v7 =	vsub.f32 v7, v4  }
0x232: {  	v9 =	vtrunc.f32 v5;
	v4 =	vsub.f32 v4, v5;
	v5 =	vmin.f32 v6, $2.230000000e+02  }
0x233: {  	v9 =	vcvt.f32.s32 v9;
	v3 =	vsub.f32 v5, v3;
	v6 =	vmul.f32 v7, v8  }
0x234: {  	s17 =	sshra.s32 s25, $0x2;
	v11 =	vcvt.f32.s32 v11;
	v8 =	vmul.f32 v8, v4  }
0x235: {  	v9 =	vmul.u32 $0xE0, v9;
	v4 =	vmul.f32 v3, v4;
	[tilespmem:s17+$0x6A0] =	vst v6  }
0x236: {  	v10 =	vcvt.f32.s32 v10;
	v11 =	vmul.u32 $0xE0, v11;
	v3 =	vmul.f32 v3, v7;
	[tilespmem:s17+$0x7A0] =	vst v8  }
0x237: {  	v63 =	vtrunc.f32 v5;
	v6 =	vadd.s32 v0, v9;
	[tilespmem:s17+$0x720] =	vst v4  }
0x238: {  	v9 =	vcvt.f32.s32 v63;
	v5 =	vadd.s32 v0, v11;
	v8 =	vadd.s32 v10, v6;
	[tilespmem:s17+$0x620] =	vst v3  }
0x239: {  	v11 =	vadd.s32 v10, v5;
	[tilespmem:s17+$0x220] =	vst v8  }
0x23a: {  	v6 =	vadd.s32 v9, v6;
	[tilespmem:s17+$0x320] =	vst v11  }
0x23b: {  	v4 =	vadd.s32 v9, v5;
	[tilespmem:s17+$0x2A0] =	vst v6  }
0x23c: {  	s25 =	simm.s32 $0x220;
	s16 =	simm.s32 $0xA20;
	[tilespmem:s17+$0x3A0] =	vst v4  }
0x23d: {  	[tilespmem:s16], [sflag:$0x1] =	stream.indirect.gather [hbm4b:s2+s14], $0x60, s25, s14, $0xb8;
	[tilespmem:$0x1BA20] =	vst v63  }
0x23e: {  	s26 =	simm.s32 $0x2A0  }
0x23f: {  	[tilespmem:s18], [sflag:$0x1] =	stream.indirect.gather [hbm4b:s2+s14], $0x60, s26, s14, $0xb8;
	[tilespmem:$0x1BA20] =	vst v63  }
0x240: {  	_ = 	snop  }
0x241: {  	[tilespmem:s20], [sflag:$0x1] =	stream.indirect.gather [hbm4b:s2+s14], $0x60, s19, s14, $0xb8;
	[tilespmem:$0x1BA20] =	vst v63  }
0x242: {  	_ = 	snop  }
0x243: {  	[tilespmem:s22], [sflag:$0x1] =	stream.indirect.gather [hbm4b:s2+s14], $0x60, s21, s14, $0xb8;
	[tilespmem:$0x1BA20] =	vst v63  }
0x244: {  	_ =	swait.ge [sflag:s7], $0x3000  }
0x245: {  	[sflag:s7] =	ssyncset.done $0x0  }
0x246: {  	[sflag:s7] =	ssyncadd.s32 $0xFFFFD000  }
0x247: {  	_ =	swait.ge [sflag:s7], $0x3000  }
0x248: {  	s30 =	simm.s32 $0x0;
	[sflag:s7] =	ssyncset.done $0x0  }
0x249: {  	v4 =	vmov s30;
	[sflag:s7] =	ssyncadd.s32 $0xFFFFD000  }
0x24a: {  	v5 =	vand.u32 $0x7F, v4;
	_ =	swait.ge [sflag:s7], $0x3000  }
0x24b: {  	v3 =	vor.u32 $0x80, v5;
	[sflag:s7] =	ssyncset.done $0x0  }
0x24c: {  	[sflag:s7] =	ssyncadd.s32 $0xFFFFD000  }
0x24d: {  	_ =	swait.ge [sflag:s7], $0x3000  }
0x24e: {  	[sflag:s7] =	ssyncset.done $0x0  }
0x24f: {  	v6 =	vor.u32 $0x100, v5;
	[sflag:s7] =	ssyncadd.s32 $0xFFFFD000  }
0x250: {  	s25 =	simm.s32 $0xCA50;
	v3 =	vld.idx.msk [tilespmem:v3+s8+$0x0], $0xffff  }
0x251: {  	v5 =	vor.u32 $0x180, v5;
	v7 =	vld [tilespmem:s25+$0xFFFFFFD0]  }
0x252: {  	s26 =	simm.s32 $0xFA50;
	v4 =	vld.idx.msk [tilespmem:v4+s8+$0x0], $0xffff  }
0x253: {  	v8 =	vld [tilespmem:s26+$0xFFFFFFD0]  }
0x254: {  	s28 =	simm.s32 $0x12A50;
	v6 =	vld.idx.msk [tilespmem:v6+s8+$0x0], $0xffff  }
0x255: {  	v9 =	vld [tilespmem:s28+$0xFFFFFFD0]  }
0x256: {  	s31 =	simm.s32 $0x15A50;
	v5 =	vld.idx.msk [tilespmem:v5+s8+$0x0], $0xffff  }
0x257: {  	v10 =	vld [tilespmem:s31+$0xFFFFFFD0]  }
0x258: {  	v7 =	vmul.f32 v7, v4;
	v8 =	vmul.f32 v8, v3;
	_ =	sdelay $0x1  }
0x259: {  	v7 =	vadd.f32 v8, v7;
	v8 =	vmul.f32 v9, v6;
	_ =	sdelay $0x1  }
0x25a: {  	v7 =	vadd.f32 v8, v7;
	v8 =	vmul.f32 v10, v5;
	_ =	sdelay $0x1  }
0x25b: {  	v7 =	vadd.f32 v8, v7  }
0x25c: {  	s29 =	simm.s32 $0x18A50  }
0x25d: {  	[tilespmem:s29+$0xFFFFFFD0] =	vst v7  }
0x25e: {  	v7 =	vld [tilespmem:s25+$0xFFFFFFE0]  }
0x25f: {  	v8 =	vld [tilespmem:s26+$0xFFFFFFE0];
	_ =	sdelay $0x1  }
0x260: {  	v9 =	vld [tilespmem:s28+$0xFFFFFFE0];
	_ =	sdelay $0x1  }
0x261: {  	v10 =	vld [tilespmem:s31+$0xFFFFFFE0]  }
0x262: {  	v7 =	vmul.f32 v7, v4;
	v8 =	vmul.f32 v8, v3;
	_ =	sdelay $0x1  }
0x263: {  	v7 =	vadd.f32 v8, v7;
	v8 =	vmul.f32 v9, v6;
	_ =	sdelay $0x1  }
0x264: {  	v7 =	vadd.f32 v8, v7;
	v8 =	vmul.f32 v10, v5;
	_ =	sdelay $0x1  }
0x265: {  	v7 =	vadd.f32 v8, v7;
	_ =	sdelay $0x1  }
0x266: {  	[tilespmem:s29+$0xFFFFFFE0] =	vst v7  }
0x267: {  	v7 =	vld [tilespmem:s25+$0xFFFFFFF0]  }
0x268: {  	v8 =	vld [tilespmem:s26+$0xFFFFFFF0];
	_ =	sdelay $0x1  }
0x269: {  	v9 =	vld [tilespmem:s28+$0xFFFFFFF0];
	_ =	sdelay $0x1  }
0x26a: {  	v10 =	vld [tilespmem:s31+$0xFFFFFFF0]  }
0x26b: {  	v7 =	vmul.f32 v7, v4;
	v8 =	vmul.f32 v8, v3;
	_ =	sdelay $0x1  }
0x26c: {  	v7 =	vadd.f32 v8, v7;
	v8 =	vmul.f32 v9, v6;
	_ =	sdelay $0x1  }
0x26d: {  	v7 =	vadd.f32 v8, v7;
	v8 =	vmul.f32 v10, v5;
	_ =	sdelay $0x1  }
0x26e: {  	v7 =	vadd.f32 v8, v7;
	_ =	sdelay $0x1  }
0x26f: {  	[tilespmem:s29+$0xFFFFFFF0] =	vst v7  }
0x270: {  	v7 =	vld [tilespmem:s25+$0x0]  }
0x271: {  	v8 =	vld [tilespmem:s26+$0x0];
	_ =	sdelay $0x1  }
0x272: {  	v9 =	vld [tilespmem:s28+$0x0];
	_ =	sdelay $0x1  }
0x273: {  	v10 =	vld [tilespmem:s31+$0x0]  }
0x274: {  	v7 =	vmul.f32 v7, v4;
	v8 =	vmul.f32 v8, v3;
	_ =	sdelay $0x1  }
0x275: {  	v7 =	vadd.f32 v8, v7;
	v8 =	vmul.f32 v9, v6;
	_ =	sdelay $0x1  }
0x276: {  	v7 =	vadd.f32 v8, v7;
	v8 =	vmul.f32 v10, v5;
	_ =	sdelay $0x1  }
0x277: {  	v7 =	vadd.f32 v8, v7;
	_ =	sdelay $0x1  }
0x278: {  	[tilespmem:s29+$0x0] =	vst v7  }
0x279: {  	v7 =	vld [tilespmem:s25+$0x10]  }
0x27a: {  	v8 =	vld [tilespmem:s26+$0x10];
	_ =	sdelay $0x1  }
0x27b: {  	v9 =	vld [tilespmem:s28+$0x10];
	_ =	sdelay $0x1  }
0x27c: {  	v10 =	vld [tilespmem:s31+$0x10]  }
0x27d: {  	v7 =	vmul.f32 v7, v4;
	v8 =	vmul.f32 v8, v3;
	_ =	sdelay $0x1  }
0x27e: {  	v9 =	vmul.f32 v9, v6;
	v7 =	vadd.f32 v8, v7;
	_ =	sdelay $0x1  }
0x27f: {  	v8 =	vmul.f32 v10, v5;
	v7 =	vadd.f32 v9, v7;
	_ =	sdelay $0x1  }
0x280: {  	v7 =	vadd.f32 v8, v7;
	_ =	sdelay $0x1  }
0x281: {  	[tilespmem:s29+$0x10] =	vst v7  }
0x282: {  	v8 =	vld [tilespmem:s25+$0x20]  }
0x283: {  	v10 =	vld [tilespmem:s26+$0x20]  }
0x284: {  	v9 =	vld [tilespmem:s28+$0x20];
	_ =	sdelay $0x1  }
0x285: {  	s15 =	simm.s32 $0x1;
	s17 =	simm.s32 $0x18AB0;
	s16 =	simm.s32 $0x15AB0;
	v7 =	vld [tilespmem:s31+$0x20]  }
.LBB2_11:
0x286: {  	s25 =	sadd.s32 $0x60, s25;
	s26 =	sadd.s32 $0x60, s26;
	s28 =	sadd.s32 $0x60, s28  }
0x287: {  	v11 =	vmov s15;
	p0 =	sne.s32 s15, $0x7F;
	s15 =	sadd.s32 $0x1, s15;
	v4 =	vmul.f32 v8, v4;
	v3 =	vmul.f32 v10, v3  }
0x288: {  	v8 =	vand.u32 $0x7F, v11;
	v6 =	vmul.f32 v9, v6  }
0x289: {  	v9 =	vor.u32 $0x80, v8;
	v10 =	vor.u32 $0x100, v8;
	v3 =	vadd.f32 v3, v4  }
0x28a: {  	v4 =	vmul.f32 v7, v5  }
0x28b: {  	v3 =	vadd.f32 v6, v3;
	_ =	sdelay $0x1  }
0x28c: {  	v3 =	vadd.f32 v4, v3;
	_ =	sdelay $0x1  }
0x28d: {  	[tilespmem:s29+$0x20] =	vst v3;
	s29 =	smov.u32 s17  }
0x28e: {  	v3 =	vld.idx.msk [tilespmem:v9+s8+$0x0], $0xffff  }
0x28f: {  	v5 =	vor.u32 $0x180, v8;
	v7 =	vld [tilespmem:s25+$0xFFFFFFD0]  }
0x290: {  	v4 =	vld.idx.msk [tilespmem:v11+s8+$0x0], $0xffff  }
0x291: {  	v8 =	vld [tilespmem:s26+$0xFFFFFFD0]  }
0x292: {  	v6 =	vld.idx.msk [tilespmem:v10+s8+$0x0], $0xffff  }
0x293: {  	v9 =	vld [tilespmem:s28+$0xFFFFFFD0]  }
0x294: {  	v5 =	vld.idx.msk [tilespmem:v5+s8+$0x0], $0xffff  }
0x295: {  	v10 =	vld [tilespmem:s16+$0xFFFFFFD0]  }
0x296: {  	v7 =	vmul.f32 v7, v4;
	v8 =	vmul.f32 v8, v3;
	_ =	sdelay $0x1  }
0x297: {  	v7 =	vadd.f32 v8, v7;
	v8 =	vmul.f32 v9, v6;
	_ =	sdelay $0x1  }
0x298: {  	v7 =	vadd.f32 v8, v7;
	v8 =	vmul.f32 v10, v5;
	_ =	sdelay $0x1  }
0x299: {  	v7 =	vadd.f32 v8, v7;
	_ =	sdelay $0x1  }
0x29a: {  	[tilespmem:s17+$0xFFFFFFD0] =	vst v7  }
0x29b: {  	v7 =	vld [tilespmem:s25+$0xFFFFFFE0]  }
0x29c: {  	v8 =	vld [tilespmem:s26+$0xFFFFFFE0];
	_ =	sdelay $0x1  }
0x29d: {  	v9 =	vld [tilespmem:s28+$0xFFFFFFE0];
	_ =	sdelay $0x1  }
0x29e: {  	v7 =	vmul.f32 v7, v4;
	v10 =	vld [tilespmem:s16+$0xFFFFFFE0]  }
0x29f: {  	v8 =	vmul.f32 v8, v3;
	_ =	sdelay $0x1  }
0x2a0: {  	v7 =	vadd.f32 v8, v7;
	v8 =	vmul.f32 v9, v6;
	_ =	sdelay $0x1  }
0x2a1: {  	v7 =	vadd.f32 v8, v7;
	v8 =	vmul.f32 v10, v5;
	_ =	sdelay $0x1  }
0x2a2: {  	v7 =	vadd.f32 v8, v7;
	_ =	sdelay $0x1  }
0x2a3: {  	[tilespmem:s17+$0xFFFFFFE0] =	vst v7  }
0x2a4: {  	v7 =	vld [tilespmem:s25+$0xFFFFFFF0]  }
0x2a5: {  	v8 =	vld [tilespmem:s26+$0xFFFFFFF0];
	_ =	sdelay $0x1  }
0x2a6: {  	v9 =	vld [tilespmem:s28+$0xFFFFFFF0];
	_ =	sdelay $0x1  }
0x2a7: {  	v7 =	vmul.f32 v7, v4;
	v10 =	vld [tilespmem:s16+$0xFFFFFFF0]  }
0x2a8: {  	v8 =	vmul.f32 v8, v3;
	_ =	sdelay $0x1  }
0x2a9: {  	v7 =	vadd.f32 v8, v7;
	v8 =	vmul.f32 v9, v6;
	_ =	sdelay $0x1  }
0x2aa: {  	v7 =	vadd.f32 v8, v7;
	v8 =	vmul.f32 v10, v5;
	_ =	sdelay $0x1  }
0x2ab: {  	v7 =	vadd.f32 v8, v7;
	_ =	sdelay $0x1  }
0x2ac: {  	[tilespmem:s17+$0xFFFFFFF0] =	vst v7  }
0x2ad: {  	v7 =	vld [tilespmem:s25+$0x0]  }
0x2ae: {  	v8 =	vld [tilespmem:s26+$0x0];
	_ =	sdelay $0x1  }
0x2af: {  	v9 =	vld [tilespmem:s28+$0x0];
	_ =	sdelay $0x1  }
0x2b0: {  	v7 =	vmul.f32 v7, v4;
	v10 =	vld [tilespmem:s16+$0x0]  }
0x2b1: {  	v8 =	vmul.f32 v8, v3;
	_ =	sdelay $0x1  }
0x2b2: {  	v7 =	vadd.f32 v8, v7;
	v8 =	vmul.f32 v9, v6;
	_ =	sdelay $0x1  }
0x2b3: {  	v7 =	vadd.f32 v8, v7;
	v8 =	vmul.f32 v10, v5;
	_ =	sdelay $0x1  }
0x2b4: {  	v7 =	vadd.f32 v8, v7;
	_ =	sdelay $0x1  }
0x2b5: {  	[tilespmem:s17+$0x0] =	vst v7  }
0x2b6: {  	v7 =	vld [tilespmem:s25+$0x10]  }
0x2b7: {  	v8 =	vld [tilespmem:s26+$0x10]  }
0x2b8: {  	v9 =	vld [tilespmem:s28+$0x10]  }
0x2b9: {  	v10 =	vld [tilespmem:s16+$0x10];
	_ =	sdelay $0x1  }
0x2ba: {  	v7 =	vmul.f32 v7, v4  }
0x2bb: {  	v8 =	vmul.f32 v8, v3  }
0x2bc: {  	v9 =	vmul.f32 v9, v6  }
0x2bd: {  	v7 =	vadd.f32 v8, v7;
	v8 =	vmul.f32 v10, v5;
	_ =	sdelay $0x1  }
0x2be: {  	v7 =	vadd.f32 v9, v7;
	_ =	sdelay $0x1  }
0x2bf: {  	v7 =	vadd.f32 v8, v7;
	_ =	sdelay $0x1  }
0x2c0: {  	[tilespmem:s17+$0x10] =	vst v7  }
.Ltmp4:
0x2c1: {  	v8 =	vld [tilespmem:s25+$0x20];
	(pc) =	sbr.rel @p0 .LBB2_11-.Ltmp4, $4  }
0x2c2: {  	v10 =	vld [tilespmem:s26+$0x20]  }
0x2c3: {  	v9 =	vld [tilespmem:s28+$0x20]  }
0x2c4: {  	v7 =	vld [tilespmem:s16+$0x20]  }
0x2c5: {  	s17 =	sadd.s32 $0x60, s17;
	s16 =	sadd.s32 $0x60, s16  }
0x2c6: {  	_ = 	snop  }
0x2c7: {  	v4 =	vmul.f32 v8, v4;
	v3 =	vmul.f32 v10, v3;
	_ =	sdelay $0x1  }
0x2c8: {  	v6 =	vmul.f32 v9, v6;
	v3 =	vadd.f32 v3, v4;
	_ =	sdelay $0x1  }
0x2c9: {  	v63 =	vmul.f32 v7, v5;
	v3 =	vadd.f32 v6, v3  }
0x2ca: {  	s15 =	sadd.s32 s6, s24  }
0x2cb: {  	s23 =	sadd.s32 $0x1, s23;
	s15 =	smul.u32 $0xC, s15;
	v3 =	vadd.f32 v63, v3  }
0x2cc: {  	p0 =	sne.s32 s23, $0x31  }
.Ltmp5:
0x2cd: {  	s15 =	sadd.s32 s5, s15;
	[tilespmem:s29+$0x20] =	vst v3;
	(pc) =	sbr.rel @p0 .LBB2_4-.Ltmp5, $4  }
0x2ce: {  	[hbm4b:s15+s3] =	stream.linear.scatter [tilespmem:s4], [sflag:$0x3], $0x3000, $0x38;
	[tilespmem:$0x1BA20] =	vst v63  }
0x2cf: {  	_ =	swait.ge [sflag:s12], $0x3000  }
0x2d0: {  	[sflag:s12] =	ssyncset.done $0x0  }
0x2d1: {  	s10 =	sadd.s32 $0x100, s10;
	s9 =	sadd.s32 $0x2, s9;
	[sflag:s12] =	ssyncadd.s32 $0xFFFFD000  }
0x2d2: {  	_ =	swait.ge [sflag:s0], $0x3000  }
0x2d3: {  	[sflag:s0] =	ssyncset.done $0x0  }
0x2d4: {  	[sflag:s0] =	ssyncadd.s32 $0xFFFFD000  }
0x2d5: {  	_ =	swait.ge [sflag:s0], $0x3000  }
0x2d6: {  	[sflag:s0] =	ssyncset.done $0x0  }
0x2d7: {  	[sflag:s0] =	ssyncadd.s32 $0xFFFFD000  }
0x2d8: {  	_ =	swait.ge [sflag:s0], $0x3000  }
0x2d9: {  	[sflag:s0] =	ssyncset.done $0x0  }
0x2da: {  	[sflag:s0] =	ssyncadd.s32 $0xFFFFD000  }
0x2db: {  	_ =	swait.ge [sflag:s0], $0x3000  }
0x2dc: {  	s10 =	rddreg [dreg:$0x8]  }
0x2dd: {  	s9 =	rddreg [dreg:$0x5];
	s10 =	sadd.s32 $0x1, s10  }
0x2de: {  	p0 =	sne.s32 s10, s9  }
.Ltmp6:
0x2df: {  	_ = 	snop;
	(pc) =	sbr.rel @p0 .LBB2_1-.Ltmp6, $3  }
0x2e0: {  	_ =	sdelay $0x1  }
0x2e1: {  	[sflag:s0] =	ssyncset.done $0x0  }
0x2e2: {  	[sflag:s0] =	ssyncadd.s32 $0xFFFFD000  }
0x2e3: {  	_ =	sfence.sel $0x180000  }
0x2e4: {  	[bflag:$0x0] =	sbarrier.arrive $0xFFFF  }
0x2e5: {  	_ =	strace $0x90000047  }
0x2e6: {  	s0 =	stileid.u32;
	[bflag:$0x2] =	sbarrier.arrive $0xFFFF  }
0x2e7: {  	p0 =	sne.s32 s0, $0x0;
	s0 =	rddreg [dreg:$0x2]  }
0x2e8: {  	s0 =	sadd.s32 @!p0 $0x100000, s0  }
0x2e9: {  	[sflag:s0] =	ssyncadd.tile.s32 @!p0 $0x1;
	_ =	shalt  }
.Lfunc_end2:
_tile_overlayer_lowered:
.L_overlay_start_2:
0x2ea: {  	(tag) =	ssettag $0x2  }
0x2eb: {  	s0 =	rddreg [dreg:$0x0];
	s2 =	stileid.u32  }
0x2ec: {  	s1 =	rddreg [dreg:$0x1];
	p0 =	sne.s32 s2, $0x0  }
0x2ed: {  	s3 =	rddreg [dreg:$0x2];
	[bflag:$0x3] =	sbarrier.arrive $0xFFFF;
	s2 =	simm.s32 @!p0 $0x1C03  }
0x2ee: {  	[timem:s3], [sflag:s2] =	dma.local @!p0 [hbm:s0], s1  }
0x2ef: {  	s0 =	simm.s32 @!p0 $0x3  }
0x2f0: {  	_ =	swait.ge @!p0 [sflag:s0], s1  }
0x2f1: {  	s1 =	ssub.s32 @!p0 $0x0, s1;
	[sflag:s0] =	ssyncset.done @!p0 $0x0  }
0x2f2: {  	[sflag:s0] =	ssyncadd.s32 @!p0 s1  }
0x2f3: {  	[bflag:$0x3] =	sbarrier.arrive $0xFFFF  }
0x2f4: {  	_ =	shalt  }

// kernel: sparse-core-data-format-call.cloned.1.call-start
scs
called_computation_lowered:
.L_overlay_start_0:
0x0: {  	s2 =	sld [smem:$0x3FD9]  }
0x1: {  	s3 =	sld [smem:$0x3FFE];
	_ =	sdelay $0x1  }
0x2: {  	s1 =	srdreg.scid  }
0x3: {  	s0 =	sand.u32 $0x1, s1  }
0x4: {  	s18 =	sshll.u32 s0, $0xA;
	s2 =	sadd.s32 s3, s2  }
0x5: {  	s2 =	sadd.s32 s2, s18  }
0x6: {  	[smem:$0x3FC6] =	sst s2  }
0x7: {  	_ = 	snop  }
0x8: {  	s2 =	sld [smem:$0x3FD0];
	(tm) =	ssettm $0x1  }
0x9: {  	s19 =	sld [smem:$0x3FFB];
	_ =	sdelay $0x3  }
0xa: {  	_ =	strace s19  }
0xb: {  	s3 =	sld [smem:$0x3FFC];
	_ =	sdelay $0x3  }
0xc: {  	_ =	strace s3  }
0xd: {  	s3 =	sld [smem:$0x3FFD];
	_ =	sdelay $0x3  }
0xe: {  	_ =	strace s3  }
0xf: {  	_ =	strace $0x8FFFFFFF  }
0x10: {  	s20 =	sld [smem:$0x3FDB];
	_ =	sdelay $0x1  }
0x11: {  	s4 =	simm.s32 $_scs_section_size  }
0x12: {  	s5 =	simm.s32 $_size__tile_overlayer_lowered;
	s6 =	simm.s32 $_tile_overlayer_lowered  }
0x13: {  	s23 =	simm.s32 $0x1BFF;
	s22 =	sshll.u32 s6, $0x1;
	s3 =	sadd.s32 s4, s20  }
0x14: {  	s7 =	simm.s32 $0x0;
	s21 =	sshll.u32 s5, $0x1;
	s5 =	sadd.s32 s22, s3  }
0x15: {  	[timem:s7], [sflag:s23] =	dma.local [hbm:s5], s21  }
0x16: {  	_ =	swait.ge [sflag:s23], s21  }
0x17: {  	s4 =	ssub.s32 $0x0, s21;
	[sflag:s23] =	ssyncset.done $0x0  }
0x18: {  	[sflag:s23] =	ssyncadd.s32 s4;
	_ =	sdelay $0x1  }
0x19: {  	s24 =	simm.s32 $0x1B8B  }
0x1a: {  	_ =	swait.ge [sflag:s24], $0x1  }
0x1b: {  	[sflag:s24] =	ssyncset.done $0x0  }
0x1c: {  	s26 =	simm.s32 $0x1B8E;
	s25 =	sld [smem:$0x3FFE];
	[sflag:s24] =	ssyncadd.s32 $0xFFFFFFFF  }
0x1d: {  	s27 =	simm.s32 $execute0_lowered;
	[smem:$0x3FD2] =	sst s26  }
0x1e: {  	s5 =	sshll.u32 s27, $0x1;
	_ =	strace $0x80000049;
	[dreg:$0x1] =	wrdreg $0xFFFFFFFF  }
0x1f: {  	s28 =	simm.s32 $_size_execute0_lowered;
	s3 =	sadd.s32 s3, s5;
	[dreg:$0x0] =	wrdreg $0x0  }
0x20: {  	s5 =	sshll.u32 s28, $0x1;
	[dreg:$0x2] =	wrdreg s3  }
0x21: {  	[dreg:$0x3] =	wrdreg s5  }
0x22: {  	[dreg:$0x4] =	wrdreg $0xC0  }
0x23: {  	_ =	task [dreg:s7], $0x5FFFF  }
0x24: {  	[dreg:$0x1] =	wrdreg $0xFFFFFFFF  }
0x25: {  	[dreg:$0x0] =	wrdreg $0x60  }
0x26: {  	[dreg:$0x2] =	wrdreg s25  }
0x27: {  	[dreg:$0x3] =	wrdreg s2  }
0x28: {  	[dreg:$0x4] =	wrdreg $0x9  }
0x29: {  	_ =	task.clear_ibuf [dreg:s7], $0x5FFFF;
	_ =	strace $0x90000049  }
0x2a: {  	s29 =	simm.s32 $0x9;
	_ =	strace $0x8000004B  }
0x2b: {  	_ =	swait.ge [sflag:s29], $0x1  }
0x2c: {  	[sflag:s29] =	ssyncadd.s32 $0xFFFFFFFF  }
0x2d: {  	_ =	strace $0x9000004B  }
0x2e: {  	_ =	sfence  }
0x2f: {  	s30 =	sld [smem:$0x0];
	_ =	sdelay $0x2  }
0x30: {  	s31 =	sshll.u32 s1, $0xD;
	s1 =	sshrl.u32 s1, $0x2  }
0x31: {  	s3 =	sand.u32 $0x4000, s31;
	s1 =	sadd.s32 s1, s30  }
0x32: {  	s0 =	sor.u32 s3, s0;
	s1 =	sshll.u32 s1, $0x11  }
0x33: {  	s0 =	sor.u32 s1, s0  }
0x34: {  	s0 =	sadd.s32 $0x8F2B, s0  }
0x35: {  	[sflag:s0] =	ssyncadd.remote.s32 $0x1  }
0x36: {  	_ =	sfence.sel $0xFFFF  }
0x37: {  	[dreg:$0x0] =	wrdreg $0xFFFFFFFF;
	(pc) =	sbr.abs _section_cstart, $3  }
0x38: {  	[dreg:$0x1] =	wrdreg $0xFFFFFFFF  }
0x39: {  	_ =	task.clear_ibuf [dreg:s7], $0x2FFFF;
	_ =	strace $0x9FFFFFFF  }
0x3a: {  	(tm) =	ssettm $0x7FFFFFFF  }
0x3b: {  	_ =	shalt  }
tec
execute0_lowered:
.L_overlay_start_1:
0x0: {  	(tag) =	ssettag $0x1  }
0x1: {  	s0 =	rddreg [dreg:$0x0]  }
0x2: {  	s1 =	srdreg.scid;
	_ =	strace $0x8000004A;
	s2 =	stileid.u32  }
0x3: {  	s30 =	simm.s32 $0x1;
	s31 =	simm.s32 $0x2;
	s15 =	simm.s32 $0x0  }
0x4: {  	s16 =	simm.s32 $0x0;
	s17 =	simm.s32 $0x0;
	s8 =	simm.s32 $0x0  }
0x5: {  	s10 =	simm.s32 $0x0;
	s12 =	simm.s32 $0x0;
	s11 =	simm.s32 $0x0  }
.Ltmp0:
0x6: {  	s9 =	simm.s32 $0x0;
	s29 =	sshll.u32 s1, $0x4;
	(pc) =	sbr.rel .LBB1_1-.Ltmp0, $4  }
0x7: {  	s6 =	sadd.s32 $0x498C00, s0;
	[sflag:s30] =	ssyncpa.u1 $0x0;
	s0 =	sand.u32 $0x10, s29  }
0x8: {  	s7 =	sand.u32 $0x7, s2;
	[dreg:$0x3] =	wrdreg s6;
	s0 =	sor.u32 s2, s0  }
0x9: {  	[sflag:s31] =	ssyncpa.u1 $0x0;
	[dreg:$0x4] =	wrdreg s7;
	s22 =	sshrl.u32 s0, $0x3  }
0xa: {  	s14 =	smov.u32 s7;
	s13 =	smov.u32 s22;
	[dreg:$0x5] =	wrdreg s22  }
.LBB1_9:
0xb: {  	p0 =	sgt.s32 s8, $0x80;
	s3 =	smul.u32 $0xA8000, s12  }
0xc: {  	s0 =	smov.u32 s8;
	s1 =	sshrl.u32 s8, $0x5;
	s27 =	smul.u32 $0xC00, s10  }
0xd: {  	s4 =	sshrl.u32 s8, $0x3;
	s5 =	rddreg [dreg:$0x1];
	s0 =	simm.s32 @!p0 $0x80  }
0xe: {  	s28 =	sand.u32 $0x7, s8;
	s1 =	sand.u32 $0xFFFFFC, s1;
	s0 =	sadd.s32 s19, s0  }
0xf: {  	s29 =	rddreg [dreg:$0x6];
	s26 =	smulhi.u32 $0x2AAAAAB, s1;
	s2 =	sadd.s32 $0xFFFFFF80, s0  }
0x10: {  	s6 =	rddreg [dreg:$0x3];
	s0 =	ssub.s32 $0x100, s0;
	p0 =	sgt.s32 s2, $0x7F  }
0x11: {  	s7 =	rddreg [dreg:$0x4];
	s2 =	smul.u32 $0x60, s26;
	s0 =	simm.s32 @p0 $0x0  }
0x12: {  	s31 =	simm.s32 $0x800;
	s22 =	rddreg [dreg:$0x5];
	s0 =	smul.u32 s0, s18  }
0x13: {  	s4 =	sand.u32 $0xF, s4;
	s3 =	sadd.s32 s5, s3;
	s1 =	ssub.s32 s1, s2  }
0x14: {  	s2 =	sadd.s32 s27, s3;
	s3 =	sshll.u32 s28, $0x12;
	s0 =	smul.u32 $0x60, s0  }
0x15: {  	s1 =	sshll.u32 s1, $0x5;
	s2 =	sadd.s32 s4, s2;
	s4 =	sor.u32 $0x8000, s29  }
0x16: {  	s30 =	sor.u32 $0x400, s3;
	s1 =	sadd.s32 s1, s2;
	s0 =	sand.u32 $0x3FFFFFE0, s0  }
0x17: {  	[hbm4b:s1+s30] =	stream.strided.scatter [tilespmem:s4], [sflag:$0x2], s0, s31, s30, $0x20;
	[tilespmem:$0x10100] =	vst v63  }
.LBB1_10:
0x18: {  	p0 =	slt.u32 s9, $0x2  }
0x19: {  	p1 =	sgt.s32 @!p0 s17, $0x7  }
0x1a: {  	s0 =	smov.u32 s17;
	s1 =	sshra.s32 @!p0 s17, $0x1F;
	p1 =	por !p1, p0  }
0x1b: {  	s2 =	smov.u32 s16;
	s1 =	sand.u32 @!p0 s1, s17;
	s0 =	simm.s32 @p1 $0x7  }
0x1c: {  	s3 =	sshra.s32 @!p0 s16, $0x1F;
	p1 =	sgt.s32 @!p0 s16, $0xDF;
	s0 =	ssub.s32 @!p0 s0, s1  }
0x1d: {  	s4 =	sshra.s32 @!p0 s15, $0x1F;
	p2 =	por !p1, p0;
	s1 =	sadd.s32 @!p0 $0xFFFFFFF9, s0  }
0x1e: {  	s2 =	simm.s32 @p2 $0xDF;
	p1 =	sgt.s32 @!p0 s1, $0x0;
	s1 =	sand.u32 @!p0 s3, s16  }
0x1f: {  	s0 =	ssub.s32 @!p0 $0x8, s0;
	p2 =	sgt.s32 @!p0 s15, $0x80;
	s1 =	ssub.s32 @!p0 s2, s1  }
0x20: {  	p2 =	por !p2, p0;
	s3 =	smov.u32 s15;
	s2 =	sadd.s32 @!p0 $0xFFFFFF21, s1  }
0x21: {  	s3 =	simm.s32 @p2 $0x80;
	p2 =	sgt.s32 @!p0 s2, $0x0;
	s2 =	sand.u32 @!p0 s4, s15  }
0x22: {  	s0 =	smul.u32 @!p0 $0x60, s0;
	p1 =	por !p1, p0;
	s2 =	ssub.s32 @!p0 s3, s2  }
0x23: {  	s1 =	ssub.s32 @!p0 $0xE0, s1;
	p2 =	por !p2, p0;
	s3 =	sadd.s32 @!p0 $0xFFFFFF80, s2  }
0x24: {  	s0 =	simm.s32 @!p1 $0x0;
	s1 =	simm.s32 @!p2 $0x0;
	p2 =	sgt.s32 @!p0 s3, $0x7F  }
0x25: {  	s2 =	ssub.s32 @!p0 $0x100, s2;
	s0 =	smul.u32 @!p0 s1, s0;
	p1 =	por !p2, p0  }
0x26: {  	s1 =	sadd.s32 $0x80, s11;
	s3 =	smov.u32 s13;
	s2 =	simm.s32 @!p1 $0x0  }
0x27: {  	p1 =	sgt.s32 s1, $0xDF;
	s0 =	smul.u32 @!p0 s2, s0;
	s2 =	sadd.s32 $0x4, s13  }
0x28: {  	s3 =	smov.u32 @p1 s2  }
0x29: {  	s5 =	smov.u32 s14;
	s2 =	sadd.s32 $0x8, s14;
	p2 =	sgt.s32 s3, $0xDF  }
0x2a: {  	s9 =	sadd.s32 $0x1, s9;
	s5 =	smov.u32 @p2 s2  }
0x2b: {  	s17 =	smov.u32 s12;
	s1 =	simm.s32 @p1 $0x0;
	p1 =	sgt.s32 s5, $0x7  }
0x2c: {  	s12 =	smov.u32 s14;
	s5 =	smov.u32 @p1 s7;
	p1 =	sne.s32 s9, $0x72  }
.Ltmp1:
0x2d: {  	s16 =	smov.u32 s10;
	s10 =	smov.u32 s13;
	(pc) =	sbr.rel @!p1 .LBB1_11-.Ltmp1, $4  }
0x2e: {  	s4 =	simm.s32 @!p0 $0x2;
	s15 =	smov.u32 s8;
	s0 =	sand.u32 @!p0 $0x3FFFFFE0, s0  }
0x2f: {  	s8 =	smov.u32 s11;
	s11 =	smov.u32 s1;
	_ =	swait.ge @!p0 [sflag:s4], s0  }
0x30: {  	s0 =	ssub.s32 @!p0 $0x0, s0;
	s3 =	smov.u32 @p2 s22;
	[sflag:s4] =	ssyncset.done @!p0 $0x0  }
0x31: {  	s13 =	smov.u32 s3;
	[sflag:s4] =	ssyncadd.s32 @!p0 s0;
	s14 =	smov.u32 s5  }
.LBB1_1:
0x32: {  	p0 =	sgt.u32 s9, $0x6F;
	s18 =	smov.u32 s14  }
0x33: {  	s0 =	sand.u32 @!p0 $0x1FFFFFF, s11;
	p1 =	sgt.s32 @!p0 s14, $0x7;
	s19 =	sshra.s32 @!p0 s14, $0x1F  }
0x34: {  	s20 =	sshra.s32 @!p0 s13, $0x1F;
	s1 =	smulhi.u32 @!p0 $0x2492493, s0;
	p1 =	por !p1, p0  }
0x35: {  	s19 =	sand.u32 @!p0 s19, s14;
	s20 =	sand.u32 @!p0 s20, s13;
	s18 =	simm.s32 @p1 $0x7  }
0x36: {  	p1 =	sgt.s32 @!p0 s13, $0xDF;
	s1 =	sshrl.u32 @!p0 s1, $0x1;
	s18 =	ssub.s32 @!p0 s18, s19  }
0x37: {  	p1 =	por !p1, p0;
	s19 =	smov.u32 s13;
	s1 =	smul.u32 @!p0 $0xE0, s1  }
0x38: {  	s19 =	simm.s32 @p1 $0xDF;
	p1 =	sgt.s32 @!p0 s11, $0x60;
	s18 =	sadd.s32 @!p0 $0xFFFFFFF9, s18  }
0x39: {  	s19 =	ssub.s32 @!p0 s19, s20;
	p1 =	por !p1, p0;
	s20 =	smov.u32 s11  }
0x3a: {  	p2 =	sgt.s32 @!p0 s18, $0x0;
	s18 =	sshll.u32 @!p0 s18, $0x7;
	s21 =	sadd.s32 @!p0 $0xFFFFFF21, s19  }
0x3b: {  	s20 =	simm.s32 @p1 $0x60;
	p1 =	sgt.s32 @!p0 s21, $0x0;
	s21 =	sshra.s32 @!p0 s11, $0x1F  }
0x3c: {  	s19 =	ssub.s32 @!p0 $0xE0, s19;
	s18 =	ssub.s32 @!p0 $0x80, s18;
	s21 =	sand.u32 @!p0 s21, s11  }
0x3d: {  	p2 =	por !p2, p0;
	p1 =	por !p1, p0;
	s20 =	ssub.s32 @!p0 s20, s21  }
0x3e: {  	s18 =	simm.s32 @!p2 $0x0;
	s19 =	simm.s32 @!p1 $0x0;
	s21 =	sadd.s32 @!p0 $0xFFFFFFA0, s20  }
0x3f: {  	s0 =	ssub.s32 @!p0 s0, s1;
	s18 =	smul.u32 @!p0 s19, s18;
	p1 =	sgt.s32 @!p0 s21, $0x7F  }
0x40: {  	s19 =	ssub.s32 @!p0 $0xE0, s20;
	s20 =	smul.u32 @!p0 $0xC4000, s14;
	p1 =	por !p1, p0  }
0x41: {  	s1 =	smul.u32 @!p0 $0xE00, s13;
	s21 =	sxor.u32 @!p0 $0xFFFFFFFF, s9;
	s19 =	simm.s32 @!p1 $0x0  }
0x42: {  	s21 =	sshll.u32 @!p0 s21, $0xE;
	s18 =	smul.u32 @!p0 s19, s18;
	s19 =	sadd.s32 @!p0 s6, s20  }
0x43: {  	s0 =	sshll.u32 @!p0 s0, $0x4;
	s20 =	sand.u32 @!p0 $0x4000, s21;
	s1 =	sadd.s32 @!p0 s1, s19  }
0x44: {  	s18 =	sand.u32 @!p0 $0x3FFFFF80, s18;
	s0 =	sadd.s32 @!p0 s0, s1;
	s1 =	simm.s32 @!p0 $0x0  }
0x45: {  	[tilespmem:s20], [sflag:$0x1] =	stream.linear.gather @!p0 [hbm4b:s0+s1], s18, $0x38;
	[tilespmem:$0x10100] =	vst v63  }
0x46: {  	p0 =	seq.s32 s9, $0x0  }
0x47: {  	p1 =	seq.s32 @!p0 s9, $0x71  }
0x48: {  	p0 =	por p0, p1  }
.Ltmp2:
0x49: {  	_ = 	snop;
	(pc) =	sbr.rel @p0 .LBB1_10-.Ltmp2, $1  }
0x4a: {  	_ =	sdelay $0x3  }
0x4b: {  	p0 =	sgt.s32 s12, $0x7;
	s0 =	smov.u32 s12;
	s1 =	sshra.s32 s12, $0x1F  }
0x4c: {  	s18 =	sshra.s32 s10, $0x1F;
	s26 =	ssub.s32 $0x0, s8;
	s27 =	sshra.s32 s8, $0x1F  }
0x4d: {  	p1 =	sgt.s32 s8, $0x60;
	s20 =	smov.u32 s8;
	s0 =	simm.s32 @!p0 $0x7  }
0x4e: {  	s1 =	sand.u32 s1, s12;
	p0 =	sgt.s32 s10, $0xDF;
	s18 =	sand.u32 s18, s10  }
0x4f: {  	s20 =	simm.s32 @!p1 $0x60;
	s0 =	ssub.s32 s0, s1;
	s1 =	smov.u32 s10  }
0x50: {  	s19 =	sadd.s32 $0xFFFFFFF9, s0;
	s1 =	simm.s32 @!p0 $0xDF;
	s0 =	ssub.s32 $0x8, s0  }
0x51: {  	p0 =	sgt.s32 s19, $0x0;
	s1 =	ssub.s32 s1, s18;
	s19 =	sand.u32 s26, s27  }
0x52: {  	s21 =	sadd.s32 $0xFFFFFF21, s1;
	s1 =	ssub.s32 $0xE0, s1;
	s18 =	sadd.s32 s19, s20  }
0x53: {  	s0 =	simm.s32 @p0 $0x0;
	p1 =	sgt.s32 s21, $0x0;
	s20 =	sadd.s32 $0xFFFFFFA0, s18  }
0x54: {  	s1 =	simm.s32 @p1 $0x0;
	s28 =	sshll.u32 s20, $0x7;
	p0 =	sgt.s32 s20, $0x7F  }
0x55: {  	s18 =	smul.u32 s0, s1;
	s0 =	ssub.s32 $0x4000, s28;
	s1 =	sadd.s32 $0x1, s12  }
0x56: {  	s20 =	sadd.s32 $0x1, s10;
	s0 =	simm.s32 @p0 $0x0;
	p0 =	slt.s32 s1, $0x8  }
0x57: {  	s1 =	simm.s32 @!p0 $0x8;
	p0 =	slt.s32 s20, $0xE0  }
0x58: {  	s21 =	ssub.s32 s1, s12;
	s20 =	simm.s32 @!p0 $0xE0;
	s1 =	sadd.s32 $0x80, s8  }
0x59: {  	s22 =	ssub.s32 s20, s10;
	p1 =	slt.s32 s1, $0xE0;
	p0 =	slt.s32 s21, $0x1  }
0x5a: {  	s1 =	simm.s32 @!p1 $0xE0;
	p1 =	slt.s32 @!p0 s22, $0x1  }
0x5b: {  	s23 =	ssub.s32 s1, s8;
	p1 =	por p0, p1  }
0x5c: {  	p2 =	slt.s32 @!p1 s23, $0x1  }
0x5d: {  	s0 =	smul.u32 s18, s0;
	p1 =	por p1, p2  }
.Ltmp3:
0x5e: {  	_ = 	snop;
	(pc) =	sbr.rel @p1 .LBB1_9-.Ltmp3, $4  }
0x5f: {  	s2 =	simm.s32 $0x1;
	s29 =	sand.u32 $0x3FFFFF80, s0;
	s0 =	sand.u32 $0x1, s9  }
0x60: {  	_ =	swait.ge [sflag:s2], s29;
	s31 =	smul.u32 $0x4080, s0  }
0x61: {  	s30 =	ssub.s32 $0x0, s29;
	[sflag:s2] =	ssyncset.done $0x0  }
0x62: {  	[sflag:s2] =	ssyncadd.s32 s30;
	[dreg:$0x6] =	wrdreg s31  }
0x63: {  	s24 =	sshll.u32 @!p0 s0, $0xE;
	s0 =	rddreg [dreg:$0x6]  }
0x64: {  	s26 =	simm.s32 $0x0;
	s25 =	sor.u32 @!p0 $0x8000, s0  }
.LBB1_4:
0x65: {  	s27 =	simm.s32 $0x0  }
.LBB1_5:
0x66: {  	s0 =	sadd.s32 s26, s27  }
0x67: {  	s1 =	sshll.u32 s0, $0x10  }
0x68: {  	s1 =	sshra.s32 s1, $0x2  }
0x69: {  	s1 =	sadd.s32 s1, s24  }
0x6a: {  	s29 =	simm.s32 $0x0;
	s7 =	simm.s32 $0x0;
	s0 =	smul.u32 $0x10200, s0;
	v0 =	vmov s1  }
0x6b: {  	s31 =	simm.s32 $0x10;
	s4 =	simm.s32 $0x30;
	s3 =	simm.s32 $0x50  }
0x6c: {  	s31 =	sand.u32 $0x78, s31;
	s4 =	sand.u32 $0x78, s4;
	s0 =	sshra.s32 s0, $0x2  }
0x6d: {  	s31 =	smul.u32 $0x204, s31;
	s28 =	sadd.s32 s0, s25;
	s0 =	sand.u32 $0x78, s7  }
0x6e: {  	s4 =	smul.u32 $0x204, s4;
	s1 =	sand.u32 $0x3F80, s29;
	s2 =	sxor.u32 $0x40, s0  }
0x6f: {  	s30 =	simm.s32 $0x1;
	s3 =	sand.u32 $0x78, s3;
	s2 =	smul.u32 $0x204, s2;
	v1 =	vld.idx.msk [tilespmem:v0+s1+$0x40 ss:$0x1], $0xffff  }
0x70: {  	p0 =	sne.s32 s23, $0x1;
	s5 =	sand.u32 $0x7F, s29;
	s3 =	smul.u32 $0x204, s3  }
0x71: {  	s7 =	simm.s32 $0x20;
	s0 =	smul.u32 $0x204, s0;
	s2 =	sshrl.u32 s2, $0x2;
	v2 =	vld.idx.msk [tilespmem:v0+s1+$0x0 ss:$0x1], $0xffff  }
0x72: {  	s31 =	sshrl.u32 s31, $0x2;
	s7 =	sand.u32 $0x78, s7;
	v3 =	vld.idx.msk [tilespmem:v0+s1+$0x10 ss:$0x1], $0xffff;
	s2 =	sadd.s32 s2, s28  }
0x73: {  	s7 =	smul.u32 $0x204, s7;
	s0 =	sshrl.u32 s0, $0x2;
	v4 =	vld.idx.msk [tilespmem:v0+s1+$0x20 ss:$0x1], $0xffff;
	s2 =	sadd.s32 s5, s2  }
.Ltmp4:
0x74: {  	s4 =	sshrl.u32 s4, $0x2;
	s0 =	sadd.s32 s0, s28;
	[tilespmem:s2+$0x0 ss:$0x81] =	vst.msk $0xffff, v1;
	v1 =	vld.idx.msk [tilespmem:v0+s1+$0x30 ss:$0x1], $0xffff;
	(pc) =	sbr.rel @!p0 .LBB1_7-.Ltmp4, $4  }
0x75: {  	s20 =	sadd.s32 s31, s28;
	s7 =	sshrl.u32 s7, $0x2;
	s0 =	sadd.s32 s5, s0  }
0x76: {  	s3 =	sshrl.u32 s3, $0x2;
	s7 =	sadd.s32 s7, s28;
	[tilespmem:s0+$0x0 ss:$0x81] =	vst.msk $0xffff, v2;
	s2 =	sadd.s32 s5, s20;
	v2 =	vld.idx.msk [tilespmem:v0+s1+$0x50 ss:$0x1], $0xffff  }
0x77: {  	s6 =	sadd.s32 s4, s28;
	s20 =	sadd.s32 s5, s7;
	[tilespmem:s2+$0x0 ss:$0x81] =	vst.msk $0xffff, v3;
	s2 =	sadd.s32 s3, s28  }
0x78: {  	s31 =	simm.s32 $0x2808;
	s1 =	sadd.s32 s5, s6;
	[tilespmem:s20+$0x0 ss:$0x81] =	vst.msk $0xffff, v4;
	s0 =	sadd.s32 s5, s2  }
.LBB1_6:
0x79: {  	s2 =	sadd.s32 $0xFFFFD800, s31;
	s3 =	sadd.s32 $0xFFFFE000, s31;
	[tilespmem:s1+$0x0 ss:$0x81] =	vst.msk $0xffff, v1;
	s1 =	smov.u32 s30  }
0x7a: {  	s30 =	sadd.s32 $0x1, s30;
	s29 =	sadd.s32 $0x80, s29;
	s4 =	sadd.s32 $0xFFFFE800, s31  }
0x7b: {  	s5 =	sadd.s32 $0xFFFFF000, s31;
	s2 =	sshrl.u32 s2, $0x7;
	p0 =	sne.s32 s23, s30;
	[tilespmem:s0+$0x0 ss:$0x81] =	vst.msk $0xffff, v2  }
0x7c: {  	s6 =	sshrl.u32 s31, $0x7;
	s0 =	sand.u32 $0x3F80, s29;
	s2 =	sand.u32 $0x78, s2  }
0x7d: {  	s3 =	sshrl.u32 s3, $0x7;
	s4 =	sshrl.u32 s4, $0x7;
	v3 =	vld.idx.msk [tilespmem:v0+s0+$0x40 ss:$0x1], $0xffff;
	s7 =	sxor.u32 $0x40, s2  }
0x7e: {  	s5 =	sshrl.u32 s5, $0x7;
	s6 =	sand.u32 $0x78, s6;
	v4 =	vld.idx.msk [tilespmem:v0+s0+$0x0 ss:$0x1], $0xffff;
	s7 =	smul.u32 $0x204, s7  }
0x7f: {  	s20 =	sand.u32 $0x7F, s1;
	s3 =	sand.u32 $0x78, s3;
	s4 =	sand.u32 $0x78, s4;
	v5 =	vld.idx.msk [tilespmem:v0+s0+$0x10 ss:$0x1], $0xffff  }
0x80: {  	s5 =	sand.u32 $0x78, s5;
	s1 =	smul.u32 $0x204, s2;
	v6 =	vld.idx.msk [tilespmem:v0+s0+$0x20 ss:$0x1], $0xffff;
	s7 =	sshrl.u32 s7, $0x2  }
0x81: {  	s3 =	smul.u32 $0x204, s3;
	v1 =	vld.idx.msk [tilespmem:v0+s0+$0x30 ss:$0x1], $0xffff;
	s2 =	sadd.s32 s7, s28  }
0x82: {  	s2 =	sadd.s32 s20, s2;
	v2 =	vld.idx.msk [tilespmem:v0+s0+$0x50 ss:$0x1], $0xffff;
	s0 =	sshrl.u32 s1, $0x2;
	s1 =	smul.u32 $0x204, s4  }
0x83: {  	s4 =	smul.u32 $0x204, s6;
	[tilespmem:s2+$0x0 ss:$0x81] =	vst.msk $0xffff, v3  }
0x84: {  	s0 =	sadd.s32 s0, s28;
	s2 =	sshrl.u32 s3, $0x2;
	s3 =	smul.u32 $0x204, s5  }
.Ltmp5:
0x85: {  	s2 =	sadd.s32 s2, s28;
	s1 =	sshrl.u32 s1, $0x2;
	(pc) =	sbr.rel @p0 .LBB1_6-.Ltmp5, $4  }
0x86: {  	s0 =	sadd.s32 s20, s0;
	s1 =	sadd.s32 s1, s28;
	s3 =	sshrl.u32 s3, $0x2  }
0x87: {  	[tilespmem:s0+$0x0 ss:$0x81] =	vst.msk $0xffff, v4;
	s0 =	sadd.s32 s20, s2;
	s2 =	sadd.s32 s3, s28;
	s3 =	sshrl.u32 s4, $0x2  }
0x88: {  	[tilespmem:s0+$0x0 ss:$0x81] =	vst.msk $0xffff, v5;
	s0 =	sadd.s32 s20, s1;
	s1 =	sadd.s32 s20, s2;
	s2 =	sadd.s32 s3, s28  }
0x89: {  	s31 =	sadd.s32 $0x8, s31;
	[tilespmem:s0+$0x0 ss:$0x81] =	vst.msk $0xffff, v6;
	s0 =	sadd.s32 s20, s2  }
.LBB1_7:
0x8a: {  	s27 =	sadd.s32 $0x1, s27  }
0x8b: {  	p0 =	sne.s32 s27, s22  }
.Ltmp6:
0x8c: {  	_ = 	snop;
	(pc) =	sbr.rel @p0 .LBB1_5-.Ltmp6, $3  }
0x8d: {  	_ =	sdelay $0x1  }
0x8e: {  	[tilespmem:s1+$0x0 ss:$0x81] =	vst.msk $0xffff, v1  }
0x8f: {  	[tilespmem:s0+$0x0 ss:$0x81] =	vst.msk $0xffff, v2  }
0x90: {  	s26 =	sadd.s32 $0x1, s26  }
0x91: {  	p0 =	sne.s32 s26, s21  }
.Ltmp7:
0x92: {  	_ = 	snop;
	(pc) =	sbr.rel @p0 .LBB1_4-.Ltmp7, $4  }
.Ltmp8:
0x93: {  	_ = 	snop;
	(pc) =	sbr.rel @!p0 .LBB1_9-.Ltmp8, $4  }
0x94: {  	_ = 	snop  }
0x95: {  	_ = 	snop  }
0x96: {  	_ = 	snop  }
0x97: {  	_ = 	snop  }
.LBB1_11:
0x98: {  	_ =	sfence.sel $0x180000  }
0x99: {  	s0 =	simm.s32 $0x1;
	[bflag:$0x0] =	sbarrier.arrive $0xFFFF  }
0x9a: {  	s30 =	simm.s32 $0x2;
	[sflag:s0] =	ssyncpa.u1 $0x1  }
0x9b: {  	[sflag:s30] =	ssyncpa.u1 $0x1  }
0x9c: {  	_ =	strace $0x9000004A  }
0x9d: {  	s31 =	stileid.u32;
	[bflag:$0x2] =	sbarrier.arrive $0xFFFF  }
0x9e: {  	p0 =	sne.s32 s31, $0x0;
	s0 =	rddreg [dreg:$0x2]  }
0x9f: {  	s0 =	sadd.s32 @!p0 $0x100000, s0  }
0xa0: {  	[sflag:s0] =	ssyncadd.tile.s32 @!p0 $0x1;
	_ =	shalt  }
.Lfunc_end1:
_tile_overlayer_lowered:
.L_overlay_start_2:
0xa1: {  	(tag) =	ssettag $0x2  }
0xa2: {  	s0 =	rddreg [dreg:$0x0];
	s2 =	stileid.u32  }
0xa3: {  	s1 =	rddreg [dreg:$0x1];
	p0 =	sne.s32 s2, $0x0  }
0xa4: {  	s3 =	rddreg [dreg:$0x2];
	[bflag:$0x3] =	sbarrier.arrive $0xFFFF;
	s2 =	simm.s32 @!p0 $0x1C01  }
0xa5: {  	[timem:s3], [sflag:s2] =	dma.local @!p0 [hbm:s0], s1  }
0xa6: {  	s0 =	simm.s32 @!p0 $0x1  }
0xa7: {  	_ =	swait.ge @!p0 [sflag:s0], s1  }
0xa8: {  	s1 =	ssub.s32 @!p0 $0x0, s1;
	[sflag:s0] =	ssyncset.done @!p0 $0x0  }
0xa9: {  	[sflag:s0] =	ssyncadd.s32 @!p0 s1  }
0xaa: {  	[bflag:$0x3] =	sbarrier.arrive $0xFFFF  }
0xab: {  	_ =	shalt  }

</sc_bundles>
